<compile_context>
chip_gen: v7x
topology: tpu7x:2x2x1
jax: 0.10.2.dev20260603
libtpu: 0.0.44.dev20260713+nightly
codegen_flags: <defaults>
</compile_context>

<pallas_src>
import functools

import jax
import jax.numpy as jnp
from jax import lax
from jax.experimental import pallas as pl
from jax.experimental.pallas import tpu as pltpu
from jax.experimental.pallas import tpu_sc as plsc

N = 10000
D = 128
E = 320000

NPAD = 10240
HALF = NPAD // 2
NC, NS = 2, 16
NW = NC * NS
CHUNK = 128
CPW = 80
EPW = CPW * CHUNK
EPAD = NW * EPW
GROUP = 4
NGROUP = CPW // GROUP
TOTCHUNKS = EPAD // CHUNK
CPWA = TOTCHUNKS // NW
RSTAGE = 80
NDUMP = 128
ACC_ROWS = HALF + NDUMP
RPT = HALF // NS

_mesh = plsc.VectorSubcoreMesh(
    core_axis_name="c", subcore_axis_name="s", num_cores=NC)
_mesh1 = plsc.VectorSubcoreMesh(
    core_axis_name="c", subcore_axis_name="s", num_cores=1)

_F32 = jnp.float32


@functools.partial(
    pl.kernel,
    out_type=(
        jax.ShapeDtypeStruct((HALF, D), _F32),
        jax.ShapeDtypeStruct((HALF, D), _F32),
    ),
    mesh=_mesh,
    scratch_types=[
        pltpu.VMEM((RSTAGE, CHUNK), jnp.int32),
        pltpu.VMEM((RSTAGE, CHUNK), jnp.int32),
        pltpu.VMEM((GROUP * CHUNK, D), _F32),
        pltpu.VMEM_SHARED((ACC_ROWS, D), _F32),
        pltpu.SemaphoreType.DMA,
        pltpu.SemaphoreType.DMA,
    ],
)
def _sc_agg(g_hbm, src_hbm, dst_hbm, out0, out1,
            srcbuf, dstbuf, rows, acc_sh, gsem, ssem):
    c = lax.axis_index("c")
    s = lax.axis_index("s")
    base = s * RPT
    chunk0 = (s * NC + c) * CPWA

    def _zrow(i, carry):
        for j in range(D // 16):
            rows[i, pl.ds(j * 16, 16)] = jnp.zeros((16,), _F32)
        return carry
    lax.fori_loop(0, GROUP * CHUNK, _zrow, 0)

    pltpu.sync_copy(rows.at[pl.ds(0, RPT)], acc_sh.at[pl.ds(base, RPT)])

    @pl.when(s == NS - 1)
    def _():
        pltpu.sync_copy(rows.at[pl.ds(0, ACC_ROWS - HALF)],
                        acc_sh.at[pl.ds(HALF, ACC_ROWS - HALF)])
    plsc.subcore_barrier()

    def _round(r, carry):
        rbase = chunk0 + r * RSTAGE
        pltpu.sync_copy(src_hbm.at[pl.ds(rbase, RSTAGE)], srcbuf)
        pltpu.sync_copy(dst_hbm.at[pl.ds(rbase, RSTAGE)], dstbuf)

        def _group(gi, carry2):
            gathers = []
            for b in range(GROUP):
                gathers.append(pltpu.async_copy(
                    g_hbm.at[srcbuf.at[gi * GROUP + b]],
                    rows.at[pl.ds(b * CHUNK, CHUNK)], gsem))
            scatters = []
            for b in range(GROUP):
                gathers[b].wait()
                scatters.append(pltpu.async_copy(
                    rows.at[pl.ds(b * CHUNK, CHUNK)],
                    acc_sh.at[dstbuf.at[gi * GROUP + b]], ssem, add=True))
            for b in range(GROUP):
                scatters[b].wait()
            return carry2
        lax.fori_loop(0, RSTAGE // GROUP, _group, 0)
        return carry
    lax.fori_loop(0, CPWA // RSTAGE, _round, 0)
    plsc.subcore_barrier()

    pltpu.sync_copy(acc_sh.at[pl.ds(base, RPT)], rows.at[pl.ds(0, RPT)])

    @pl.when(c == 0)
    def _():
        pltpu.sync_copy(rows.at[pl.ds(0, RPT)], out0.at[pl.ds(base, RPT)])

    @pl.when(c == 1)
    def _():
        pltpu.sync_copy(rows.at[pl.ds(0, RPT)], out1.at[pl.ds(base, RPT)])


@functools.partial(
    pl.kernel,
    out_type=(
        jax.ShapeDtypeStruct((HALF, D), _F32),
        jax.ShapeDtypeStruct((HALF, D), _F32),
    ),
    mesh=_mesh,
    scratch_types=[
        pltpu.VMEM((CPW, CHUNK), jnp.int32),
        pltpu.VMEM((CHUNK, D), _F32),
        pltpu.VMEM((RPT, D), _F32),
        pltpu.VMEM_SHARED((ACC_ROWS, D), _F32),
        pltpu.SemaphoreType.DMA,
    ],
)
def _sc_deg(dst_hbm, deg0, deg1, dstbuf, ones_v, zrows, dacc_sh, sem):
    c = lax.axis_index("c")
    s = lax.axis_index("s")
    wid = s * NC + c
    base = s * RPT

    def _fill1(i, carry):
        for j in range(D // 16):
            ones_v[i, pl.ds(j * 16, 16)] = jnp.ones((16,), _F32)
        return carry
    lax.fori_loop(0, CHUNK, _fill1, 0)

    def _fill0(i, carry):
        for j in range(D // 16):
            zrows[i, pl.ds(j * 16, 16)] = jnp.zeros((16,), _F32)
        return carry
    lax.fori_loop(0, RPT, _fill0, 0)

    pltpu.sync_copy(dst_hbm.at[pl.ds(wid * CPW, CPW)], dstbuf)
    pltpu.sync_copy(zrows.at[pl.ds(0, RPT)], dacc_sh.at[pl.ds(base, RPT)])

    @pl.when(s == NS - 1)
    def _():
        pltpu.sync_copy(zrows.at[pl.ds(0, ACC_ROWS - HALF)],
                        dacc_sh.at[pl.ds(HALF, ACC_ROWS - HALF)])
    plsc.subcore_barrier()

    def _body(j, carry):
        pltpu.sync_copy(ones_v, dacc_sh.at[dstbuf.at[j]], add=True)
        return carry
    lax.fori_loop(0, CPW, _body, 0)
    plsc.subcore_barrier()

    pltpu.sync_copy(dacc_sh.at[pl.ds(base, RPT)], zrows.at[pl.ds(0, RPT)])

    @pl.when(c == 0)
    def _():
        pltpu.sync_copy(zrows.at[pl.ds(0, RPT)], deg0.at[pl.ds(base, RPT)])

    @pl.when(c == 1)
    def _():
        pltpu.sync_copy(zrows.at[pl.ds(0, RPT)], deg1.at[pl.ds(base, RPT)])



BM = 256


def _dinv(da_ref, db_ref):
    deg = da_ref[:, 0:1] + db_ref[:, 0:1] + 1.0
    return lax.rsqrt(deg)


def _mm1_body(x_ref, w_ref, da_ref, db_ref, g_ref):
    dinv = _dinv(da_ref, db_ref)
    h = jnp.dot(x_ref[...], w_ref[...], preferred_element_type=_F32)
    g_ref[...] = h * dinv


def _mm2_body(a0_ref, a1_ref, g_ref, da_ref, db_ref, b_ref, o_ref):
    dinv = _dinv(da_ref, db_ref)
    y = dinv * (a0_ref[...] + a1_ref[...] + g_ref[...]) + b_ref[...]
    o_ref[...] = jnp.maximum(y, 0.0)


def _row_spec(i):
    return (i, 0)


def _rep_spec(i):
    return (0, 0)


def _mm1(x_pad, W, degA, degB):
    return pl.pallas_call(
        _mm1_body,
        grid=(NPAD // BM,),
        in_specs=[
            pl.BlockSpec((BM, D), _row_spec),
            pl.BlockSpec((D, D), _rep_spec),
            pl.BlockSpec((BM, D), _row_spec),
            pl.BlockSpec((BM, D), _row_spec),
        ],
        out_specs=pl.BlockSpec((BM, D), _row_spec),
        out_shape=jax.ShapeDtypeStruct((NPAD, D), _F32),
    )(x_pad, W, degA, degB)


def _mm2(a0, a1, g, degA, degB, b):
    return pl.pallas_call(
        _mm2_body,
        grid=(NPAD // BM,),
        in_specs=[
            pl.BlockSpec((BM, D), _row_spec),
            pl.BlockSpec((BM, D), _row_spec),
            pl.BlockSpec((BM, D), _row_spec),
            pl.BlockSpec((BM, D), _row_spec),
            pl.BlockSpec((BM, D), _row_spec),
            pl.BlockSpec((1, D), _rep_spec),
        ],
        out_specs=pl.BlockSpec((BM, D), _row_spec),
        out_shape=jax.ShapeDtypeStruct((NPAD, D), _F32),
    )(a0, a1, g, degA, degB, b)


def kernel(x, edge_index, W1, b1, W2, b2):
    src = edge_index[0].astype(jnp.int32)
    dst = edge_index[1].astype(jnp.int32)
    pad = EPAD - E
    srcf = jnp.concatenate([src, jnp.full((pad,), N, jnp.int32)])
    dstf = jnp.concatenate([dst, jnp.full((pad,), N, jnp.int32)])
    src_p = srcf.reshape(TOTCHUNKS, CHUNK)
    dump = HALF + (jnp.arange(EPAD, dtype=jnp.int32) % NDUMP)
    dst_h0 = jnp.where(dstf < HALF, dstf, dump).reshape(TOTCHUNKS, CHUNK)
    dst_h1 = jnp.where(dstf >= HALF, dstf - HALF, dump).reshape(TOTCHUNKS, CHUNK)
    x_pad = jnp.pad(x, ((0, NPAD - N), (0, 0)))
    W_stack = jnp.stack([W1, W2])
    b_stack = jnp.stack([b1.reshape(1, D), b2.reshape(1, D)])

    d00, d10 = _sc_deg(dst_h0)
    d01, d11 = _sc_deg(dst_h1)
    degA = jnp.concatenate([d00, d01])
    degB = jnp.concatenate([d10, d11])

    def _layer(inp, Wb):
        W, b = Wb
        g = _mm1(inp, W, degA, degB)
        p00, p10 = _sc_agg(g, src_p, dst_h0)
        p01, p11 = _sc_agg(g, src_p, dst_h1)
        a0 = jnp.concatenate([p00, p01])
        a1 = jnp.concatenate([p10, p11])
        y = _mm2(a0, a1, g, degA, degB, b)
        return y, None

    out, _ = lax.scan(_layer, x_pad, (W_stack, b_stack))
    return out[:N]

# --- scband reference (transcript-rebuilt; emitter-appended) ---
"""Pipeline reference for scband-gnnnet-36515811951272 (READ-ONLY COPY).

The authoritative reference and input builder live on the scoring server;
editing this copy changes nothing except your own understanding.
"""

import jax, jax.numpy as jnp
import numpy as np

N_NODES = 10000
D_IN = 128
D_HID = 128
N_EDGES = 320000


def setup_inputs(seed: int = 0) -> dict:
    key = jax.random.key(seed)
    k_x, k_e, k_w1, k_b1, k_w2, k_b2 = jax.random.split(key, 6)
    x = jax.random.normal(k_x, (N_NODES, D_IN), dtype=jnp.float32)
    edge_index = jax.random.randint(k_e, (2, N_EDGES), 0, N_NODES, dtype=jnp.int64)
    # Glorot-style init for GCN weight matrices, zeros for biases (torch_geometric default)
    s1 = float(np.sqrt(6.0 / (D_IN + D_HID)))
    W1 = jax.random.uniform(k_w1, (D_IN, D_HID), dtype=jnp.float32, minval=-s1, maxval=s1)
    b1 = jnp.zeros((D_HID,), dtype=jnp.float32)
    s2 = float(np.sqrt(6.0 / (D_HID + D_HID)))
    W2 = jax.random.uniform(k_w2, (D_HID, D_HID), dtype=jnp.float32, minval=-s2, maxval=s2)
    b2 = jnp.zeros((D_HID,), dtype=jnp.float32)
    return {"x": x, "edge_index": edge_index, "W1": W1, "b1": b1, "W2": W2, "b2": b2}


def _gcn_conv(x, src, dst, W, b, num_nodes):
    # x' = D^{-1/2} (A + I) D^{-1/2} X W + b   (torch_geometric GCNConv semantics)
    h = x @ W
    deg = jnp.zeros((num_nodes,), dtype=h.dtype).at[dst].add(1.0)
    dinv = jnp.where(deg > 0, jax.lax.rsqrt(jnp.maximum(deg, 1e-12)), 0.0)
    norm = dinv[src] * dinv[dst]
    msg = h[src] * norm[:, None]
    out = jnp.zeros_like(h).at[dst].add(msg)
    return out + b


def reference(x, edge_index, W1, b1, W2, b2):
    num_nodes = x.shape[0]
    loop = jnp.arange(num_nodes, dtype=edge_index.dtype)
    src = jnp.concatenate([edge_index[0], loop])
    dst = jnp.concatenate([edge_index[1], loop])
    h = jax.nn.relu(_gcn_conv(x, src, dst, W1, b1, num_nodes))
    h = jax.nn.relu(_gcn_conv(h, src, dst, W2, b2, num_nodes))
    return h

if __name__ == "__main__":
    import jax
    _d = setup_inputs()
    print(jax.jit(kernel)(*tuple(_d.values())))

</pallas_src>

<mosaic_0001>
#map = affine_map<(d0, d1) -> (0, 0)>
module attributes {stable_mosaic.version = 14 : i64} {
  func.func @_sc_agg(%arg0: i32, %arg1: i32, %arg2: memref<10240x128xf32, #tpu.memory_space<hbm>>, %arg3: memref<2560x128xi32, #tpu.memory_space<hbm>>, %arg4: memref<2560x128xi32, #tpu.memory_space<hbm>>, %arg5: memref<5120x128xf32, #tpu.memory_space<hbm>>, %arg6: memref<5120x128xf32, #tpu.memory_space<hbm>>, %arg7: memref<80x128xi32, #tpu.memory_space<vmem>>, %arg8: memref<80x128xi32, #tpu.memory_space<vmem>>, %arg9: memref<512x128xf32, #tpu.memory_space<vmem>>, %arg10: memref<5248x128xf32, #tpu.memory_space<vmem_shared>>, %arg11: memref<!tpu.dma_semaphore, #tpu.memory_space<semaphore_mem>>, %arg12: memref<!tpu.dma_semaphore, #tpu.memory_space<semaphore_mem>>) attributes {dimension_semantics = [#tpu.dimension_semantics<core_parallel>, #tpu.dimension_semantics<subcore_parallel>], iteration_bounds = array<i64: 2, 16>, scalar_prefetch = 0 : i64, scratch_operands = 6 : i64, tpu.core_type = #tpu.core_type<sc_vector_subcore>, window_params = [{transform_indices = #map}, {transform_indices = #map}, {transform_indices = #map}, {transform_indices = #map}, {transform_indices = #map}]} {
    %mul3A = arith.constant 320 : i32
    %mul3A_0 = arith.muli %arg1, %mul3A : i32
    %mul3A_1 = arith.constant 2 : i32
    %mul3A_2 = arith.muli %arg1, %mul3A_1 : i32
    %add3A = arith.addi %mul3A_2, %arg0 : i32
    %mul3A_3 = arith.constant 80 : i32
    %mul3A_4 = arith.muli %add3A, %mul3A_3 : i32
    %scan3A = arith.constant 0 : i32
    %scan3A_5 = arith.constant 0 : i32
    %scan3A_6 = arith.constant 512 : i32
    %scan3A_7 = arith.addi %scan3A_5, %scan3A_6 : i32
    %scan3A_8 = arith.constant 1 : i32
    scf.for %scan3A_35 = %scan3A_5 to %scan3A_7 step %scan3A_8  : i32 {
      %broadcast_in_dim3A = arith.constant 0.000000e+00 : f32
      %broadcast_in_dim3A_36 = vector.broadcast %broadcast_in_dim3A : f32 to vector<16xf32>
      %swap3A = arith.index_cast %scan3A_35 : i32 to index
      %swap3A_37 = arith.constant 0 : index
      %swap3A_38 = tpu.vector_load %arg9[%swap3A, %swap3A_37] {strides = array<i32>} : memref<512x128xf32, #tpu.memory_space<vmem>>, vector<1x16xf32>,
      %swap3A_39 = vector.shape_cast %swap3A_38 : vector<1x16xf32> to vector<16xf32>
      %swap3A_40 = vector.shape_cast %broadcast_in_dim3A_36 : vector<16xf32> to vector<1x16xf32>
      tpu.vector_store %arg9[%swap3A, %swap3A_37], %swap3A_40 {strides = array<i32>} : memref<512x128xf32, #tpu.memory_space<vmem>>, vector<1x16xf32>,
      %broadcast_in_dim3A_41 = arith.constant 0.000000e+00 : f32
      %broadcast_in_dim3A_42 = vector.broadcast %broadcast_in_dim3A_41 : f32 to vector<16xf32>
      %swap3A_43 = arith.index_cast %scan3A_35 : i32 to index
      %swap3A_44 = arith.constant 16 : index
      %swap3A_45 = tpu.vector_load %arg9[%swap3A_43, %swap3A_44] {strides = array<i32>} : memref<512x128xf32, #tpu.memory_space<vmem>>, vector<1x16xf32>,
      %swap3A_46 = vector.shape_cast %swap3A_45 : vector<1x16xf32> to vector<16xf32>
      %swap3A_47 = vector.shape_cast %broadcast_in_dim3A_42 : vector<16xf32> to vector<1x16xf32>
      tpu.vector_store %arg9[%swap3A_43, %swap3A_44], %swap3A_47 {strides = array<i32>} : memref<512x128xf32, #tpu.memory_space<vmem>>, vector<1x16xf32>,
      %broadcast_in_dim3A_48 = arith.constant 0.000000e+00 : f32
      %broadcast_in_dim3A_49 = vector.broadcast %broadcast_in_dim3A_48 : f32 to vector<16xf32>
      %swap3A_50 = arith.index_cast %scan3A_35 : i32 to index
      %swap3A_51 = arith.constant 32 : index
      %swap3A_52 = tpu.vector_load %arg9[%swap3A_50, %swap3A_51] {strides = array<i32>} : memref<512x128xf32, #tpu.memory_space<vmem>>, vector<1x16xf32>,
      %swap3A_53 = vector.shape_cast %swap3A_52 : vector<1x16xf32> to vector<16xf32>
      %swap3A_54 = vector.shape_cast %broadcast_in_dim3A_49 : vector<16xf32> to vector<1x16xf32>
      tpu.vector_store %arg9[%swap3A_50, %swap3A_51], %swap3A_54 {strides = array<i32>} : memref<512x128xf32, #tpu.memory_space<vmem>>, vector<1x16xf32>,
      %broadcast_in_dim3A_55 = arith.constant 0.000000e+00 : f32
      %broadcast_in_dim3A_56 = vector.broadcast %broadcast_in_dim3A_55 : f32 to vector<16xf32>
      %swap3A_57 = arith.index_cast %scan3A_35 : i32 to index
      %swap3A_58 = arith.constant 48 : index
      %swap3A_59 = tpu.vector_load %arg9[%swap3A_57, %swap3A_58] {strides = array<i32>} : memref<512x128xf32, #tpu.memory_space<vmem>>, vector<1x16xf32>,
      %swap3A_60 = vector.shape_cast %swap3A_59 : vector<1x16xf32> to vector<16xf32>
      %swap3A_61 = vector.shape_cast %broadcast_in_dim3A_56 : vector<16xf32> to vector<1x16xf32>
      tpu.vector_store %arg9[%swap3A_57, %swap3A_58], %swap3A_61 {strides = array<i32>} : memref<512x128xf32, #tpu.memory_space<vmem>>, vector<1x16xf32>,
      %broadcast_in_dim3A_62 = arith.constant 0.000000e+00 : f32
      %broadcast_in_dim3A_63 = vector.broadcast %broadcast_in_dim3A_62 : f32 to vector<16xf32>
      %swap3A_64 = arith.index_cast %scan3A_35 : i32 to index
      %swap3A_65 = arith.constant 64 : index
      %swap3A_66 = tpu.vector_load %arg9[%swap3A_64, %swap3A_65] {strides = array<i32>} : memref<512x128xf32, #tpu.memory_space<vmem>>, vector<1x16xf32>,
      %swap3A_67 = vector.shape_cast %swap3A_66 : vector<1x16xf32> to vector<16xf32>
      %swap3A_68 = vector.shape_cast %broadcast_in_dim3A_63 : vector<16xf32> to vector<1x16xf32>
      tpu.vector_store %arg9[%swap3A_64, %swap3A_65], %swap3A_68 {strides = array<i32>} : memref<512x128xf32, #tpu.memory_space<vmem>>, vector<1x16xf32>,
      %broadcast_in_dim3A_69 = arith.constant 0.000000e+00 : f32
      %broadcast_in_dim3A_70 = vector.broadcast %broadcast_in_dim3A_69 : f32 to vector<16xf32>
      %swap3A_71 = arith.index_cast %scan3A_35 : i32 to index
      %swap3A_72 = arith.constant 80 : index
      %swap3A_73 = tpu.vector_load %arg9[%swap3A_71, %swap3A_72] {strides = array<i32>} : memref<512x128xf32, #tpu.memory_space<vmem>>, vector<1x16xf32>,
      %swap3A_74 = vector.shape_cast %swap3A_73 : vector<1x16xf32> to vector<16xf32>
      %swap3A_75 = vector.shape_cast %broadcast_in_dim3A_70 : vector<16xf32> to vector<1x16xf32>
      tpu.vector_store %arg9[%swap3A_71, %swap3A_72], %swap3A_75 {strides = array<i32>} : memref<512x128xf32, #tpu.memory_space<vmem>>, vector<1x16xf32>,
      %broadcast_in_dim3A_76 = arith.constant 0.000000e+00 : f32
      %broadcast_in_dim3A_77 = vector.broadcast %broadcast_in_dim3A_76 : f32 to vector<16xf32>
      %swap3A_78 = arith.index_cast %scan3A_35 : i32 to index
      %swap3A_79 = arith.constant 96 : index
      %swap3A_80 = tpu.vector_load %arg9[%swap3A_78, %swap3A_79] {strides = array<i32>} : memref<512x128xf32, #tpu.memory_space<vmem>>, vector<1x16xf32>,
      %swap3A_81 = vector.shape_cast %swap3A_80 : vector<1x16xf32> to vector<16xf32>
      %swap3A_82 = vector.shape_cast %broadcast_in_dim3A_77 : vector<16xf32> to vector<1x16xf32>
      tpu.vector_store %arg9[%swap3A_78, %swap3A_79], %swap3A_82 {strides = array<i32>} : memref<512x128xf32, #tpu.memory_space<vmem>>, vector<1x16xf32>,
      %broadcast_in_dim3A_83 = arith.constant 0.000000e+00 : f32
      %broadcast_in_dim3A_84 = vector.broadcast %broadcast_in_dim3A_83 : f32 to vector<16xf32>
      %swap3A_85 = arith.index_cast %scan3A_35 : i32 to index
      %swap3A_86 = arith.constant 112 : index
      %swap3A_87 = tpu.vector_load %arg9[%swap3A_85, %swap3A_86] {strides = array<i32>} : memref<512x128xf32, #tpu.memory_space<vmem>>, vector<1x16xf32>,
      %swap3A_88 = vector.shape_cast %swap3A_87 : vector<1x16xf32> to vector<16xf32>
      %swap3A_89 = vector.shape_cast %broadcast_in_dim3A_84 : vector<16xf32> to vector<1x16xf32>
      tpu.vector_store %arg9[%swap3A_85, %swap3A_86], %swap3A_89 {strides = array<i32>} : memref<512x128xf32, #tpu.memory_space<vmem>>, vector<1x16xf32>,
    }
    %scan3A_9 = arith.constant 512 : i32
    "tpu.region"() ({
      %run_scoped3A = tpu.sem_alloc : memref<!tpu.dma_semaphore, #tpu.memory_space<semaphore_mem>>
      %dma_start3A = arith.constant 0 : i32
      %dma_start3A_35 = arith.constant 0 : i32
      %dma_start3A_36 = tpu.memref_slice %arg9[%dma_start3A, %dma_start3A_35] : memref<512x128xf32, #tpu.memory_space<vmem>> -> memref<320x128xf32, #tpu.memory_space<vmem>>
      %dma_start3A_37 = arith.constant 0 : i32
      %dma_start3A_38 = tpu.memref_slice %arg10[%mul3A_0, %dma_start3A_37] : memref<5248x128xf32, #tpu.memory_space<vmem_shared>> -> memref<320x128xf32, #tpu.memory_space<vmem_shared>>
      %dma_start3A_39 = arith.constant 0 : i32
      %dma_start3A_40 = tpu.memref_slice %arg10[%mul3A_0, %dma_start3A_39] : memref<5248x128xf32, #tpu.memory_space<vmem_shared>> -> memref<320x128xf32, #tpu.memory_space<vmem_shared>>
      %dma_start3A_41 = arith.constant 0 : i32
      %dma_start3A_42 = arith.constant 0 : i32
      %dma_start3A_43 = tpu.memref_slice %arg9[%dma_start3A_41, %dma_start3A_42] : memref<512x128xf32, #tpu.memory_space<vmem>> -> memref<320x128xf32, #tpu.memory_space<vmem>>
      tpu.enqueue_dma source(%dma_start3A_43 : memref<320x128xf32, #tpu.memory_space<vmem>>) target(%dma_start3A_40 : memref<320x128xf32, #tpu.memory_space<vmem_shared>>) target_semaphore(%run_scoped3A : memref<!tpu.dma_semaphore, #tpu.memory_space<semaphore_mem>>)
      %dma_wait3A = arith.constant 0 : i32
      %dma_wait3A_44 = arith.constant 0 : i32
      %dma_wait3A_45 = tpu.memref_slice %arg9[%dma_wait3A, %dma_wait3A_44] : memref<512x128xf32, #tpu.memory_space<vmem>> -> memref<320x128xf32, #tpu.memory_space<vmem>>
      %dma_wait3A_46 = arith.constant 0 : i32
      %dma_wait3A_47 = tpu.memref_slice %arg10[%mul3A_0, %dma_wait3A_46] : memref<5248x128xf32, #tpu.memory_space<vmem_shared>> -> memref<320x128xf32, #tpu.memory_space<vmem_shared>>
      %dma_wait3A_48 = arith.constant 0 : i32
      %dma_wait3A_49 = tpu.memref_slice %arg10[%mul3A_0, %dma_wait3A_48] : memref<5248x128xf32, #tpu.memory_space<vmem_shared>> -> memref<320x128xf32, #tpu.memory_space<vmem_shared>>
      %dma_wait3A_50 = arith.constant 0 : i32
      %dma_wait3A_51 = arith.constant 0 : i32
      %dma_wait3A_52 = tpu.memref_slice %arg9[%dma_wait3A_50, %dma_wait3A_51] : memref<512x128xf32, #tpu.memory_space<vmem>> -> memref<320x128xf32, #tpu.memory_space<vmem>>
      tpu.wait_dma2 semaphore(%run_scoped3A : memref<!tpu.dma_semaphore, #tpu.memory_space<semaphore_mem>>) src(%dma_wait3A_52 : memref<320x128xf32, #tpu.memory_space<vmem>>) dst(%dma_wait3A_49 : memref<320x128xf32, #tpu.memory_space<vmem_shared>>)
      tpu.yield
    }) : () -> ()
    %eq3A = arith.constant 15 : i32
    %eq3A_10 = arith.cmpi eq, %arg1, %eq3A : i32
    %convert_element_type3A = arith.extui %eq3A_10 : i1 to i32
    %cond3A = arith.constant 0 : i32
    %cond3A_11 = arith.cmpi ne, %convert_element_type3A, %cond3A : i32
    scf.if %cond3A_11 {
      "tpu.region"() ({
        %run_scoped3A = tpu.sem_alloc : memref<!tpu.dma_semaphore, #tpu.memory_space<semaphore_mem>>
        %dma_start3A = arith.constant 0 : i32
        %dma_start3A_35 = arith.constant 0 : i32
        %dma_start3A_36 = tpu.memref_slice %arg9[%dma_start3A, %dma_start3A_35] : memref<512x128xf32, #tpu.memory_space<vmem>> -> memref<128x128xf32, #tpu.memory_space<vmem>>
        %dma_start3A_37 = arith.constant 5120 : i32
        %dma_start3A_38 = arith.constant 0 : i32
        %dma_start3A_39 = tpu.memref_slice %arg10[%dma_start3A_37, %dma_start3A_38] : memref<5248x128xf32, #tpu.memory_space<vmem_shared>> -> memref<128x128xf32, #tpu.memory_space<vmem_shared>>
        %dma_start3A_40 = arith.constant 5120 : i32
        %dma_start3A_41 = arith.constant 0 : i32
        %dma_start3A_42 = tpu.memref_slice %arg10[%dma_start3A_40, %dma_start3A_41] : memref<5248x128xf32, #tpu.memory_space<vmem_shared>> -> memref<128x128xf32, #tpu.memory_space<vmem_shared>>
        %dma_start3A_43 = arith.constant 0 : i32
        %dma_start3A_44 = arith.constant 0 : i32
        %dma_start3A_45 = tpu.memref_slice %arg9[%dma_start3A_43, %dma_start3A_44] : memref<512x128xf32, #tpu.memory_space<vmem>> -> memref<128x128xf32, #tpu.memory_space<vmem>>
        tpu.enqueue_dma source(%dma_start3A_45 : memref<128x128xf32, #tpu.memory_space<vmem>>) target(%dma_start3A_42 : memref<128x128xf32, #tpu.memory_space<vmem_shared>>) target_semaphore(%run_scoped3A : memref<!tpu.dma_semaphore, #tpu.memory_space<semaphore_mem>>)
        %dma_wait3A = arith.constant 0 : i32
        %dma_wait3A_46 = arith.constant 0 : i32
        %dma_wait3A_47 = tpu.memref_slice %arg9[%dma_wait3A, %dma_wait3A_46] : memref<512x128xf32, #tpu.memory_space<vmem>> -> memref<128x128xf32, #tpu.memory_space<vmem>>
        %dma_wait3A_48 = arith.constant 5120 : i32
        %dma_wait3A_49 = arith.constant 0 : i32
        %dma_wait3A_50 = tpu.memref_slice %arg10[%dma_wait3A_48, %dma_wait3A_49] : memref<5248x128xf32, #tpu.memory_space<vmem_shared>> -> memref<128x128xf32, #tpu.memory_space<vmem_shared>>
        %dma_wait3A_51 = arith.constant 5120 : i32
        %dma_wait3A_52 = arith.constant 0 : i32
        %dma_wait3A_53 = tpu.memref_slice %arg10[%dma_wait3A_51, %dma_wait3A_52] : memref<5248x128xf32, #tpu.memory_space<vmem_shared>> -> memref<128x128xf32, #tpu.memory_space<vmem_shared>>
        %dma_wait3A_54 = arith.constant 0 : i32
        %dma_wait3A_55 = arith.constant 0 : i32
        %dma_wait3A_56 = tpu.memref_slice %arg9[%dma_wait3A_54, %dma_wait3A_55] : memref<512x128xf32, #tpu.memory_space<vmem>> -> memref<128x128xf32, #tpu.memory_space<vmem>>
        tpu.wait_dma2 semaphore(%run_scoped3A : memref<!tpu.dma_semaphore, #tpu.memory_space<semaphore_mem>>) src(%dma_wait3A_56 : memref<128x128xf32, #tpu.memory_space<vmem>>) dst(%dma_wait3A_53 : memref<128x128xf32, #tpu.memory_space<vmem_shared>>)
        tpu.yield
      }) : () -> ()
    } else {
    }
    %barrier3A = arith.constant 0 : index
    tpu.barrier barrier_id(%barrier3A)
    %scan3A_12 = arith.constant 0 : i32
    %scan3A_13 = arith.constant 0 : i32
    %mul3A_14 = arith.constant 80 : i32
    %mul3A_15 = arith.muli %scan3A_13, %mul3A_14 : i32
    %add3A_16 = arith.addi %mul3A_4, %mul3A_15 : i32
    "tpu.region"() ({
      %run_scoped3A = tpu.sem_alloc : memref<!tpu.dma_semaphore, #tpu.memory_space<semaphore_mem>>
      %dma_start3A = arith.constant 0 : i32
      %dma_start3A_35 = tpu.memref_slice %arg3[%add3A_16, %dma_start3A] : memref<2560x128xi32, #tpu.memory_space<hbm>> -> memref<80x128xi32, #tpu.memory_space<hbm>>
      %dma_start3A_36 = arith.constant 0 : i32
      %dma_start3A_37 = tpu.memref_slice %arg3[%add3A_16, %dma_start3A_36] : memref<2560x128xi32, #tpu.memory_space<hbm>> -> memref<80x128xi32, #tpu.memory_space<hbm>>
      tpu.enqueue_dma source(%dma_start3A_37 : memref<80x128xi32, #tpu.memory_space<hbm>>) target(%arg7 : memref<80x128xi32, #tpu.memory_space<vmem>>) target_semaphore(%run_scoped3A : memref<!tpu.dma_semaphore, #tpu.memory_space<semaphore_mem>>)
      %dma_wait3A = arith.constant 0 : i32
      %dma_wait3A_38 = tpu.memref_slice %arg3[%add3A_16, %dma_wait3A] : memref<2560x128xi32, #tpu.memory_space<hbm>> -> memref<80x128xi32, #tpu.memory_space<hbm>>
      %dma_wait3A_39 = arith.constant 0 : i32
      %dma_wait3A_40 = tpu.memref_slice %arg3[%add3A_16, %dma_wait3A_39] : memref<2560x128xi32, #tpu.memory_space<hbm>> -> memref<80x128xi32, #tpu.memory_space<hbm>>
      tpu.wait_dma2 semaphore(%run_scoped3A : memref<!tpu.dma_semaphore, #tpu.memory_space<semaphore_mem>>) src(%dma_wait3A_40 : memref<80x128xi32, #tpu.memory_space<hbm>>) dst(%arg7 : memref<80x128xi32, #tpu.memory_space<vmem>>)
      tpu.yield
    }) : () -> ()
    "tpu.region"() ({
      %run_scoped3A = tpu.sem_alloc : memref<!tpu.dma_semaphore, #tpu.memory_space<semaphore_mem>>
      %dma_start3A = arith.constant 0 : i32
      %dma_start3A_35 = tpu.memref_slice %arg4[%add3A_16, %dma_start3A] : memref<2560x128xi32, #tpu.memory_space<hbm>> -> memref<80x128xi32, #tpu.memory_space<hbm>>
      %dma_start3A_36 = arith.constant 0 : i32
      %dma_start3A_37 = tpu.memref_slice %arg4[%add3A_16, %dma_start3A_36] : memref<2560x128xi32, #tpu.memory_space<hbm>> -> memref<80x128xi32, #tpu.memory_space<hbm>>
      tpu.enqueue_dma source(%dma_start3A_37 : memref<80x128xi32, #tpu.memory_space<hbm>>) target(%arg8 : memref<80x128xi32, #tpu.memory_space<vmem>>) target_semaphore(%run_scoped3A : memref<!tpu.dma_semaphore, #tpu.memory_space<semaphore_mem>>)
      %dma_wait3A = arith.constant 0 : i32
      %dma_wait3A_38 = tpu.memref_slice %arg4[%add3A_16, %dma_wait3A] : memref<2560x128xi32, #tpu.memory_space<hbm>> -> memref<80x128xi32, #tpu.memory_space<hbm>>
      %dma_wait3A_39 = arith.constant 0 : i32
      %dma_wait3A_40 = tpu.memref_slice %arg4[%add3A_16, %dma_wait3A_39] : memref<2560x128xi32, #tpu.memory_space<hbm>> -> memref<80x128xi32, #tpu.memory_space<hbm>>
      tpu.wait_dma2 semaphore(%run_scoped3A : memref<!tpu.dma_semaphore, #tpu.memory_space<semaphore_mem>>) src(%dma_wait3A_40 : memref<80x128xi32, #tpu.memory_space<hbm>>) dst(%arg8 : memref<80x128xi32, #tpu.memory_space<vmem>>)
      tpu.yield
    }) : () -> ()
    %scan3A_17 = arith.constant 0 : i32
    %scan3A_18 = arith.constant 0 : i32
    %scan3A_19 = arith.constant 20 : i32
    %scan3A_20 = arith.addi %scan3A_18, %scan3A_19 : i32
    %scan3A_21 = arith.constant 1 : i32
    scf.for %scan3A_35 = %scan3A_18 to %scan3A_20 step %scan3A_21  : i32 {
      %mul3A_36 = arith.constant 4 : i32
      %mul3A_37 = arith.muli %scan3A_35, %mul3A_36 : i32
      %add3A_38 = arith.constant 0 : i32
      %add3A_39 = arith.addi %mul3A_37, %add3A_38 : i32
      %dma_start3A = arith.constant 0 : i32
      %dma_start3A_40 = arith.constant 0 : i32
      %dma_start3A_41 = tpu.memref_slice %arg9[%dma_start3A, %dma_start3A_40] : memref<512x128xf32, #tpu.memory_space<vmem>> -> memref<128x128xf32, #tpu.memory_space<vmem>>
      %dma_start3A_42 = arith.constant 0 : i32
      %dma_start3A_43 = tpu.memref_slice %arg7[%add3A_39, %dma_start3A_42] : memref<80x128xi32, #tpu.memory_space<vmem>> -> memref<1x128xi32, #tpu.memory_space<vmem>>
      %dma_start3A_44 = tpu.memref_squeeze %dma_start3A_43 : memref<1x128xi32, #tpu.memory_space<vmem>> -> memref<128xi32, #tpu.memory_space<vmem>>
      %dma_start3A_45 = arith.constant 0 : i32
      %dma_start3A_46 = arith.constant 0 : i32
      %dma_start3A_47 = tpu.memref_slice %arg2[%dma_start3A_45, %dma_start3A_46] : memref<10240x128xf32, #tpu.memory_space<hbm>> -> memref<10240x128xf32, #tpu.memory_space<hbm>>
      tpu.enqueue_indirect_dma source(%dma_start3A_47 : memref<10240x128xf32, #tpu.memory_space<hbm>>) target(%dma_start3A_41 : memref<128x128xf32, #tpu.memory_space<vmem>>) offsets(%dma_start3A_44 : memref<128xi32, #tpu.memory_space<vmem>>) semaphore(%arg11 : memref<!tpu.dma_semaphore, #tpu.memory_space<semaphore_mem>>)
      %mul3A_48 = arith.constant 4 : i32
      %mul3A_49 = arith.muli %scan3A_35, %mul3A_48 : i32
      %add3A_50 = arith.constant 1 : i32
      %add3A_51 = arith.addi %mul3A_49, %add3A_50 : i32
      %dma_start3A_52 = arith.constant 128 : i32
      %dma_start3A_53 = arith.constant 0 : i32
      %dma_start3A_54 = tpu.memref_slice %arg9[%dma_start3A_52, %dma_start3A_53] : memref<512x128xf32, #tpu.memory_space<vmem>> -> memref<128x128xf32, #tpu.memory_space<vmem>>
      %dma_start3A_55 = arith.constant 0 : i32
      %dma_start3A_56 = tpu.memref_slice %arg7[%add3A_51, %dma_start3A_55] : memref<80x128xi32, #tpu.memory_space<vmem>> -> memref<1x128xi32, #tpu.memory_space<vmem>>
      %dma_start3A_57 = tpu.memref_squeeze %dma_start3A_56 : memref<1x128xi32, #tpu.memory_space<vmem>> -> memref<128xi32, #tpu.memory_space<vmem>>
      %dma_start3A_58 = arith.constant 0 : i32
      %dma_start3A_59 = arith.constant 0 : i32
      %dma_start3A_60 = tpu.memref_slice %arg2[%dma_start3A_58, %dma_start3A_59] : memref<10240x128xf32, #tpu.memory_space<hbm>> -> memref<10240x128xf32, #tpu.memory_space<hbm>>
      tpu.enqueue_indirect_dma source(%dma_start3A_60 : memref<10240x128xf32, #tpu.memory_space<hbm>>) target(%dma_start3A_54 : memref<128x128xf32, #tpu.memory_space<vmem>>) offsets(%dma_start3A_57 : memref<128xi32, #tpu.memory_space<vmem>>) semaphore(%arg11 : memref<!tpu.dma_semaphore, #tpu.memory_space<semaphore_mem>>)
      %mul3A_61 = arith.constant 4 : i32
      %mul3A_62 = arith.muli %scan3A_35, %mul3A_61 : i32
      %add3A_63 = arith.constant 2 : i32
      %add3A_64 = arith.addi %mul3A_62, %add3A_63 : i32
      %dma_start3A_65 = arith.constant 256 : i32
      %dma_start3A_66 = arith.constant 0 : i32
      %dma_start3A_67 = tpu.memref_slice %arg9[%dma_start3A_65, %dma_start3A_66] : memref<512x128xf32, #tpu.memory_space<vmem>> -> memref<128x128xf32, #tpu.memory_space<vmem>>
      %dma_start3A_68 = arith.constant 0 : i32
      %dma_start3A_69 = tpu.memref_slice %arg7[%add3A_64, %dma_start3A_68] : memref<80x128xi32, #tpu.memory_space<vmem>> -> memref<1x128xi32, #tpu.memory_space<vmem>>
      %dma_start3A_70 = tpu.memref_squeeze %dma_start3A_69 : memref<1x128xi32, #tpu.memory_space<vmem>> -> memref<128xi32, #tpu.memory_space<vmem>>
      %dma_start3A_71 = arith.constant 0 : i32
      %dma_start3A_72 = arith.constant 0 : i32
      %dma_start3A_73 = tpu.memref_slice %arg2[%dma_start3A_71, %dma_start3A_72] : memref<10240x128xf32, #tpu.memory_space<hbm>> -> memref<10240x128xf32, #tpu.memory_space<hbm>>
      tpu.enqueue_indirect_dma source(%dma_start3A_73 : memref<10240x128xf32, #tpu.memory_space<hbm>>) target(%dma_start3A_67 : memref<128x128xf32, #tpu.memory_space<vmem>>) offsets(%dma_start3A_70 : memref<128xi32, #tpu.memory_space<vmem>>) semaphore(%arg11 : memref<!tpu.dma_semaphore, #tpu.memory_space<semaphore_mem>>)
      %mul3A_74 = arith.constant 4 : i32
      %mul3A_75 = arith.muli %scan3A_35, %mul3A_74 : i32
      %add3A_76 = arith.constant 3 : i32
      %add3A_77 = arith.addi %mul3A_75, %add3A_76 : i32
      %dma_start3A_78 = arith.constant 384 : i32
      %dma_start3A_79 = arith.constant 0 : i32
      %dma_start3A_80 = tpu.memref_slice %arg9[%dma_start3A_78, %dma_start3A_79] : memref<512x128xf32, #tpu.memory_space<vmem>> -> memref<128x128xf32, #tpu.memory_space<vmem>>
      %dma_start3A_81 = arith.constant 0 : i32
      %dma_start3A_82 = tpu.memref_slice %arg7[%add3A_77, %dma_start3A_81] : memref<80x128xi32, #tpu.memory_space<vmem>> -> memref<1x128xi32, #tpu.memory_space<vmem>>
      %dma_start3A_83 = tpu.memref_squeeze %dma_start3A_82 : memref<1x128xi32, #tpu.memory_space<vmem>> -> memref<128xi32, #tpu.memory_space<vmem>>
      %dma_start3A_84 = arith.constant 0 : i32
      %dma_start3A_85 = arith.constant 0 : i32
      %dma_start3A_86 = tpu.memref_slice %arg2[%dma_start3A_84, %dma_start3A_85] : memref<10240x128xf32, #tpu.memory_space<hbm>> -> memref<10240x128xf32, #tpu.memory_space<hbm>>
      tpu.enqueue_indirect_dma source(%dma_start3A_86 : memref<10240x128xf32, #tpu.memory_space<hbm>>) target(%dma_start3A_80 : memref<128x128xf32, #tpu.memory_space<vmem>>) offsets(%dma_start3A_83 : memref<128xi32, #tpu.memory_space<vmem>>) semaphore(%arg11 : memref<!tpu.dma_semaphore, #tpu.memory_space<semaphore_mem>>)
      %dma_wait3A = arith.constant 0 : i32
      %dma_wait3A_87 = arith.constant 0 : i32
      %dma_wait3A_88 = tpu.memref_slice %arg9[%dma_wait3A, %dma_wait3A_87] : memref<512x128xf32, #tpu.memory_space<vmem>> -> memref<128x128xf32, #tpu.memory_space<vmem>>
      %dma_wait3A_89 = arith.constant 0 : i32
      %dma_wait3A_90 = tpu.memref_slice %arg7[%add3A_39, %dma_wait3A_89] : memref<80x128xi32, #tpu.memory_space<vmem>> -> memref<1x128xi32, #tpu.memory_space<vmem>>
      %dma_wait3A_91 = tpu.memref_squeeze %dma_wait3A_90 : memref<1x128xi32, #tpu.memory_space<vmem>> -> memref<128xi32, #tpu.memory_space<vmem>>
      %dma_wait3A_92 = arith.constant 0 : i32
      %dma_wait3A_93 = arith.constant 0 : i32
      %dma_wait3A_94 = tpu.memref_slice %arg2[%dma_wait3A_92, %dma_wait3A_93] : memref<10240x128xf32, #tpu.memory_space<hbm>> -> memref<10240x128xf32, #tpu.memory_space<hbm>>
      tpu.wait_indirect_dma semaphore(%arg11 : memref<!tpu.dma_semaphore, #tpu.memory_space<semaphore_mem>>) src(%dma_wait3A_94 : memref<10240x128xf32, #tpu.memory_space<hbm>>) dst(%dma_wait3A_88 : memref<128x128xf32, #tpu.memory_space<vmem>>)
      %mul3A_95 = arith.constant 4 : i32
      %mul3A_96 = arith.muli %scan3A_35, %mul3A_95 : i32
      %add3A_97 = arith.constant 0 : i32
      %add3A_98 = arith.addi %mul3A_96, %add3A_97 : i32
      %dma_start3A_99 = arith.constant 0 : i32
      %dma_start3A_100 = arith.constant 0 : i32
      %dma_start3A_101 = tpu.memref_slice %arg9[%dma_start3A_99, %dma_start3A_100] : memref<512x128xf32, #tpu.memory_space<vmem>> -> memref<128x128xf32, #tpu.memory_space<vmem>>
      %dma_start3A_102 = arith.constant 0 : i32
      %dma_start3A_103 = tpu.memref_slice %arg8[%add3A_98, %dma_start3A_102] : memref<80x128xi32, #tpu.memory_space<vmem>> -> memref<1x128xi32, #tpu.memory_space<vmem>>
      %dma_start3A_104 = tpu.memref_squeeze %dma_start3A_103 : memref<1x128xi32, #tpu.memory_space<vmem>> -> memref<128xi32, #tpu.memory_space<vmem>>
      %dma_start3A_105 = arith.constant 0 : i32
      %dma_start3A_106 = arith.constant 0 : i32
      %dma_start3A_107 = tpu.memref_slice %arg10[%dma_start3A_105, %dma_start3A_106] : memref<5248x128xf32, #tpu.memory_space<vmem_shared>> -> memref<5248x128xf32, #tpu.memory_space<vmem_shared>>
      tpu.enqueue_indirect_dma source(%dma_start3A_101 : memref<128x128xf32, #tpu.memory_space<vmem>>) target(%dma_start3A_107 : memref<5248x128xf32, #tpu.memory_space<vmem_shared>>) offsets(%dma_start3A_104 : memref<128xi32, #tpu.memory_space<vmem>>) semaphore(%arg12 : memref<!tpu.dma_semaphore, #tpu.memory_space<semaphore_mem>>) {add = true}
      %dma_wait3A_108 = arith.constant 128 : i32
      %dma_wait3A_109 = arith.constant 0 : i32
      %dma_wait3A_110 = tpu.memref_slice %arg9[%dma_wait3A_108, %dma_wait3A_109] : memref<512x128xf32, #tpu.memory_space<vmem>> -> memref<128x128xf32, #tpu.memory_space<vmem>>
      %dma_wait3A_111 = arith.constant 0 : i32
      %dma_wait3A_112 = tpu.memref_slice %arg7[%add3A_51, %dma_wait3A_111] : memref<80x128xi32, #tpu.memory_space<vmem>> -> memref<1x128xi32, #tpu.memory_space<vmem>>
      %dma_wait3A_113 = tpu.memref_squeeze %dma_wait3A_112 : memref<1x128xi32, #tpu.memory_space<vmem>> -> memref<128xi32, #tpu.memory_space<vmem>>
      %dma_wait3A_114 = arith.constant 0 : i32
      %dma_wait3A_115 = arith.constant 0 : i32
      %dma_wait3A_116 = tpu.memref_slice %arg2[%dma_wait3A_114, %dma_wait3A_115] : memref<10240x128xf32, #tpu.memory_space<hbm>> -> memref<10240x128xf32, #tpu.memory_space<hbm>>
      tpu.wait_indirect_dma semaphore(%arg11 : memref<!tpu.dma_semaphore, #tpu.memory_space<semaphore_mem>>) src(%dma_wait3A_116 : memref<10240x128xf32, #tpu.memory_space<hbm>>) dst(%dma_wait3A_110 : memref<128x128xf32, #tpu.memory_space<vmem>>)
      %mul3A_117 = arith.constant 4 : i32
      %mul3A_118 = arith.muli %scan3A_35, %mul3A_117 : i32
      %add3A_119 = arith.constant 1 : i32
      %add3A_120 = arith.addi %mul3A_118, %add3A_119 : i32
      %dma_start3A_121 = arith.constant 128 : i32
      %dma_start3A_122 = arith.constant 0 : i32
      %dma_start3A_123 = tpu.memref_slice %arg9[%dma_start3A_121, %dma_start3A_122] : memref<512x128xf32, #tpu.memory_space<vmem>> -> memref<128x128xf32, #tpu.memory_space<vmem>>
      %dma_start3A_124 = arith.constant 0 : i32
      %dma_start3A_125 = tpu.memref_slice %arg8[%add3A_120, %dma_start3A_124] : memref<80x128xi32, #tpu.memory_space<vmem>> -> memref<1x128xi32, #tpu.memory_space<vmem>>
      %dma_start3A_126 = tpu.memref_squeeze %dma_start3A_125 : memref<1x128xi32, #tpu.memory_space<vmem>> -> memref<128xi32, #tpu.memory_space<vmem>>
      %dma_start3A_127 = arith.constant 0 : i32
      %dma_start3A_128 = arith.constant 0 : i32
      %dma_start3A_129 = tpu.memref_slice %arg10[%dma_start3A_127, %dma_start3A_128] : memref<5248x128xf32, #tpu.memory_space<vmem_shared>> -> memref<5248x128xf32, #tpu.memory_space<vmem_shared>>
      tpu.enqueue_indirect_dma source(%dma_start3A_123 : memref<128x128xf32, #tpu.memory_space<vmem>>) target(%dma_start3A_129 : memref<5248x128xf32, #tpu.memory_space<vmem_shared>>) offsets(%dma_start3A_126 : memref<128xi32, #tpu.memory_space<vmem>>) semaphore(%arg12 : memref<!tpu.dma_semaphore, #tpu.memory_space<semaphore_mem>>) {add = true}
      %dma_wait3A_130 = arith.constant 256 : i32
      %dma_wait3A_131 = arith.constant 0 : i32
      %dma_wait3A_132 = tpu.memref_slice %arg9[%dma_wait3A_130, %dma_wait3A_131] : memref<512x128xf32, #tpu.memory_space<vmem>> -> memref<128x128xf32, #tpu.memory_space<vmem>>
      %dma_wait3A_133 = arith.constant 0 : i32
      %dma_wait3A_134 = tpu.memref_slice %arg7[%add3A_64, %dma_wait3A_133] : memref<80x128xi32, #tpu.memory_space<vmem>> -> memref<1x128xi32, #tpu.memory_space<vmem>>
      %dma_wait3A_135 = tpu.memref_squeeze %dma_wait3A_134 : memref<1x128xi32, #tpu.memory_space<vmem>> -> memref<128xi32, #tpu.memory_space<vmem>>
      %dma_wait3A_136 = arith.constant 0 : i32
      %dma_wait3A_137 = arith.constant 0 : i32
      %dma_wait3A_138 = tpu.memref_slice %arg2[%dma_wait3A_136, %dma_wait3A_137] : memref<10240x128xf32, #tpu.memory_space<hbm>> -> memref<10240x128xf32, #tpu.memory_space<hbm>>
      tpu.wait_indirect_dma semaphore(%arg11 : memref<!tpu.dma_semaphore, #tpu.memory_space<semaphore_mem>>) src(%dma_wait3A_138 : memref<10240x128xf32, #tpu.memory_space<hbm>>) dst(%dma_wait3A_132 : memref<128x128xf32, #tpu.memory_space<vmem>>)
      %mul3A_139 = arith.constant 4 : i32
      %mul3A_140 = arith.muli %scan3A_35, %mul3A_139 : i32
      %add3A_141 = arith.constant 2 : i32
      %add3A_142 = arith.addi %mul3A_140, %add3A_141 : i32
      %dma_start3A_143 = arith.constant 256 : i32
      %dma_start3A_144 = arith.constant 0 : i32
      %dma_start3A_145 = tpu.memref_slice %arg9[%dma_start3A_143, %dma_start3A_144] : memref<512x128xf32, #tpu.memory_space<vmem>> -> memref<128x128xf32, #tpu.memory_space<vmem>>
      %dma_start3A_146 = arith.constant 0 : i32
      %dma_start3A_147 = tpu.memref_slice %arg8[%add3A_142, %dma_start3A_146] : memref<80x128xi32, #tpu.memory_space<vmem>> -> memref<1x128xi32, #tpu.memory_space<vmem>>
      %dma_start3A_148 = tpu.memref_squeeze %dma_start3A_147 : memref<1x128xi32, #tpu.memory_space<vmem>> -> memref<128xi32, #tpu.memory_space<vmem>>
      %dma_start3A_149 = arith.constant 0 : i32
      %dma_start3A_150 = arith.constant 0 : i32
      %dma_start3A_151 = tpu.memref_slice %arg10[%dma_start3A_149, %dma_start3A_150] : memref<5248x128xf32, #tpu.memory_space<vmem_shared>> -> memref<5248x128xf32, #tpu.memory_space<vmem_shared>>
      tpu.enqueue_indirect_dma source(%dma_start3A_145 : memref<128x128xf32, #tpu.memory_space<vmem>>) target(%dma_start3A_151 : memref<5248x128xf32, #tpu.memory_space<vmem_shared>>) offsets(%dma_start3A_148 : memref<128xi32, #tpu.memory_space<vmem>>) semaphore(%arg12 : memref<!tpu.dma_semaphore, #tpu.memory_space<semaphore_mem>>) {add = true}
      %dma_wait3A_152 = arith.constant 384 : i32
      %dma_wait3A_153 = arith.constant 0 : i32
      %dma_wait3A_154 = tpu.memref_slice %arg9[%dma_wait3A_152, %dma_wait3A_153] : memref<512x128xf32, #tpu.memory_space<vmem>> -> memref<128x128xf32, #tpu.memory_space<vmem>>
      %dma_wait3A_155 = arith.constant 0 : i32
      %dma_wait3A_156 = tpu.memref_slice %arg7[%add3A_77, %dma_wait3A_155] : memref<80x128xi32, #tpu.memory_space<vmem>> -> memref<1x128xi32, #tpu.memory_space<vmem>>
      %dma_wait3A_157 = tpu.memref_squeeze %dma_wait3A_156 : memref<1x128xi32, #tpu.memory_space<vmem>> -> memref<128xi32, #tpu.memory_space<vmem>>
      %dma_wait3A_158 = arith.constant 0 : i32
      %dma_wait3A_159 = arith.constant 0 : i32
      %dma_wait3A_160 = tpu.memref_slice %arg2[%dma_wait3A_158, %dma_wait3A_159] : memref<10240x128xf32, #tpu.memory_space<hbm>> -> memref<10240x128xf32, #tpu.memory_space<hbm>>
      tpu.wait_indirect_dma semaphore(%arg11 : memref<!tpu.dma_semaphore, #tpu.memory_space<semaphore_mem>>) src(%dma_wait3A_160 : memref<10240x128xf32, #tpu.memory_space<hbm>>) dst(%dma_wait3A_154 : memref<128x128xf32, #tpu.memory_space<vmem>>)
      %mul3A_161 = arith.constant 4 : i32
      %mul3A_162 = arith.muli %scan3A_35, %mul3A_161 : i32
      %add3A_163 = arith.constant 3 : i32
      %add3A_164 = arith.addi %mul3A_162, %add3A_163 : i32
      %dma_start3A_165 = arith.constant 384 : i32
      %dma_start3A_166 = arith.constant 0 : i32
      %dma_start3A_167 = tpu.memref_slice %arg9[%dma_start3A_165, %dma_start3A_166] : memref<512x128xf32, #tpu.memory_space<vmem>> -> memref<128x128xf32, #tpu.memory_space<vmem>>
      %dma_start3A_168 = arith.constant 0 : i32
      %dma_start3A_169 = tpu.memref_slice %arg8[%add3A_164, %dma_start3A_168] : memref<80x128xi32, #tpu.memory_space<vmem>> -> memref<1x128xi32, #tpu.memory_space<vmem>>
      %dma_start3A_170 = tpu.memref_squeeze %dma_start3A_169 : memref<1x128xi32, #tpu.memory_space<vmem>> -> memref<128xi32, #tpu.memory_space<vmem>>
      %dma_start3A_171 = arith.constant 0 : i32
      %dma_start3A_172 = arith.constant 0 : i32
      %dma_start3A_173 = tpu.memref_slice %arg10[%dma_start3A_171, %dma_start3A_172] : memref<5248x128xf32, #tpu.memory_space<vmem_shared>> -> memref<5248x128xf32, #tpu.memory_space<vmem_shared>>
      tpu.enqueue_indirect_dma source(%dma_start3A_167 : memref<128x128xf32, #tpu.memory_space<vmem>>) target(%dma_start3A_173 : memref<5248x128xf32, #tpu.memory_space<vmem_shared>>) offsets(%dma_start3A_170 : memref<128xi32, #tpu.memory_space<vmem>>) semaphore(%arg12 : memref<!tpu.dma_semaphore, #tpu.memory_space<semaphore_mem>>) {add = true}
      %dma_wait3A_174 = arith.constant 0 : i32
      %dma_wait3A_175 = arith.constant 0 : i32
      %dma_wait3A_176 = tpu.memref_slice %arg9[%dma_wait3A_174, %dma_wait3A_175] : memref<512x128xf32, #tpu.memory_space<vmem>> -> memref<128x128xf32, #tpu.memory_space<vmem>>
      %dma_wait3A_177 = arith.constant 0 : i32
      %dma_wait3A_178 = tpu.memref_slice %arg8[%add3A_98, %dma_wait3A_177] : memref<80x128xi32, #tpu.memory_space<vmem>> -> memref<1x128xi32, #tpu.memory_space<vmem>>
      %dma_wait3A_179 = tpu.memref_squeeze %dma_wait3A_178 : memref<1x128xi32, #tpu.memory_space<vmem>> -> memref<128xi32, #tpu.memory_space<vmem>>
      %dma_wait3A_180 = arith.constant 0 : i32
      %dma_wait3A_181 = arith.constant 0 : i32
      %dma_wait3A_182 = tpu.memref_slice %arg10[%dma_wait3A_180, %dma_wait3A_181] : memref<5248x128xf32, #tpu.memory_space<vmem_shared>> -> memref<5248x128xf32, #tpu.memory_space<vmem_shared>>
      tpu.wait_indirect_dma semaphore(%arg12 : memref<!tpu.dma_semaphore, #tpu.memory_space<semaphore_mem>>) src(%dma_wait3A_176 : memref<128x128xf32, #tpu.memory_space<vmem>>) dst(%dma_wait3A_182 : memref<5248x128xf32, #tpu.memory_space<vmem_shared>>)
      %dma_wait3A_183 = arith.constant 128 : i32
      %dma_wait3A_184 = arith.constant 0 : i32
      %dma_wait3A_185 = tpu.memref_slice %arg9[%dma_wait3A_183, %dma_wait3A_184] : memref<512x128xf32, #tpu.memory_space<vmem>> -> memref<128x128xf32, #tpu.memory_space<vmem>>
      %dma_wait3A_186 = arith.constant 0 : i32
      %dma_wait3A_187 = tpu.memref_slice %arg8[%add3A_120, %dma_wait3A_186] : memref<80x128xi32, #tpu.memory_space<vmem>> -> memref<1x128xi32, #tpu.memory_space<vmem>>
      %dma_wait3A_188 = tpu.memref_squeeze %dma_wait3A_187 : memref<1x128xi32, #tpu.memory_space<vmem>> -> memref<128xi32, #tpu.memory_space<vmem>>
      %dma_wait3A_189 = arith.constant 0 : i32
      %dma_wait3A_190 = arith.constant 0 : i32
      %dma_wait3A_191 = tpu.memref_slice %arg10[%dma_wait3A_189, %dma_wait3A_190] : memref<5248x128xf32, #tpu.memory_space<vmem_shared>> -> memref<5248x128xf32, #tpu.memory_space<vmem_shared>>
      tpu.wait_indirect_dma semaphore(%arg12 : memref<!tpu.dma_semaphore, #tpu.memory_space<semaphore_mem>>) src(%dma_wait3A_185 : memref<128x128xf32, #tpu.memory_space<vmem>>) dst(%dma_wait3A_191 : memref<5248x128xf32, #tpu.memory_space<vmem_shared>>)
      %dma_wait3A_192 = arith.constant 256 : i32
      %dma_wait3A_193 = arith.constant 0 : i32
      %dma_wait3A_194 = tpu.memref_slice %arg9[%dma_wait3A_192, %dma_wait3A_193] : memref<512x128xf32, #tpu.memory_space<vmem>> -> memref<128x128xf32, #tpu.memory_space<vmem>>
      %dma_wait3A_195 = arith.constant 0 : i32
      %dma_wait3A_196 = tpu.memref_slice %arg8[%add3A_142, %dma_wait3A_195] : memref<80x128xi32, #tpu.memory_space<vmem>> -> memref<1x128xi32, #tpu.memory_space<vmem>>
      %dma_wait3A_197 = tpu.memref_squeeze %dma_wait3A_196 : memref<1x128xi32, #tpu.memory_space<vmem>> -> memref<128xi32, #tpu.memory_space<vmem>>
      %dma_wait3A_198 = arith.constant 0 : i32
      %dma_wait3A_199 = arith.constant 0 : i32
      %dma_wait3A_200 = tpu.memref_slice %arg10[%dma_wait3A_198, %dma_wait3A_199] : memref<5248x128xf32, #tpu.memory_space<vmem_shared>> -> memref<5248x128xf32, #tpu.memory_space<vmem_shared>>
      tpu.wait_indirect_dma semaphore(%arg12 : memref<!tpu.dma_semaphore, #tpu.memory_space<semaphore_mem>>) src(%dma_wait3A_194 : memref<128x128xf32, #tpu.memory_space<vmem>>) dst(%dma_wait3A_200 : memref<5248x128xf32, #tpu.memory_space<vmem_shared>>)
      %dma_wait3A_201 = arith.constant 384 : i32
      %dma_wait3A_202 = arith.constant 0 : i32
      %dma_wait3A_203 = tpu.memref_slice %arg9[%dma_wait3A_201, %dma_wait3A_202] : memref<512x128xf32, #tpu.memory_space<vmem>> -> memref<128x128xf32, #tpu.memory_space<vmem>>
      %dma_wait3A_204 = arith.constant 0 : i32
      %dma_wait3A_205 = tpu.memref_slice %arg8[%add3A_164, %dma_wait3A_204] : memref<80x128xi32, #tpu.memory_space<vmem>> -> memref<1x128xi32, #tpu.memory_space<vmem>>
      %dma_wait3A_206 = tpu.memref_squeeze %dma_wait3A_205 : memref<1x128xi32, #tpu.memory_space<vmem>> -> memref<128xi32, #tpu.memory_space<vmem>>
      %dma_wait3A_207 = arith.constant 0 : i32
      %dma_wait3A_208 = arith.constant 0 : i32
      %dma_wait3A_209 = tpu.memref_slice %arg10[%dma_wait3A_207, %dma_wait3A_208] : memref<5248x128xf32, #tpu.memory_space<vmem_shared>> -> memref<5248x128xf32, #tpu.memory_space<vmem_shared>>
      tpu.wait_indirect_dma semaphore(%arg12 : memref<!tpu.dma_semaphore, #tpu.memory_space<semaphore_mem>>) src(%dma_wait3A_203 : memref<128x128xf32, #tpu.memory_space<vmem>>) dst(%dma_wait3A_209 : memref<5248x128xf32, #tpu.memory_space<vmem_shared>>)
    }
    %scan3A_22 = arith.constant 20 : i32
    %scan3A_23 = arith.constant 1 : i32
    %barrier3A_24 = arith.constant 0 : index
    tpu.barrier barrier_id(%barrier3A_24)
    "tpu.region"() ({
      %run_scoped3A = tpu.sem_alloc : memref<!tpu.dma_semaphore, #tpu.memory_space<semaphore_mem>>
      %dma_start3A = arith.constant 0 : i32
      %dma_start3A_35 = arith.constant 0 : i32
      %dma_start3A_36 = tpu.memref_slice %arg9[%dma_start3A, %dma_start3A_35] : memref<512x128xf32, #tpu.memory_space<vmem>> -> memref<320x128xf32, #tpu.memory_space<vmem>>
      %dma_start3A_37 = arith.constant 0 : i32
      %dma_start3A_38 = tpu.memref_slice %arg10[%mul3A_0, %dma_start3A_37] : memref<5248x128xf32, #tpu.memory_space<vmem_shared>> -> memref<320x128xf32, #tpu.memory_space<vmem_shared>>
      %dma_start3A_39 = arith.constant 0 : i32
      %dma_start3A_40 = arith.constant 0 : i32
      %dma_start3A_41 = tpu.memref_slice %arg9[%dma_start3A_39, %dma_start3A_40] : memref<512x128xf32, #tpu.memory_space<vmem>> -> memref<320x128xf32, #tpu.memory_space<vmem>>
      %dma_start3A_42 = arith.constant 0 : i32
      %dma_start3A_43 = tpu.memref_slice %arg10[%mul3A_0, %dma_start3A_42] : memref<5248x128xf32, #tpu.memory_space<vmem_shared>> -> memref<320x128xf32, #tpu.memory_space<vmem_shared>>
      tpu.enqueue_dma source(%dma_start3A_43 : memref<320x128xf32, #tpu.memory_space<vmem_shared>>) target(%dma_start3A_41 : memref<320x128xf32, #tpu.memory_space<vmem>>) target_semaphore(%run_scoped3A : memref<!tpu.dma_semaphore, #tpu.memory_space<semaphore_mem>>)
      %dma_wait3A = arith.constant 0 : i32
      %dma_wait3A_44 = arith.constant 0 : i32
      %dma_wait3A_45 = tpu.memref_slice %arg9[%dma_wait3A, %dma_wait3A_44] : memref<512x128xf32, #tpu.memory_space<vmem>> -> memref<320x128xf32, #tpu.memory_space<vmem>>
      %dma_wait3A_46 = arith.constant 0 : i32
      %dma_wait3A_47 = tpu.memref_slice %arg10[%mul3A_0, %dma_wait3A_46] : memref<5248x128xf32, #tpu.memory_space<vmem_shared>> -> memref<320x128xf32, #tpu.memory_space<vmem_shared>>
      %dma_wait3A_48 = arith.constant 0 : i32
      %dma_wait3A_49 = arith.constant 0 : i32
      %dma_wait3A_50 = tpu.memref_slice %arg9[%dma_wait3A_48, %dma_wait3A_49] : memref<512x128xf32, #tpu.memory_space<vmem>> -> memref<320x128xf32, #tpu.memory_space<vmem>>
      %dma_wait3A_51 = arith.constant 0 : i32
      %dma_wait3A_52 = tpu.memref_slice %arg10[%mul3A_0, %dma_wait3A_51] : memref<5248x128xf32, #tpu.memory_space<vmem_shared>> -> memref<320x128xf32, #tpu.memory_space<vmem_shared>>
      tpu.wait_dma2 semaphore(%run_scoped3A : memref<!tpu.dma_semaphore, #tpu.memory_space<semaphore_mem>>) src(%dma_wait3A_52 : memref<320x128xf32, #tpu.memory_space<vmem_shared>>) dst(%dma_wait3A_50 : memref<320x128xf32, #tpu.memory_space<vmem>>)
      tpu.yield
    }) : () -> ()
    %eq3A_25 = arith.constant 0 : i32
    %eq3A_26 = arith.cmpi eq, %arg0, %eq3A_25 : i32
    %convert_element_type3A_27 = arith.extui %eq3A_26 : i1 to i32
    %cond3A_28 = arith.constant 0 : i32
    %cond3A_29 = arith.cmpi ne, %convert_element_type3A_27, %cond3A_28 : i32
    scf.if %cond3A_29 {
      "tpu.region"() ({
        %run_scoped3A = tpu.sem_alloc : memref<!tpu.dma_semaphore, #tpu.memory_space<semaphore_mem>>
        %dma_start3A = arith.constant 0 : i32
        %dma_start3A_35 = arith.constant 0 : i32
        %dma_start3A_36 = tpu.memref_slice %arg9[%dma_start3A, %dma_start3A_35] : memref<512x128xf32, #tpu.memory_space<vmem>> -> memref<320x128xf32, #tpu.memory_space<vmem>>
        %dma_start3A_37 = arith.constant 0 : i32
        %dma_start3A_38 = tpu.memref_slice %arg5[%mul3A_0, %dma_start3A_37] : memref<5120x128xf32, #tpu.memory_space<hbm>> -> memref<320x128xf32, #tpu.memory_space<hbm>>
        %dma_start3A_39 = arith.constant 0 : i32
        %dma_start3A_40 = tpu.memref_slice %arg5[%mul3A_0, %dma_start3A_39] : memref<5120x128xf32, #tpu.memory_space<hbm>> -> memref<320x128xf32, #tpu.memory_space<hbm>>
        %dma_start3A_41 = arith.constant 0 : i32
        %dma_start3A_42 = arith.constant 0 : i32
        %dma_start3A_43 = tpu.memref_slice %arg9[%dma_start3A_41, %dma_start3A_42] : memref<512x128xf32, #tpu.memory_space<vmem>> -> memref<320x128xf32, #tpu.memory_space<vmem>>
        tpu.enqueue_dma source(%dma_start3A_43 : memref<320x128xf32, #tpu.memory_space<vmem>>) target(%dma_start3A_40 : memref<320x128xf32, #tpu.memory_space<hbm>>) target_semaphore(%run_scoped3A : memref<!tpu.dma_semaphore, #tpu.memory_space<semaphore_mem>>)
        %dma_wait3A = arith.constant 0 : i32
        %dma_wait3A_44 = arith.constant 0 : i32
        %dma_wait3A_45 = tpu.memref_slice %arg9[%dma_wait3A, %dma_wait3A_44] : memref<512x128xf32, #tpu.memory_space<vmem>> -> memref<320x128xf32, #tpu.memory_space<vmem>>
        %dma_wait3A_46 = arith.constant 0 : i32
        %dma_wait3A_47 = tpu.memref_slice %arg5[%mul3A_0, %dma_wait3A_46] : memref<5120x128xf32, #tpu.memory_space<hbm>> -> memref<320x128xf32, #tpu.memory_space<hbm>>
        %dma_wait3A_48 = arith.constant 0 : i32
        %dma_wait3A_49 = tpu.memref_slice %arg5[%mul3A_0, %dma_wait3A_48] : memref<5120x128xf32, #tpu.memory_space<hbm>> -> memref<320x128xf32, #tpu.memory_space<hbm>>
        %dma_wait3A_50 = arith.constant 0 : i32
        %dma_wait3A_51 = arith.constant 0 : i32
        %dma_wait3A_52 = tpu.memref_slice %arg9[%dma_wait3A_50, %dma_wait3A_51] : memref<512x128xf32, #tpu.memory_space<vmem>> -> memref<320x128xf32, #tpu.memory_space<vmem>>
        tpu.wait_dma2 semaphore(%run_scoped3A : memref<!tpu.dma_semaphore, #tpu.memory_space<semaphore_mem>>) src(%dma_wait3A_52 : memref<320x128xf32, #tpu.memory_space<vmem>>) dst(%dma_wait3A_49 : memref<320x128xf32, #tpu.memory_space<hbm>>)
        tpu.yield
      }) : () -> ()
    } else {
    }
    %eq3A_30 = arith.constant 1 : i32
    %eq3A_31 = arith.cmpi eq, %arg0, %eq3A_30 : i32
    %convert_element_type3A_32 = arith.extui %eq3A_31 : i1 to i32
    %cond3A_33 = arith.constant 0 : i32
    %cond3A_34 = arith.cmpi ne, %convert_element_type3A_32, %cond3A_33 : i32
    scf.if %cond3A_34 {
      "tpu.region"() ({
        %run_scoped3A = tpu.sem_alloc : memref<!tpu.dma_semaphore, #tpu.memory_space<semaphore_mem>>
        %dma_start3A = arith.constant 0 : i32
        %dma_start3A_35 = arith.constant 0 : i32
        %dma_start3A_36 = tpu.memref_slice %arg9[%dma_start3A, %dma_start3A_35] : memref<512x128xf32, #tpu.memory_space<vmem>> -> memref<320x128xf32, #tpu.memory_space<vmem>>
        %dma_start3A_37 = arith.constant 0 : i32
        %dma_start3A_38 = tpu.memref_slice %arg6[%mul3A_0, %dma_start3A_37] : memref<5120x128xf32, #tpu.memory_space<hbm>> -> memref<320x128xf32, #tpu.memory_space<hbm>>
        %dma_start3A_39 = arith.constant 0 : i32
        %dma_start3A_40 = tpu.memref_slice %arg6[%mul3A_0, %dma_start3A_39] : memref<5120x128xf32, #tpu.memory_space<hbm>> -> memref<320x128xf32, #tpu.memory_space<hbm>>
        %dma_start3A_41 = arith.constant 0 : i32
        %dma_start3A_42 = arith.constant 0 : i32
        %dma_start3A_43 = tpu.memref_slice %arg9[%dma_start3A_41, %dma_start3A_42] : memref<512x128xf32, #tpu.memory_space<vmem>> -> memref<320x128xf32, #tpu.memory_space<vmem>>
        tpu.enqueue_dma source(%dma_start3A_43 : memref<320x128xf32, #tpu.memory_space<vmem>>) target(%dma_start3A_40 : memref<320x128xf32, #tpu.memory_space<hbm>>) target_semaphore(%run_scoped3A : memref<!tpu.dma_semaphore, #tpu.memory_space<semaphore_mem>>)
        %dma_wait3A = arith.constant 0 : i32
        %dma_wait3A_44 = arith.constant 0 : i32
        %dma_wait3A_45 = tpu.memref_slice %arg9[%dma_wait3A, %dma_wait3A_44] : memref<512x128xf32, #tpu.memory_space<vmem>> -> memref<320x128xf32, #tpu.memory_space<vmem>>
        %dma_wait3A_46 = arith.constant 0 : i32
        %dma_wait3A_47 = tpu.memref_slice %arg6[%mul3A_0, %dma_wait3A_46] : memref<5120x128xf32, #tpu.memory_space<hbm>> -> memref<320x128xf32, #tpu.memory_space<hbm>>
        %dma_wait3A_48 = arith.constant 0 : i32
        %dma_wait3A_49 = tpu.memref_slice %arg6[%mul3A_0, %dma_wait3A_48] : memref<5120x128xf32, #tpu.memory_space<hbm>> -> memref<320x128xf32, #tpu.memory_space<hbm>>
        %dma_wait3A_50 = arith.constant 0 : i32
        %dma_wait3A_51 = arith.constant 0 : i32
        %dma_wait3A_52 = tpu.memref_slice %arg9[%dma_wait3A_50, %dma_wait3A_51] : memref<512x128xf32, #tpu.memory_space<vmem>> -> memref<320x128xf32, #tpu.memory_space<vmem>>
        tpu.wait_dma2 semaphore(%run_scoped3A : memref<!tpu.dma_semaphore, #tpu.memory_space<semaphore_mem>>) src(%dma_wait3A_52 : memref<320x128xf32, #tpu.memory_space<vmem>>) dst(%dma_wait3A_49 : memref<320x128xf32, #tpu.memory_space<hbm>>)
        tpu.yield
      }) : () -> ()
    } else {
    }
    return
  }
}

#map = affine_map<(d0, d1) -> (0, 0)>
module attributes {stable_mosaic.version = 14 : i64} {
  func.func @_sc_deg(%arg0: i32, %arg1: i32, %arg2: memref<2560x128xi32, #tpu.memory_space<hbm>>, %arg3: memref<5120x128xf32, #tpu.memory_space<hbm>>, %arg4: memref<5120x128xf32, #tpu.memory_space<hbm>>, %arg5: memref<80x128xi32, #tpu.memory_space<vmem>>, %arg6: memref<128x128xf32, #tpu.memory_space<vmem>>, %arg7: memref<320x128xf32, #tpu.memory_space<vmem>>, %arg8: memref<5248x128xf32, #tpu.memory_space<vmem_shared>>, %arg9: memref<!tpu.dma_semaphore, #tpu.memory_space<semaphore_mem>>) attributes {dimension_semantics = [#tpu.dimension_semantics<core_parallel>, #tpu.dimension_semantics<subcore_parallel>], iteration_bounds = array<i64: 2, 16>, scalar_prefetch = 0 : i64, scratch_operands = 5 : i64, tpu.core_type = #tpu.core_type<sc_vector_subcore>, window_params = [{transform_indices = #map}, {transform_indices = #map}, {transform_indices = #map}]} {
    %mul3A = arith.constant 2 : i32
    %mul3A_0 = arith.muli %arg1, %mul3A : i32
    %add3A = arith.addi %mul3A_0, %arg0 : i32
    %mul3A_1 = arith.constant 320 : i32
    %mul3A_2 = arith.muli %arg1, %mul3A_1 : i32
    %scan3A = arith.constant 0 : i32
    %scan3A_3 = arith.constant 0 : i32
    %scan3A_4 = arith.constant 128 : i32
    %scan3A_5 = arith.addi %scan3A_3, %scan3A_4 : i32
    %scan3A_6 = arith.constant 1 : i32
    scf.for %scan3A_35 = %scan3A_3 to %scan3A_5 step %scan3A_6  : i32 {
      %broadcast_in_dim3A = arith.constant 1.000000e+00 : f32
      %broadcast_in_dim3A_36 = vector.broadcast %broadcast_in_dim3A : f32 to vector<16xf32>
      %swap3A = arith.index_cast %scan3A_35 : i32 to index
      %swap3A_37 = arith.constant 0 : index
      %swap3A_38 = tpu.vector_load %arg6[%swap3A, %swap3A_37] {strides = array<i32>} : memref<128x128xf32, #tpu.memory_space<vmem>>, vector<1x16xf32>,
      %swap3A_39 = vector.shape_cast %swap3A_38 : vector<1x16xf32> to vector<16xf32>
      %swap3A_40 = vector.shape_cast %broadcast_in_dim3A_36 : vector<16xf32> to vector<1x16xf32>
      tpu.vector_store %arg6[%swap3A, %swap3A_37], %swap3A_40 {strides = array<i32>} : memref<128x128xf32, #tpu.memory_space<vmem>>, vector<1x16xf32>,
      %broadcast_in_dim3A_41 = arith.constant 1.000000e+00 : f32
      %broadcast_in_dim3A_42 = vector.broadcast %broadcast_in_dim3A_41 : f32 to vector<16xf32>
      %swap3A_43 = arith.index_cast %scan3A_35 : i32 to index
      %swap3A_44 = arith.constant 16 : index
      %swap3A_45 = tpu.vector_load %arg6[%swap3A_43, %swap3A_44] {strides = array<i32>} : memref<128x128xf32, #tpu.memory_space<vmem>>, vector<1x16xf32>,
      %swap3A_46 = vector.shape_cast %swap3A_45 : vector<1x16xf32> to vector<16xf32>
      %swap3A_47 = vector.shape_cast %broadcast_in_dim3A_42 : vector<16xf32> to vector<1x16xf32>
      tpu.vector_store %arg6[%swap3A_43, %swap3A_44], %swap3A_47 {strides = array<i32>} : memref<128x128xf32, #tpu.memory_space<vmem>>, vector<1x16xf32>,
      %broadcast_in_dim3A_48 = arith.constant 1.000000e+00 : f32
      %broadcast_in_dim3A_49 = vector.broadcast %broadcast_in_dim3A_48 : f32 to vector<16xf32>
      %swap3A_50 = arith.index_cast %scan3A_35 : i32 to index
      %swap3A_51 = arith.constant 32 : index
      %swap3A_52 = tpu.vector_load %arg6[%swap3A_50, %swap3A_51] {strides = array<i32>} : memref<128x128xf32, #tpu.memory_space<vmem>>, vector<1x16xf32>,
      %swap3A_53 = vector.shape_cast %swap3A_52 : vector<1x16xf32> to vector<16xf32>
      %swap3A_54 = vector.shape_cast %broadcast_in_dim3A_49 : vector<16xf32> to vector<1x16xf32>
      tpu.vector_store %arg6[%swap3A_50, %swap3A_51], %swap3A_54 {strides = array<i32>} : memref<128x128xf32, #tpu.memory_space<vmem>>, vector<1x16xf32>,
      %broadcast_in_dim3A_55 = arith.constant 1.000000e+00 : f32
      %broadcast_in_dim3A_56 = vector.broadcast %broadcast_in_dim3A_55 : f32 to vector<16xf32>
      %swap3A_57 = arith.index_cast %scan3A_35 : i32 to index
      %swap3A_58 = arith.constant 48 : index
      %swap3A_59 = tpu.vector_load %arg6[%swap3A_57, %swap3A_58] {strides = array<i32>} : memref<128x128xf32, #tpu.memory_space<vmem>>, vector<1x16xf32>,
      %swap3A_60 = vector.shape_cast %swap3A_59 : vector<1x16xf32> to vector<16xf32>
      %swap3A_61 = vector.shape_cast %broadcast_in_dim3A_56 : vector<16xf32> to vector<1x16xf32>
      tpu.vector_store %arg6[%swap3A_57, %swap3A_58], %swap3A_61 {strides = array<i32>} : memref<128x128xf32, #tpu.memory_space<vmem>>, vector<1x16xf32>,
      %broadcast_in_dim3A_62 = arith.constant 1.000000e+00 : f32
      %broadcast_in_dim3A_63 = vector.broadcast %broadcast_in_dim3A_62 : f32 to vector<16xf32>
      %swap3A_64 = arith.index_cast %scan3A_35 : i32 to index
      %swap3A_65 = arith.constant 64 : index
      %swap3A_66 = tpu.vector_load %arg6[%swap3A_64, %swap3A_65] {strides = array<i32>} : memref<128x128xf32, #tpu.memory_space<vmem>>, vector<1x16xf32>,
      %swap3A_67 = vector.shape_cast %swap3A_66 : vector<1x16xf32> to vector<16xf32>
      %swap3A_68 = vector.shape_cast %broadcast_in_dim3A_63 : vector<16xf32> to vector<1x16xf32>
      tpu.vector_store %arg6[%swap3A_64, %swap3A_65], %swap3A_68 {strides = array<i32>} : memref<128x128xf32, #tpu.memory_space<vmem>>, vector<1x16xf32>,
      %broadcast_in_dim3A_69 = arith.constant 1.000000e+00 : f32
      %broadcast_in_dim3A_70 = vector.broadcast %broadcast_in_dim3A_69 : f32 to vector<16xf32>
      %swap3A_71 = arith.index_cast %scan3A_35 : i32 to index
      %swap3A_72 = arith.constant 80 : index
      %swap3A_73 = tpu.vector_load %arg6[%swap3A_71, %swap3A_72] {strides = array<i32>} : memref<128x128xf32, #tpu.memory_space<vmem>>, vector<1x16xf32>,
      %swap3A_74 = vector.shape_cast %swap3A_73 : vector<1x16xf32> to vector<16xf32>
      %swap3A_75 = vector.shape_cast %broadcast_in_dim3A_70 : vector<16xf32> to vector<1x16xf32>
      tpu.vector_store %arg6[%swap3A_71, %swap3A_72], %swap3A_75 {strides = array<i32>} : memref<128x128xf32, #tpu.memory_space<vmem>>, vector<1x16xf32>,
      %broadcast_in_dim3A_76 = arith.constant 1.000000e+00 : f32
      %broadcast_in_dim3A_77 = vector.broadcast %broadcast_in_dim3A_76 : f32 to vector<16xf32>
      %swap3A_78 = arith.index_cast %scan3A_35 : i32 to index
      %swap3A_79 = arith.constant 96 : index
      %swap3A_80 = tpu.vector_load %arg6[%swap3A_78, %swap3A_79] {strides = array<i32>} : memref<128x128xf32, #tpu.memory_space<vmem>>, vector<1x16xf32>,
      %swap3A_81 = vector.shape_cast %swap3A_80 : vector<1x16xf32> to vector<16xf32>
      %swap3A_82 = vector.shape_cast %broadcast_in_dim3A_77 : vector<16xf32> to vector<1x16xf32>
      tpu.vector_store %arg6[%swap3A_78, %swap3A_79], %swap3A_82 {strides = array<i32>} : memref<128x128xf32, #tpu.memory_space<vmem>>, vector<1x16xf32>,
      %broadcast_in_dim3A_83 = arith.constant 1.000000e+00 : f32
      %broadcast_in_dim3A_84 = vector.broadcast %broadcast_in_dim3A_83 : f32 to vector<16xf32>
      %swap3A_85 = arith.index_cast %scan3A_35 : i32 to index
      %swap3A_86 = arith.constant 112 : index
      %swap3A_87 = tpu.vector_load %arg6[%swap3A_85, %swap3A_86] {strides = array<i32>} : memref<128x128xf32, #tpu.memory_space<vmem>>, vector<1x16xf32>,
      %swap3A_88 = vector.shape_cast %swap3A_87 : vector<1x16xf32> to vector<16xf32>
      %swap3A_89 = vector.shape_cast %broadcast_in_dim3A_84 : vector<16xf32> to vector<1x16xf32>
      tpu.vector_store %arg6[%swap3A_85, %swap3A_86], %swap3A_89 {strides = array<i32>} : memref<128x128xf32, #tpu.memory_space<vmem>>, vector<1x16xf32>,
    }
    %scan3A_7 = arith.constant 128 : i32
    %scan3A_8 = arith.constant 0 : i32
    %scan3A_9 = arith.constant 0 : i32
    %scan3A_10 = arith.constant 320 : i32
    %scan3A_11 = arith.addi %scan3A_9, %scan3A_10 : i32
    %scan3A_12 = arith.constant 1 : i32
    scf.for %scan3A_35 = %scan3A_9 to %scan3A_11 step %scan3A_12  : i32 {
      %broadcast_in_dim3A = arith.constant 0.000000e+00 : f32
      %broadcast_in_dim3A_36 = vector.broadcast %broadcast_in_dim3A : f32 to vector<16xf32>
      %swap3A = arith.index_cast %scan3A_35 : i32 to index
      %swap3A_37 = arith.constant 0 : index
      %swap3A_38 = tpu.vector_load %arg7[%swap3A, %swap3A_37] {strides = array<i32>} : memref<320x128xf32, #tpu.memory_space<vmem>>, vector<1x16xf32>,
      %swap3A_39 = vector.shape_cast %swap3A_38 : vector<1x16xf32> to vector<16xf32>
      %swap3A_40 = vector.shape_cast %broadcast_in_dim3A_36 : vector<16xf32> to vector<1x16xf32>
      tpu.vector_store %arg7[%swap3A, %swap3A_37], %swap3A_40 {strides = array<i32>} : memref<320x128xf32, #tpu.memory_space<vmem>>, vector<1x16xf32>,
      %broadcast_in_dim3A_41 = arith.constant 0.000000e+00 : f32
      %broadcast_in_dim3A_42 = vector.broadcast %broadcast_in_dim3A_41 : f32 to vector<16xf32>
      %swap3A_43 = arith.index_cast %scan3A_35 : i32 to index
      %swap3A_44 = arith.constant 16 : index
      %swap3A_45 = tpu.vector_load %arg7[%swap3A_43, %swap3A_44] {strides = array<i32>} : memref<320x128xf32, #tpu.memory_space<vmem>>, vector<1x16xf32>,
      %swap3A_46 = vector.shape_cast %swap3A_45 : vector<1x16xf32> to vector<16xf32>
      %swap3A_47 = vector.shape_cast %broadcast_in_dim3A_42 : vector<16xf32> to vector<1x16xf32>
      tpu.vector_store %arg7[%swap3A_43, %swap3A_44], %swap3A_47 {strides = array<i32>} : memref<320x128xf32, #tpu.memory_space<vmem>>, vector<1x16xf32>,
      %broadcast_in_dim3A_48 = arith.constant 0.000000e+00 : f32
      %broadcast_in_dim3A_49 = vector.broadcast %broadcast_in_dim3A_48 : f32 to vector<16xf32>
      %swap3A_50 = arith.index_cast %scan3A_35 : i32 to index
      %swap3A_51 = arith.constant 32 : index
      %swap3A_52 = tpu.vector_load %arg7[%swap3A_50, %swap3A_51] {strides = array<i32>} : memref<320x128xf32, #tpu.memory_space<vmem>>, vector<1x16xf32>,
      %swap3A_53 = vector.shape_cast %swap3A_52 : vector<1x16xf32> to vector<16xf32>
      %swap3A_54 = vector.shape_cast %broadcast_in_dim3A_49 : vector<16xf32> to vector<1x16xf32>
      tpu.vector_store %arg7[%swap3A_50, %swap3A_51], %swap3A_54 {strides = array<i32>} : memref<320x128xf32, #tpu.memory_space<vmem>>, vector<1x16xf32>,
      %broadcast_in_dim3A_55 = arith.constant 0.000000e+00 : f32
      %broadcast_in_dim3A_56 = vector.broadcast %broadcast_in_dim3A_55 : f32 to vector<16xf32>
      %swap3A_57 = arith.index_cast %scan3A_35 : i32 to index
      %swap3A_58 = arith.constant 48 : index
      %swap3A_59 = tpu.vector_load %arg7[%swap3A_57, %swap3A_58] {strides = array<i32>} : memref<320x128xf32, #tpu.memory_space<vmem>>, vector<1x16xf32>,
      %swap3A_60 = vector.shape_cast %swap3A_59 : vector<1x16xf32> to vector<16xf32>
      %swap3A_61 = vector.shape_cast %broadcast_in_dim3A_56 : vector<16xf32> to vector<1x16xf32>
      tpu.vector_store %arg7[%swap3A_57, %swap3A_58], %swap3A_61 {strides = array<i32>} : memref<320x128xf32, #tpu.memory_space<vmem>>, vector<1x16xf32>,
      %broadcast_in_dim3A_62 = arith.constant 0.000000e+00 : f32
      %broadcast_in_dim3A_63 = vector.broadcast %broadcast_in_dim3A_62 : f32 to vector<16xf32>
      %swap3A_64 = arith.index_cast %scan3A_35 : i32 to index
      %swap3A_65 = arith.constant 64 : index
      %swap3A_66 = tpu.vector_load %arg7[%swap3A_64, %swap3A_65] {strides = array<i32>} : memref<320x128xf32, #tpu.memory_space<vmem>>, vector<1x16xf32>,
      %swap3A_67 = vector.shape_cast %swap3A_66 : vector<1x16xf32> to vector<16xf32>
      %swap3A_68 = vector.shape_cast %broadcast_in_dim3A_63 : vector<16xf32> to vector<1x16xf32>
      tpu.vector_store %arg7[%swap3A_64, %swap3A_65], %swap3A_68 {strides = array<i32>} : memref<320x128xf32, #tpu.memory_space<vmem>>, vector<1x16xf32>,
      %broadcast_in_dim3A_69 = arith.constant 0.000000e+00 : f32
      %broadcast_in_dim3A_70 = vector.broadcast %broadcast_in_dim3A_69 : f32 to vector<16xf32>
      %swap3A_71 = arith.index_cast %scan3A_35 : i32 to index
      %swap3A_72 = arith.constant 80 : index
      %swap3A_73 = tpu.vector_load %arg7[%swap3A_71, %swap3A_72] {strides = array<i32>} : memref<320x128xf32, #tpu.memory_space<vmem>>, vector<1x16xf32>,
      %swap3A_74 = vector.shape_cast %swap3A_73 : vector<1x16xf32> to vector<16xf32>
      %swap3A_75 = vector.shape_cast %broadcast_in_dim3A_70 : vector<16xf32> to vector<1x16xf32>
      tpu.vector_store %arg7[%swap3A_71, %swap3A_72], %swap3A_75 {strides = array<i32>} : memref<320x128xf32, #tpu.memory_space<vmem>>, vector<1x16xf32>,
      %broadcast_in_dim3A_76 = arith.constant 0.000000e+00 : f32
      %broadcast_in_dim3A_77 = vector.broadcast %broadcast_in_dim3A_76 : f32 to vector<16xf32>
      %swap3A_78 = arith.index_cast %scan3A_35 : i32 to index
      %swap3A_79 = arith.constant 96 : index
      %swap3A_80 = tpu.vector_load %arg7[%swap3A_78, %swap3A_79] {strides = array<i32>} : memref<320x128xf32, #tpu.memory_space<vmem>>, vector<1x16xf32>,
      %swap3A_81 = vector.shape_cast %swap3A_80 : vector<1x16xf32> to vector<16xf32>
      %swap3A_82 = vector.shape_cast %broadcast_in_dim3A_77 : vector<16xf32> to vector<1x16xf32>
      tpu.vector_store %arg7[%swap3A_78, %swap3A_79], %swap3A_82 {strides = array<i32>} : memref<320x128xf32, #tpu.memory_space<vmem>>, vector<1x16xf32>,
      %broadcast_in_dim3A_83 = arith.constant 0.000000e+00 : f32
      %broadcast_in_dim3A_84 = vector.broadcast %broadcast_in_dim3A_83 : f32 to vector<16xf32>
      %swap3A_85 = arith.index_cast %scan3A_35 : i32 to index
      %swap3A_86 = arith.constant 112 : index
      %swap3A_87 = tpu.vector_load %arg7[%swap3A_85, %swap3A_86] {strides = array<i32>} : memref<320x128xf32, #tpu.memory_space<vmem>>, vector<1x16xf32>,
      %swap3A_88 = vector.shape_cast %swap3A_87 : vector<1x16xf32> to vector<16xf32>
      %swap3A_89 = vector.shape_cast %broadcast_in_dim3A_84 : vector<16xf32> to vector<1x16xf32>
      tpu.vector_store %arg7[%swap3A_85, %swap3A_86], %swap3A_89 {strides = array<i32>} : memref<320x128xf32, #tpu.memory_space<vmem>>, vector<1x16xf32>,
    }
    %scan3A_13 = arith.constant 320 : i32
    %mul3A_14 = arith.constant 80 : i32
    %mul3A_15 = arith.muli %add3A, %mul3A_14 : i32
    "tpu.region"() ({
      %run_scoped3A = tpu.sem_alloc : memref<!tpu.dma_semaphore, #tpu.memory_space<semaphore_mem>>
      %dma_start3A = arith.constant 0 : i32
      %dma_start3A_35 = tpu.memref_slice %arg2[%mul3A_15, %dma_start3A] : memref<2560x128xi32, #tpu.memory_space<hbm>> -> memref<80x128xi32, #tpu.memory_space<hbm>>
      %dma_start3A_36 = arith.constant 0 : i32
      %dma_start3A_37 = tpu.memref_slice %arg2[%mul3A_15, %dma_start3A_36] : memref<2560x128xi32, #tpu.memory_space<hbm>> -> memref<80x128xi32, #tpu.memory_space<hbm>>
      tpu.enqueue_dma source(%dma_start3A_37 : memref<80x128xi32, #tpu.memory_space<hbm>>) target(%arg5 : memref<80x128xi32, #tpu.memory_space<vmem>>) target_semaphore(%run_scoped3A : memref<!tpu.dma_semaphore, #tpu.memory_space<semaphore_mem>>)
      %dma_wait3A = arith.constant 0 : i32
      %dma_wait3A_38 = tpu.memref_slice %arg2[%mul3A_15, %dma_wait3A] : memref<2560x128xi32, #tpu.memory_space<hbm>> -> memref<80x128xi32, #tpu.memory_space<hbm>>
      %dma_wait3A_39 = arith.constant 0 : i32
      %dma_wait3A_40 = tpu.memref_slice %arg2[%mul3A_15, %dma_wait3A_39] : memref<2560x128xi32, #tpu.memory_space<hbm>> -> memref<80x128xi32, #tpu.memory_space<hbm>>
      tpu.wait_dma2 semaphore(%run_scoped3A : memref<!tpu.dma_semaphore, #tpu.memory_space<semaphore_mem>>) src(%dma_wait3A_40 : memref<80x128xi32, #tpu.memory_space<hbm>>) dst(%arg5 : memref<80x128xi32, #tpu.memory_space<vmem>>)
      tpu.yield
    }) : () -> ()
    "tpu.region"() ({
      %run_scoped3A = tpu.sem_alloc : memref<!tpu.dma_semaphore, #tpu.memory_space<semaphore_mem>>
      %dma_start3A = arith.constant 0 : i32
      %dma_start3A_35 = arith.constant 0 : i32
      %dma_start3A_36 = tpu.memref_slice %arg7[%dma_start3A, %dma_start3A_35] : memref<320x128xf32, #tpu.memory_space<vmem>> -> memref<320x128xf32, #tpu.memory_space<vmem>>
      %dma_start3A_37 = arith.constant 0 : i32
      %dma_start3A_38 = tpu.memref_slice %arg8[%mul3A_2, %dma_start3A_37] : memref<5248x128xf32, #tpu.memory_space<vmem_shared>> -> memref<320x128xf32, #tpu.memory_space<vmem_shared>>
      %dma_start3A_39 = arith.constant 0 : i32
      %dma_start3A_40 = tpu.memref_slice %arg8[%mul3A_2, %dma_start3A_39] : memref<5248x128xf32, #tpu.memory_space<vmem_shared>> -> memref<320x128xf32, #tpu.memory_space<vmem_shared>>
      %dma_start3A_41 = arith.constant 0 : i32
      %dma_start3A_42 = arith.constant 0 : i32
      %dma_start3A_43 = tpu.memref_slice %arg7[%dma_start3A_41, %dma_start3A_42] : memref<320x128xf32, #tpu.memory_space<vmem>> -> memref<320x128xf32, #tpu.memory_space<vmem>>
      tpu.enqueue_dma source(%dma_start3A_43 : memref<320x128xf32, #tpu.memory_space<vmem>>) target(%dma_start3A_40 : memref<320x128xf32, #tpu.memory_space<vmem_shared>>) target_semaphore(%run_scoped3A : memref<!tpu.dma_semaphore, #tpu.memory_space<semaphore_mem>>)
      %dma_wait3A = arith.constant 0 : i32
      %dma_wait3A_44 = arith.constant 0 : i32
      %dma_wait3A_45 = tpu.memref_slice %arg7[%dma_wait3A, %dma_wait3A_44] : memref<320x128xf32, #tpu.memory_space<vmem>> -> memref<320x128xf32, #tpu.memory_space<vmem>>
      %dma_wait3A_46 = arith.constant 0 : i32
      %dma_wait3A_47 = tpu.memref_slice %arg8[%mul3A_2, %dma_wait3A_46] : memref<5248x128xf32, #tpu.memory_space<vmem_shared>> -> memref<320x128xf32, #tpu.memory_space<vmem_shared>>
      %dma_wait3A_48 = arith.constant 0 : i32
      %dma_wait3A_49 = tpu.memref_slice %arg8[%mul3A_2, %dma_wait3A_48] : memref<5248x128xf32, #tpu.memory_space<vmem_shared>> -> memref<320x128xf32, #tpu.memory_space<vmem_shared>>
      %dma_wait3A_50 = arith.constant 0 : i32
      %dma_wait3A_51 = arith.constant 0 : i32
      %dma_wait3A_52 = tpu.memref_slice %arg7[%dma_wait3A_50, %dma_wait3A_51] : memref<320x128xf32, #tpu.memory_space<vmem>> -> memref<320x128xf32, #tpu.memory_space<vmem>>
      tpu.wait_dma2 semaphore(%run_scoped3A : memref<!tpu.dma_semaphore, #tpu.memory_space<semaphore_mem>>) src(%dma_wait3A_52 : memref<320x128xf32, #tpu.memory_space<vmem>>) dst(%dma_wait3A_49 : memref<320x128xf32, #tpu.memory_space<vmem_shared>>)
      tpu.yield
    }) : () -> ()
    %eq3A = arith.constant 15 : i32
    %eq3A_16 = arith.cmpi eq, %arg1, %eq3A : i32
    %convert_element_type3A = arith.extui %eq3A_16 : i1 to i32
    %cond3A = arith.constant 0 : i32
    %cond3A_17 = arith.cmpi ne, %convert_element_type3A, %cond3A : i32
    scf.if %cond3A_17 {
      "tpu.region"() ({
        %run_scoped3A = tpu.sem_alloc : memref<!tpu.dma_semaphore, #tpu.memory_space<semaphore_mem>>
        %dma_start3A = arith.constant 0 : i32
        %dma_start3A_35 = arith.constant 0 : i32
        %dma_start3A_36 = tpu.memref_slice %arg7[%dma_start3A, %dma_start3A_35] : memref<320x128xf32, #tpu.memory_space<vmem>> -> memref<128x128xf32, #tpu.memory_space<vmem>>
        %dma_start3A_37 = arith.constant 5120 : i32
        %dma_start3A_38 = arith.constant 0 : i32
        %dma_start3A_39 = tpu.memref_slice %arg8[%dma_start3A_37, %dma_start3A_38] : memref<5248x128xf32, #tpu.memory_space<vmem_shared>> -> memref<128x128xf32, #tpu.memory_space<vmem_shared>>
        %dma_start3A_40 = arith.constant 5120 : i32
        %dma_start3A_41 = arith.constant 0 : i32
        %dma_start3A_42 = tpu.memref_slice %arg8[%dma_start3A_40, %dma_start3A_41] : memref<5248x128xf32, #tpu.memory_space<vmem_shared>> -> memref<128x128xf32, #tpu.memory_space<vmem_shared>>
        %dma_start3A_43 = arith.constant 0 : i32
        %dma_start3A_44 = arith.constant 0 : i32
        %dma_start3A_45 = tpu.memref_slice %arg7[%dma_start3A_43, %dma_start3A_44] : memref<320x128xf32, #tpu.memory_space<vmem>> -> memref<128x128xf32, #tpu.memory_space<vmem>>
        tpu.enqueue_dma source(%dma_start3A_45 : memref<128x128xf32, #tpu.memory_space<vmem>>) target(%dma_start3A_42 : memref<128x128xf32, #tpu.memory_space<vmem_shared>>) target_semaphore(%run_scoped3A : memref<!tpu.dma_semaphore, #tpu.memory_space<semaphore_mem>>)
        %dma_wait3A = arith.constant 0 : i32
        %dma_wait3A_46 = arith.constant 0 : i32
        %dma_wait3A_47 = tpu.memref_slice %arg7[%dma_wait3A, %dma_wait3A_46] : memref<320x128xf32, #tpu.memory_space<vmem>> -> memref<128x128xf32, #tpu.memory_space<vmem>>
        %dma_wait3A_48 = arith.constant 5120 : i32
        %dma_wait3A_49 = arith.constant 0 : i32
        %dma_wait3A_50 = tpu.memref_slice %arg8[%dma_wait3A_48, %dma_wait3A_49] : memref<5248x128xf32, #tpu.memory_space<vmem_shared>> -> memref<128x128xf32, #tpu.memory_space<vmem_shared>>
        %dma_wait3A_51 = arith.constant 5120 : i32
        %dma_wait3A_52 = arith.constant 0 : i32
        %dma_wait3A_53 = tpu.memref_slice %arg8[%dma_wait3A_51, %dma_wait3A_52] : memref<5248x128xf32, #tpu.memory_space<vmem_shared>> -> memref<128x128xf32, #tpu.memory_space<vmem_shared>>
        %dma_wait3A_54 = arith.constant 0 : i32
        %dma_wait3A_55 = arith.constant 0 : i32
        %dma_wait3A_56 = tpu.memref_slice %arg7[%dma_wait3A_54, %dma_wait3A_55] : memref<320x128xf32, #tpu.memory_space<vmem>> -> memref<128x128xf32, #tpu.memory_space<vmem>>
        tpu.wait_dma2 semaphore(%run_scoped3A : memref<!tpu.dma_semaphore, #tpu.memory_space<semaphore_mem>>) src(%dma_wait3A_56 : memref<128x128xf32, #tpu.memory_space<vmem>>) dst(%dma_wait3A_53 : memref<128x128xf32, #tpu.memory_space<vmem_shared>>)
        tpu.yield
      }) : () -> ()
    } else {
    }
    %barrier3A = arith.constant 0 : index
    tpu.barrier barrier_id(%barrier3A)
    %scan3A_18 = arith.constant 0 : i32
    %scan3A_19 = arith.constant 0 : i32
    %scan3A_20 = arith.constant 80 : i32
    %scan3A_21 = arith.addi %scan3A_19, %scan3A_20 : i32
    %scan3A_22 = arith.constant 1 : i32
    scf.for %scan3A_35 = %scan3A_19 to %scan3A_21 step %scan3A_22  : i32 {
      "tpu.region"() ({
        %run_scoped3A = tpu.sem_alloc : memref<!tpu.dma_semaphore, #tpu.memory_space<semaphore_mem>>
        %dma_start3A = arith.constant 0 : i32
        %dma_start3A_36 = tpu.memref_slice %arg5[%scan3A_35, %dma_start3A] : memref<80x128xi32, #tpu.memory_space<vmem>> -> memref<1x128xi32, #tpu.memory_space<vmem>>
        %dma_start3A_37 = tpu.memref_squeeze %dma_start3A_36 : memref<1x128xi32, #tpu.memory_space<vmem>> -> memref<128xi32, #tpu.memory_space<vmem>>
        %dma_start3A_38 = arith.constant 0 : i32
        %dma_start3A_39 = arith.constant 0 : i32
        %dma_start3A_40 = tpu.memref_slice %arg8[%dma_start3A_38, %dma_start3A_39] : memref<5248x128xf32, #tpu.memory_space<vmem_shared>> -> memref<5248x128xf32, #tpu.memory_space<vmem_shared>>
        tpu.enqueue_indirect_dma source(%arg6 : memref<128x128xf32, #tpu.memory_space<vmem>>) target(%dma_start3A_40 : memref<5248x128xf32, #tpu.memory_space<vmem_shared>>) offsets(%dma_start3A_37 : memref<128xi32, #tpu.memory_space<vmem>>) semaphore(%run_scoped3A : memref<!tpu.dma_semaphore, #tpu.memory_space<semaphore_mem>>) {add = true}
        %dma_wait3A = arith.constant 0 : i32
        %dma_wait3A_41 = tpu.memref_slice %arg5[%scan3A_35, %dma_wait3A] : memref<80x128xi32, #tpu.memory_space<vmem>> -> memref<1x128xi32, #tpu.memory_space<vmem>>
        %dma_wait3A_42 = tpu.memref_squeeze %dma_wait3A_41 : memref<1x128xi32, #tpu.memory_space<vmem>> -> memref<128xi32, #tpu.memory_space<vmem>>
        %dma_wait3A_43 = arith.constant 0 : i32
        %dma_wait3A_44 = arith.constant 0 : i32
        %dma_wait3A_45 = tpu.memref_slice %arg8[%dma_wait3A_43, %dma_wait3A_44] : memref<5248x128xf32, #tpu.memory_space<vmem_shared>> -> memref<5248x128xf32, #tpu.memory_space<vmem_shared>>
        tpu.wait_indirect_dma semaphore(%run_scoped3A : memref<!tpu.dma_semaphore, #tpu.memory_space<semaphore_mem>>) src(%arg6 : memref<128x128xf32, #tpu.memory_space<vmem>>) dst(%dma_wait3A_45 : memref<5248x128xf32, #tpu.memory_space<vmem_shared>>)
        tpu.yield
      }) : () -> ()
    }
    %scan3A_23 = arith.constant 80 : i32
    %barrier3A_24 = arith.constant 0 : index
    tpu.barrier barrier_id(%barrier3A_24)
    "tpu.region"() ({
      %run_scoped3A = tpu.sem_alloc : memref<!tpu.dma_semaphore, #tpu.memory_space<semaphore_mem>>
      %dma_start3A = arith.constant 0 : i32
      %dma_start3A_35 = arith.constant 0 : i32
      %dma_start3A_36 = tpu.memref_slice %arg7[%dma_start3A, %dma_start3A_35] : memref<320x128xf32, #tpu.memory_space<vmem>> -> memref<320x128xf32, #tpu.memory_space<vmem>>
      %dma_start3A_37 = arith.constant 0 : i32
      %dma_start3A_38 = tpu.memref_slice %arg8[%mul3A_2, %dma_start3A_37] : memref<5248x128xf32, #tpu.memory_space<vmem_shared>> -> memref<320x128xf32, #tpu.memory_space<vmem_shared>>
      %dma_start3A_39 = arith.constant 0 : i32
      %dma_start3A_40 = arith.constant 0 : i32
      %dma_start3A_41 = tpu.memref_slice %arg7[%dma_start3A_39, %dma_start3A_40] : memref<320x128xf32, #tpu.memory_space<vmem>> -> memref<320x128xf32, #tpu.memory_space<vmem>>
      %dma_start3A_42 = arith.constant 0 : i32
      %dma_start3A_43 = tpu.memref_slice %arg8[%mul3A_2, %dma_start3A_42] : memref<5248x128xf32, #tpu.memory_space<vmem_shared>> -> memref<320x128xf32, #tpu.memory_space<vmem_shared>>
      tpu.enqueue_dma source(%dma_start3A_43 : memref<320x128xf32, #tpu.memory_space<vmem_shared>>) target(%dma_start3A_41 : memref<320x128xf32, #tpu.memory_space<vmem>>) target_semaphore(%run_scoped3A : memref<!tpu.dma_semaphore, #tpu.memory_space<semaphore_mem>>)
      %dma_wait3A = arith.constant 0 : i32
      %dma_wait3A_44 = arith.constant 0 : i32
      %dma_wait3A_45 = tpu.memref_slice %arg7[%dma_wait3A, %dma_wait3A_44] : memref<320x128xf32, #tpu.memory_space<vmem>> -> memref<320x128xf32, #tpu.memory_space<vmem>>
      %dma_wait3A_46 = arith.constant 0 : i32
      %dma_wait3A_47 = tpu.memref_slice %arg8[%mul3A_2, %dma_wait3A_46] : memref<5248x128xf32, #tpu.memory_space<vmem_shared>> -> memref<320x128xf32, #tpu.memory_space<vmem_shared>>
      %dma_wait3A_48 = arith.constant 0 : i32
      %dma_wait3A_49 = arith.constant 0 : i32
      %dma_wait3A_50 = tpu.memref_slice %arg7[%dma_wait3A_48, %dma_wait3A_49] : memref<320x128xf32, #tpu.memory_space<vmem>> -> memref<320x128xf32, #tpu.memory_space<vmem>>
      %dma_wait3A_51 = arith.constant 0 : i32
      %dma_wait3A_52 = tpu.memref_slice %arg8[%mul3A_2, %dma_wait3A_51] : memref<5248x128xf32, #tpu.memory_space<vmem_shared>> -> memref<320x128xf32, #tpu.memory_space<vmem_shared>>
      tpu.wait_dma2 semaphore(%run_scoped3A : memref<!tpu.dma_semaphore, #tpu.memory_space<semaphore_mem>>) src(%dma_wait3A_52 : memref<320x128xf32, #tpu.memory_space<vmem_shared>>) dst(%dma_wait3A_50 : memref<320x128xf32, #tpu.memory_space<vmem>>)
      tpu.yield
    }) : () -> ()
    %eq3A_25 = arith.constant 0 : i32
    %eq3A_26 = arith.cmpi eq, %arg0, %eq3A_25 : i32
    %convert_element_type3A_27 = arith.extui %eq3A_26 : i1 to i32
    %cond3A_28 = arith.constant 0 : i32
    %cond3A_29 = arith.cmpi ne, %convert_element_type3A_27, %cond3A_28 : i32
    scf.if %cond3A_29 {
      "tpu.region"() ({
        %run_scoped3A = tpu.sem_alloc : memref<!tpu.dma_semaphore, #tpu.memory_space<semaphore_mem>>
        %dma_start3A = arith.constant 0 : i32
        %dma_start3A_35 = arith.constant 0 : i32
        %dma_start3A_36 = tpu.memref_slice %arg7[%dma_start3A, %dma_start3A_35] : memref<320x128xf32, #tpu.memory_space<vmem>> -> memref<320x128xf32, #tpu.memory_space<vmem>>
        %dma_start3A_37 = arith.constant 0 : i32
        %dma_start3A_38 = tpu.memref_slice %arg3[%mul3A_2, %dma_start3A_37] : memref<5120x128xf32, #tpu.memory_space<hbm>> -> memref<320x128xf32, #tpu.memory_space<hbm>>
        %dma_start3A_39 = arith.constant 0 : i32
        %dma_start3A_40 = tpu.memref_slice %arg3[%mul3A_2, %dma_start3A_39] : memref<5120x128xf32, #tpu.memory_space<hbm>> -> memref<320x128xf32, #tpu.memory_space<hbm>>
        %dma_start3A_41 = arith.constant 0 : i32
        %dma_start3A_42 = arith.constant 0 : i32
        %dma_start3A_43 = tpu.memref_slice %arg7[%dma_start3A_41, %dma_start3A_42] : memref<320x128xf32, #tpu.memory_space<vmem>> -> memref<320x128xf32, #tpu.memory_space<vmem>>
        tpu.enqueue_dma source(%dma_start3A_43 : memref<320x128xf32, #tpu.memory_space<vmem>>) target(%dma_start3A_40 : memref<320x128xf32, #tpu.memory_space<hbm>>) target_semaphore(%run_scoped3A : memref<!tpu.dma_semaphore, #tpu.memory_space<semaphore_mem>>)
        %dma_wait3A = arith.constant 0 : i32
        %dma_wait3A_44 = arith.constant 0 : i32
        %dma_wait3A_45 = tpu.memref_slice %arg7[%dma_wait3A, %dma_wait3A_44] : memref<320x128xf32, #tpu.memory_space<vmem>> -> memref<320x128xf32, #tpu.memory_space<vmem>>
        %dma_wait3A_46 = arith.constant 0 : i32
        %dma_wait3A_47 = tpu.memref_slice %arg3[%mul3A_2, %dma_wait3A_46] : memref<5120x128xf32, #tpu.memory_space<hbm>> -> memref<320x128xf32, #tpu.memory_space<hbm>>
        %dma_wait3A_48 = arith.constant 0 : i32
        %dma_wait3A_49 = tpu.memref_slice %arg3[%mul3A_2, %dma_wait3A_48] : memref<5120x128xf32, #tpu.memory_space<hbm>> -> memref<320x128xf32, #tpu.memory_space<hbm>>
        %dma_wait3A_50 = arith.constant 0 : i32
        %dma_wait3A_51 = arith.constant 0 : i32
        %dma_wait3A_52 = tpu.memref_slice %arg7[%dma_wait3A_50, %dma_wait3A_51] : memref<320x128xf32, #tpu.memory_space<vmem>> -> memref<320x128xf32, #tpu.memory_space<vmem>>
        tpu.wait_dma2 semaphore(%run_scoped3A : memref<!tpu.dma_semaphore, #tpu.memory_space<semaphore_mem>>) src(%dma_wait3A_52 : memref<320x128xf32, #tpu.memory_space<vmem>>) dst(%dma_wait3A_49 : memref<320x128xf32, #tpu.memory_space<hbm>>)
        tpu.yield
      }) : () -> ()
    } else {
    }
    %eq3A_30 = arith.constant 1 : i32
    %eq3A_31 = arith.cmpi eq, %arg0, %eq3A_30 : i32
    %convert_element_type3A_32 = arith.extui %eq3A_31 : i1 to i32
    %cond3A_33 = arith.constant 0 : i32
    %cond3A_34 = arith.cmpi ne, %convert_element_type3A_32, %cond3A_33 : i32
    scf.if %cond3A_34 {
      "tpu.region"() ({
        %run_scoped3A = tpu.sem_alloc : memref<!tpu.dma_semaphore, #tpu.memory_space<semaphore_mem>>
        %dma_start3A = arith.constant 0 : i32
        %dma_start3A_35 = arith.constant 0 : i32
        %dma_start3A_36 = tpu.memref_slice %arg7[%dma_start3A, %dma_start3A_35] : memref<320x128xf32, #tpu.memory_space<vmem>> -> memref<320x128xf32, #tpu.memory_space<vmem>>
        %dma_start3A_37 = arith.constant 0 : i32
        %dma_start3A_38 = tpu.memref_slice %arg4[%mul3A_2, %dma_start3A_37] : memref<5120x128xf32, #tpu.memory_space<hbm>> -> memref<320x128xf32, #tpu.memory_space<hbm>>
        %dma_start3A_39 = arith.constant 0 : i32
        %dma_start3A_40 = tpu.memref_slice %arg4[%mul3A_2, %dma_start3A_39] : memref<5120x128xf32, #tpu.memory_space<hbm>> -> memref<320x128xf32, #tpu.memory_space<hbm>>
        %dma_start3A_41 = arith.constant 0 : i32
        %dma_start3A_42 = arith.constant 0 : i32
        %dma_start3A_43 = tpu.memref_slice %arg7[%dma_start3A_41, %dma_start3A_42] : memref<320x128xf32, #tpu.memory_space<vmem>> -> memref<320x128xf32, #tpu.memory_space<vmem>>
        tpu.enqueue_dma source(%dma_start3A_43 : memref<320x128xf32, #tpu.memory_space<vmem>>) target(%dma_start3A_40 : memref<320x128xf32, #tpu.memory_space<hbm>>) target_semaphore(%run_scoped3A : memref<!tpu.dma_semaphore, #tpu.memory_space<semaphore_mem>>)
        %dma_wait3A = arith.constant 0 : i32
        %dma_wait3A_44 = arith.constant 0 : i32
        %dma_wait3A_45 = tpu.memref_slice %arg7[%dma_wait3A, %dma_wait3A_44] : memref<320x128xf32, #tpu.memory_space<vmem>> -> memref<320x128xf32, #tpu.memory_space<vmem>>
        %dma_wait3A_46 = arith.constant 0 : i32
        %dma_wait3A_47 = tpu.memref_slice %arg4[%mul3A_2, %dma_wait3A_46] : memref<5120x128xf32, #tpu.memory_space<hbm>> -> memref<320x128xf32, #tpu.memory_space<hbm>>
        %dma_wait3A_48 = arith.constant 0 : i32
        %dma_wait3A_49 = tpu.memref_slice %arg4[%mul3A_2, %dma_wait3A_48] : memref<5120x128xf32, #tpu.memory_space<hbm>> -> memref<320x128xf32, #tpu.memory_space<hbm>>
        %dma_wait3A_50 = arith.constant 0 : i32
        %dma_wait3A_51 = arith.constant 0 : i32
        %dma_wait3A_52 = tpu.memref_slice %arg7[%dma_wait3A_50, %dma_wait3A_51] : memref<320x128xf32, #tpu.memory_space<vmem>> -> memref<320x128xf32, #tpu.memory_space<vmem>>
        tpu.wait_dma2 semaphore(%run_scoped3A : memref<!tpu.dma_semaphore, #tpu.memory_space<semaphore_mem>>) src(%dma_wait3A_52 : memref<320x128xf32, #tpu.memory_space<vmem>>) dst(%dma_wait3A_49 : memref<320x128xf32, #tpu.memory_space<hbm>>)
        tpu.yield
      }) : () -> ()
    } else {
    }
    return
  }
}

#map = affine_map<(d0, d1) -> (0, 0)>
module attributes {stable_mosaic.version = 14 : i64} {
  func.func @_sc_deg(%arg0: i32, %arg1: i32, %arg2: memref<2560x128xi32, #tpu.memory_space<hbm>>, %arg3: memref<5120x128xf32, #tpu.memory_space<hbm>>, %arg4: memref<5120x128xf32, #tpu.memory_space<hbm>>, %arg5: memref<80x128xi32, #tpu.memory_space<vmem>>, %arg6: memref<128x128xf32, #tpu.memory_space<vmem>>, %arg7: memref<320x128xf32, #tpu.memory_space<vmem>>, %arg8: memref<5248x128xf32, #tpu.memory_space<vmem_shared>>, %arg9: memref<!tpu.dma_semaphore, #tpu.memory_space<semaphore_mem>>) attributes {dimension_semantics = [#tpu.dimension_semantics<core_parallel>, #tpu.dimension_semantics<subcore_parallel>], iteration_bounds = array<i64: 2, 16>, scalar_prefetch = 0 : i64, scratch_operands = 5 : i64, tpu.core_type = #tpu.core_type<sc_vector_subcore>, window_params = [{transform_indices = #map}, {transform_indices = #map}, {transform_indices = #map}]} {
    %mul3A = arith.constant 2 : i32
    %mul3A_0 = arith.muli %arg1, %mul3A : i32
    %add3A = arith.addi %mul3A_0, %arg0 : i32
    %mul3A_1 = arith.constant 320 : i32
    %mul3A_2 = arith.muli %arg1, %mul3A_1 : i32
    %scan3A = arith.constant 0 : i32
    %scan3A_3 = arith.constant 0 : i32
    %scan3A_4 = arith.constant 128 : i32
    %scan3A_5 = arith.addi %scan3A_3, %scan3A_4 : i32
    %scan3A_6 = arith.constant 1 : i32
    scf.for %scan3A_35 = %scan3A_3 to %scan3A_5 step %scan3A_6  : i32 {
      %broadcast_in_dim3A = arith.constant 1.000000e+00 : f32
      %broadcast_in_dim3A_36 = vector.broadcast %broadcast_in_dim3A : f32 to vector<16xf32>
      %swap3A = arith.index_cast %scan3A_35 : i32 to index
      %swap3A_37 = arith.constant 0 : index
      %swap3A_38 = tpu.vector_load %arg6[%swap3A, %swap3A_37] {strides = array<i32>} : memref<128x128xf32, #tpu.memory_space<vmem>>, vector<1x16xf32>,
      %swap3A_39 = vector.shape_cast %swap3A_38 : vector<1x16xf32> to vector<16xf32>
      %swap3A_40 = vector.shape_cast %broadcast_in_dim3A_36 : vector<16xf32> to vector<1x16xf32>
      tpu.vector_store %arg6[%swap3A, %swap3A_37], %swap3A_40 {strides = array<i32>} : memref<128x128xf32, #tpu.memory_space<vmem>>, vector<1x16xf32>,
      %broadcast_in_dim3A_41 = arith.constant 1.000000e+00 : f32
      %broadcast_in_dim3A_42 = vector.broadcast %broadcast_in_dim3A_41 : f32 to vector<16xf32>
      %swap3A_43 = arith.index_cast %scan3A_35 : i32 to index
      %swap3A_44 = arith.constant 16 : index
      %swap3A_45 = tpu.vector_load %arg6[%swap3A_43, %swap3A_44] {strides = array<i32>} : memref<128x128xf32, #tpu.memory_space<vmem>>, vector<1x16xf32>,
      %swap3A_46 = vector.shape_cast %swap3A_45 : vector<1x16xf32> to vector<16xf32>
      %swap3A_47 = vector.shape_cast %broadcast_in_dim3A_42 : vector<16xf32> to vector<1x16xf32>
      tpu.vector_store %arg6[%swap3A_43, %swap3A_44], %swap3A_47 {strides = array<i32>} : memref<128x128xf32, #tpu.memory_space<vmem>>, vector<1x16xf32>,
      %broadcast_in_dim3A_48 = arith.constant 1.000000e+00 : f32
      %broadcast_in_dim3A_49 = vector.broadcast %broadcast_in_dim3A_48 : f32 to vector<16xf32>
      %swap3A_50 = arith.index_cast %scan3A_35 : i32 to index
      %swap3A_51 = arith.constant 32 : index
      %swap3A_52 = tpu.vector_load %arg6[%swap3A_50, %swap3A_51] {strides = array<i32>} : memref<128x128xf32, #tpu.memory_space<vmem>>, vector<1x16xf32>,
      %swap3A_53 = vector.shape_cast %swap3A_52 : vector<1x16xf32> to vector<16xf32>
      %swap3A_54 = vector.shape_cast %broadcast_in_dim3A_49 : vector<16xf32> to vector<1x16xf32>
      tpu.vector_store %arg6[%swap3A_50, %swap3A_51], %swap3A_54 {strides = array<i32>} : memref<128x128xf32, #tpu.memory_space<vmem>>, vector<1x16xf32>,
      %broadcast_in_dim3A_55 = arith.constant 1.000000e+00 : f32
      %broadcast_in_dim3A_56 = vector.broadcast %broadcast_in_dim3A_55 : f32 to vector<16xf32>
      %swap3A_57 = arith.index_cast %scan3A_35 : i32 to index
      %swap3A_58 = arith.constant 48 : index
      %swap3A_59 = tpu.vector_load %arg6[%swap3A_57, %swap3A_58] {strides = array<i32>} : memref<128x128xf32, #tpu.memory_space<vmem>>, vector<1x16xf32>,
      %swap3A_60 = vector.shape_cast %swap3A_59 : vector<1x16xf32> to vector<16xf32>
      %swap3A_61 = vector.shape_cast %broadcast_in_dim3A_56 : vector<16xf32> to vector<1x16xf32>
      tpu.vector_store %arg6[%swap3A_57, %swap3A_58], %swap3A_61 {strides = array<i32>} : memref<128x128xf32, #tpu.memory_space<vmem>>, vector<1x16xf32>,
      %broadcast_in_dim3A_62 = arith.constant 1.000000e+00 : f32
      %broadcast_in_dim3A_63 = vector.broadcast %broadcast_in_dim3A_62 : f32 to vector<16xf32>
      %swap3A_64 = arith.index_cast %scan3A_35 : i32 to index
      %swap3A_65 = arith.constant 64 : index
      %swap3A_66 = tpu.vector_load %arg6[%swap3A_64, %swap3A_65] {strides = array<i32>} : memref<128x128xf32, #tpu.memory_space<vmem>>, vector<1x16xf32>,
      %swap3A_67 = vector.shape_cast %swap3A_66 : vector<1x16xf32> to vector<16xf32>
      %swap3A_68 = vector.shape_cast %broadcast_in_dim3A_63 : vector<16xf32> to vector<1x16xf32>
      tpu.vector_store %arg6[%swap3A_64, %swap3A_65], %swap3A_68 {strides = array<i32>} : memref<128x128xf32, #tpu.memory_space<vmem>>, vector<1x16xf32>,
      %broadcast_in_dim3A_69 = arith.constant 1.000000e+00 : f32
      %broadcast_in_dim3A_70 = vector.broadcast %broadcast_in_dim3A_69 : f32 to vector<16xf32>
      %swap3A_71 = arith.index_cast %scan3A_35 : i32 to index
      %swap3A_72 = arith.constant 80 : index
      %swap3A_73 = tpu.vector_load %arg6[%swap3A_71, %swap3A_72] {strides = array<i32>} : memref<128x128xf32, #tpu.memory_space<vmem>>, vector<1x16xf32>,
      %swap3A_74 = vector.shape_cast %swap3A_73 : vector<1x16xf32> to vector<16xf32>
      %swap3A_75 = vector.shape_cast %broadcast_in_dim3A_70 : vector<16xf32> to vector<1x16xf32>
      tpu.vector_store %arg6[%swap3A_71, %swap3A_72], %swap3A_75 {strides = array<i32>} : memref<128x128xf32, #tpu.memory_space<vmem>>, vector<1x16xf32>,
      %broadcast_in_dim3A_76 = arith.constant 1.000000e+00 : f32
      %broadcast_in_dim3A_77 = vector.broadcast %broadcast_in_dim3A_76 : f32 to vector<16xf32>
      %swap3A_78 = arith.index_cast %scan3A_35 : i32 to index
      %swap3A_79 = arith.constant 96 : index
      %swap3A_80 = tpu.vector_load %arg6[%swap3A_78, %swap3A_79] {strides = array<i32>} : memref<128x128xf32, #tpu.memory_space<vmem>>, vector<1x16xf32>,
      %swap3A_81 = vector.shape_cast %swap3A_80 : vector<1x16xf32> to vector<16xf32>
      %swap3A_82 = vector.shape_cast %broadcast_in_dim3A_77 : vector<16xf32> to vector<1x16xf32>
      tpu.vector_store %arg6[%swap3A_78, %swap3A_79], %swap3A_82 {strides = array<i32>} : memref<128x128xf32, #tpu.memory_space<vmem>>, vector<1x16xf32>,
      %broadcast_in_dim3A_83 = arith.constant 1.000000e+00 : f32
      %broadcast_in_dim3A_84 = vector.broadcast %broadcast_in_dim3A_83 : f32 to vector<16xf32>
      %swap3A_85 = arith.index_cast %scan3A_35 : i32 to index
      %swap3A_86 = arith.constant 112 : index
      %swap3A_87 = tpu.vector_load %arg6[%swap3A_85, %swap3A_86] {strides = array<i32>} : memref<128x128xf32, #tpu.memory_space<vmem>>, vector<1x16xf32>,
      %swap3A_88 = vector.shape_cast %swap3A_87 : vector<1x16xf32> to vector<16xf32>
      %swap3A_89 = vector.shape_cast %broadcast_in_dim3A_84 : vector<16xf32> to vector<1x16xf32>
      tpu.vector_store %arg6[%swap3A_85, %swap3A_86], %swap3A_89 {strides = array<i32>} : memref<128x128xf32, #tpu.memory_space<vmem>>, vector<1x16xf32>,
    }
    %scan3A_7 = arith.constant 128 : i32
    %scan3A_8 = arith.constant 0 : i32
    %scan3A_9 = arith.constant 0 : i32
    %scan3A_10 = arith.constant 320 : i32
    %scan3A_11 = arith.addi %scan3A_9, %scan3A_10 : i32
    %scan3A_12 = arith.constant 1 : i32
    scf.for %scan3A_35 = %scan3A_9 to %scan3A_11 step %scan3A_12  : i32 {
      %broadcast_in_dim3A = arith.constant 0.000000e+00 : f32
      %broadcast_in_dim3A_36 = vector.broadcast %broadcast_in_dim3A : f32 to vector<16xf32>
      %swap3A = arith.index_cast %scan3A_35 : i32 to index
      %swap3A_37 = arith.constant 0 : index
      %swap3A_38 = tpu.vector_load %arg7[%swap3A, %swap3A_37] {strides = array<i32>} : memref<320x128xf32, #tpu.memory_space<vmem>>, vector<1x16xf32>,
      %swap3A_39 = vector.shape_cast %swap3A_38 : vector<1x16xf32> to vector<16xf32>
      %swap3A_40 = vector.shape_cast %broadcast_in_dim3A_36 : vector<16xf32> to vector<1x16xf32>
      tpu.vector_store %arg7[%swap3A, %swap3A_37], %swap3A_40 {strides = array<i32>} : memref<320x128xf32, #tpu.memory_space<vmem>>, vector<1x16xf32>,
      %broadcast_in_dim3A_41 = arith.constant 0.000000e+00 : f32
      %broadcast_in_dim3A_42 = vector.broadcast %broadcast_in_dim3A_41 : f32 to vector<16xf32>
      %swap3A_43 = arith.index_cast %scan3A_35 : i32 to index
      %swap3A_44 = arith.constant 16 : index
      %swap3A_45 = tpu.vector_load %arg7[%swap3A_43, %swap3A_44] {strides = array<i32>} : memref<320x128xf32, #tpu.memory_space<vmem>>, vector<1x16xf32>,
      %swap3A_46 = vector.shape_cast %swap3A_45 : vector<1x16xf32> to vector<16xf32>
      %swap3A_47 = vector.shape_cast %broadcast_in_dim3A_42 : vector<16xf32> to vector<1x16xf32>
      tpu.vector_store %arg7[%swap3A_43, %swap3A_44], %swap3A_47 {strides = array<i32>} : memref<320x128xf32, #tpu.memory_space<vmem>>, vector<1x16xf32>,
      %broadcast_in_dim3A_48 = arith.constant 0.000000e+00 : f32
      %broadcast_in_dim3A_49 = vector.broadcast %broadcast_in_dim3A_48 : f32 to vector<16xf32>
      %swap3A_50 = arith.index_cast %scan3A_35 : i32 to index
      %swap3A_51 = arith.constant 32 : index
      %swap3A_52 = tpu.vector_load %arg7[%swap3A_50, %swap3A_51] {strides = array<i32>} : memref<320x128xf32, #tpu.memory_space<vmem>>, vector<1x16xf32>,
      %swap3A_53 = vector.shape_cast %swap3A_52 : vector<1x16xf32> to vector<16xf32>
      %swap3A_54 = vector.shape_cast %broadcast_in_dim3A_49 : vector<16xf32> to vector<1x16xf32>
      tpu.vector_store %arg7[%swap3A_50, %swap3A_51], %swap3A_54 {strides = array<i32>} : memref<320x128xf32, #tpu.memory_space<vmem>>, vector<1x16xf32>,
      %broadcast_in_dim3A_55 = arith.constant 0.000000e+00 : f32
      %broadcast_in_dim3A_56 = vector.broadcast %broadcast_in_dim3A_55 : f32 to vector<16xf32>
      %swap3A_57 = arith.index_cast %scan3A_35 : i32 to index
      %swap3A_58 = arith.constant 48 : index
      %swap3A_59 = tpu.vector_load %arg7[%swap3A_57, %swap3A_58] {strides = array<i32>} : memref<320x128xf32, #tpu.memory_space<vmem>>, vector<1x16xf32>,
      %swap3A_60 = vector.shape_cast %swap3A_59 : vector<1x16xf32> to vector<16xf32>
      %swap3A_61 = vector.shape_cast %broadcast_in_dim3A_56 : vector<16xf32> to vector<1x16xf32>
      tpu.vector_store %arg7[%swap3A_57, %swap3A_58], %swap3A_61 {strides = array<i32>} : memref<320x128xf32, #tpu.memory_space<vmem>>, vector<1x16xf32>,
      %broadcast_in_dim3A_62 = arith.constant 0.000000e+00 : f32
      %broadcast_in_dim3A_63 = vector.broadcast %broadcast_in_dim3A_62 : f32 to vector<16xf32>
      %swap3A_64 = arith.index_cast %scan3A_35 : i32 to index
      %swap3A_65 = arith.constant 64 : index
      %swap3A_66 = tpu.vector_load %arg7[%swap3A_64, %swap3A_65] {strides = array<i32>} : memref<320x128xf32, #tpu.memory_space<vmem>>, vector<1x16xf32>,
      %swap3A_67 = vector.shape_cast %swap3A_66 : vector<1x16xf32> to vector<16xf32>
      %swap3A_68 = vector.shape_cast %broadcast_in_dim3A_63 : vector<16xf32> to vector<1x16xf32>
      tpu.vector_store %arg7[%swap3A_64, %swap3A_65], %swap3A_68 {strides = array<i32>} : memref<320x128xf32, #tpu.memory_space<vmem>>, vector<1x16xf32>,
      %broadcast_in_dim3A_69 = arith.constant 0.000000e+00 : f32
      %broadcast_in_dim3A_70 = vector.broadcast %broadcast_in_dim3A_69 : f32 to vector<16xf32>
      %swap3A_71 = arith.index_cast %scan3A_35 : i32 to index
      %swap3A_72 = arith.constant 80 : index
      %swap3A_73 = tpu.vector_load %arg7[%swap3A_71, %swap3A_72] {strides = array<i32>} : memref<320x128xf32, #tpu.memory_space<vmem>>, vector<1x16xf32>,
      %swap3A_74 = vector.shape_cast %swap3A_73 : vector<1x16xf32> to vector<16xf32>
      %swap3A_75 = vector.shape_cast %broadcast_in_dim3A_70 : vector<16xf32> to vector<1x16xf32>
      tpu.vector_store %arg7[%swap3A_71, %swap3A_72], %swap3A_75 {strides = array<i32>} : memref<320x128xf32, #tpu.memory_space<vmem>>, vector<1x16xf32>,
      %broadcast_in_dim3A_76 = arith.constant 0.000000e+00 : f32
      %broadcast_in_dim3A_77 = vector.broadcast %broadcast_in_dim3A_76 : f32 to vector<16xf32>
      %swap3A_78 = arith.index_cast %scan3A_35 : i32 to index
      %swap3A_79 = arith.constant 96 : index
      %swap3A_80 = tpu.vector_load %arg7[%swap3A_78, %swap3A_79] {strides = array<i32>} : memref<320x128xf32, #tpu.memory_space<vmem>>, vector<1x16xf32>,
      %swap3A_81 = vector.shape_cast %swap3A_80 : vector<1x16xf32> to vector<16xf32>
      %swap3A_82 = vector.shape_cast %broadcast_in_dim3A_77 : vector<16xf32> to vector<1x16xf32>
      tpu.vector_store %arg7[%swap3A_78, %swap3A_79], %swap3A_82 {strides = array<i32>} : memref<320x128xf32, #tpu.memory_space<vmem>>, vector<1x16xf32>,
      %broadcast_in_dim3A_83 = arith.constant 0.000000e+00 : f32
      %broadcast_in_dim3A_84 = vector.broadcast %broadcast_in_dim3A_83 : f32 to vector<16xf32>
      %swap3A_85 = arith.index_cast %scan3A_35 : i32 to index
      %swap3A_86 = arith.constant 112 : index
      %swap3A_87 = tpu.vector_load %arg7[%swap3A_85, %swap3A_86] {strides = array<i32>} : memref<320x128xf32, #tpu.memory_space<vmem>>, vector<1x16xf32>,
      %swap3A_88 = vector.shape_cast %swap3A_87 : vector<1x16xf32> to vector<16xf32>
      %swap3A_89 = vector.shape_cast %broadcast_in_dim3A_84 : vector<16xf32> to vector<1x16xf32>
      tpu.vector_store %arg7[%swap3A_85, %swap3A_86], %swap3A_89 {strides = array<i32>} : memref<320x128xf32, #tpu.memory_space<vmem>>, vector<1x16xf32>,
    }
    %scan3A_13 = arith.constant 320 : i32
    %mul3A_14 = arith.constant 80 : i32
    %mul3A_15 = arith.muli %add3A, %mul3A_14 : i32
    "tpu.region"() ({
      %run_scoped3A = tpu.sem_alloc : memref<!tpu.dma_semaphore, #tpu.memory_space<semaphore_mem>>
      %dma_start3A = arith.constant 0 : i32
      %dma_start3A_35 = tpu.memref_slice %arg2[%mul3A_15, %dma_start3A] : memref<2560x128xi32, #tpu.memory_space<hbm>> -> memref<80x128xi32, #tpu.memory_space<hbm>>
      %dma_start3A_36 = arith.constant 0 : i32
      %dma_start3A_37 = tpu.memref_slice %arg2[%mul3A_15, %dma_start3A_36] : memref<2560x128xi32, #tpu.memory_space<hbm>> -> memref<80x128xi32, #tpu.memory_space<hbm>>
      tpu.enqueue_dma source(%dma_start3A_37 : memref<80x128xi32, #tpu.memory_space<hbm>>) target(%arg5 : memref<80x128xi32, #tpu.memory_space<vmem>>) target_semaphore(%run_scoped3A : memref<!tpu.dma_semaphore, #tpu.memory_space<semaphore_mem>>)
      %dma_wait3A = arith.constant 0 : i32
      %dma_wait3A_38 = tpu.memref_slice %arg2[%mul3A_15, %dma_wait3A] : memref<2560x128xi32, #tpu.memory_space<hbm>> -> memref<80x128xi32, #tpu.memory_space<hbm>>
      %dma_wait3A_39 = arith.constant 0 : i32
      %dma_wait3A_40 = tpu.memref_slice %arg2[%mul3A_15, %dma_wait3A_39] : memref<2560x128xi32, #tpu.memory_space<hbm>> -> memref<80x128xi32, #tpu.memory_space<hbm>>
      tpu.wait_dma2 semaphore(%run_scoped3A : memref<!tpu.dma_semaphore, #tpu.memory_space<semaphore_mem>>) src(%dma_wait3A_40 : memref<80x128xi32, #tpu.memory_space<hbm>>) dst(%arg5 : memref<80x128xi32, #tpu.memory_space<vmem>>)
      tpu.yield
    }) : () -> ()
    "tpu.region"() ({
      %run_scoped3A = tpu.sem_alloc : memref<!tpu.dma_semaphore, #tpu.memory_space<semaphore_mem>>
      %dma_start3A = arith.constant 0 : i32
      %dma_start3A_35 = arith.constant 0 : i32
      %dma_start3A_36 = tpu.memref_slice %arg7[%dma_start3A, %dma_start3A_35] : memref<320x128xf32, #tpu.memory_space<vmem>> -> memref<320x128xf32, #tpu.memory_space<vmem>>
      %dma_start3A_37 = arith.constant 0 : i32
      %dma_start3A_38 = tpu.memref_slice %arg8[%mul3A_2, %dma_start3A_37] : memref<5248x128xf32, #tpu.memory_space<vmem_shared>> -> memref<320x128xf32, #tpu.memory_space<vmem_shared>>
      %dma_start3A_39 = arith.constant 0 : i32
      %dma_start3A_40 = tpu.memref_slice %arg8[%mul3A_2, %dma_start3A_39] : memref<5248x128xf32, #tpu.memory_space<vmem_shared>> -> memref<320x128xf32, #tpu.memory_space<vmem_shared>>
      %dma_start3A_41 = arith.constant 0 : i32
      %dma_start3A_42 = arith.constant 0 : i32
      %dma_start3A_43 = tpu.memref_slice %arg7[%dma_start3A_41, %dma_start3A_42] : memref<320x128xf32, #tpu.memory_space<vmem>> -> memref<320x128xf32, #tpu.memory_space<vmem>>
      tpu.enqueue_dma source(%dma_start3A_43 : memref<320x128xf32, #tpu.memory_space<vmem>>) target(%dma_start3A_40 : memref<320x128xf32, #tpu.memory_space<vmem_shared>>) target_semaphore(%run_scoped3A : memref<!tpu.dma_semaphore, #tpu.memory_space<semaphore_mem>>)
      %dma_wait3A = arith.constant 0 : i32
      %dma_wait3A_44 = arith.constant 0 : i32
      %dma_wait3A_45 = tpu.memref_slice %arg7[%dma_wait3A, %dma_wait3A_44] : memref<320x128xf32, #tpu.memory_space<vmem>> -> memref<320x128xf32, #tpu.memory_space<vmem>>
      %dma_wait3A_46 = arith.constant 0 : i32
      %dma_wait3A_47 = tpu.memref_slice %arg8[%mul3A_2, %dma_wait3A_46] : memref<5248x128xf32, #tpu.memory_space<vmem_shared>> -> memref<320x128xf32, #tpu.memory_space<vmem_shared>>
      %dma_wait3A_48 = arith.constant 0 : i32
      %dma_wait3A_49 = tpu.memref_slice %arg8[%mul3A_2, %dma_wait3A_48] : memref<5248x128xf32, #tpu.memory_space<vmem_shared>> -> memref<320x128xf32, #tpu.memory_space<vmem_shared>>
      %dma_wait3A_50 = arith.constant 0 : i32
      %dma_wait3A_51 = arith.constant 0 : i32
      %dma_wait3A_52 = tpu.memref_slice %arg7[%dma_wait3A_50, %dma_wait3A_51] : memref<320x128xf32, #tpu.memory_space<vmem>> -> memref<320x128xf32, #tpu.memory_space<vmem>>
      tpu.wait_dma2 semaphore(%run_scoped3A : memref<!tpu.dma_semaphore, #tpu.memory_space<semaphore_mem>>) src(%dma_wait3A_52 : memref<320x128xf32, #tpu.memory_space<vmem>>) dst(%dma_wait3A_49 : memref<320x128xf32, #tpu.memory_space<vmem_shared>>)
      tpu.yield
    }) : () -> ()
    %eq3A = arith.constant 15 : i32
    %eq3A_16 = arith.cmpi eq, %arg1, %eq3A : i32
    %convert_element_type3A = arith.extui %eq3A_16 : i1 to i32
    %cond3A = arith.constant 0 : i32
    %cond3A_17 = arith.cmpi ne, %convert_element_type3A, %cond3A : i32
    scf.if %cond3A_17 {
      "tpu.region"() ({
        %run_scoped3A = tpu.sem_alloc : memref<!tpu.dma_semaphore, #tpu.memory_space<semaphore_mem>>
        %dma_start3A = arith.constant 0 : i32
        %dma_start3A_35 = arith.constant 0 : i32
        %dma_start3A_36 = tpu.memref_slice %arg7[%dma_start3A, %dma_start3A_35] : memref<320x128xf32, #tpu.memory_space<vmem>> -> memref<128x128xf32, #tpu.memory_space<vmem>>
        %dma_start3A_37 = arith.constant 5120 : i32
        %dma_start3A_38 = arith.constant 0 : i32
        %dma_start3A_39 = tpu.memref_slice %arg8[%dma_start3A_37, %dma_start3A_38] : memref<5248x128xf32, #tpu.memory_space<vmem_shared>> -> memref<128x128xf32, #tpu.memory_space<vmem_shared>>
        %dma_start3A_40 = arith.constant 5120 : i32
        %dma_start3A_41 = arith.constant 0 : i32
        %dma_start3A_42 = tpu.memref_slice %arg8[%dma_start3A_40, %dma_start3A_41] : memref<5248x128xf32, #tpu.memory_space<vmem_shared>> -> memref<128x128xf32, #tpu.memory_space<vmem_shared>>
        %dma_start3A_43 = arith.constant 0 : i32
        %dma_start3A_44 = arith.constant 0 : i32
        %dma_start3A_45 = tpu.memref_slice %arg7[%dma_start3A_43, %dma_start3A_44] : memref<320x128xf32, #tpu.memory_space<vmem>> -> memref<128x128xf32, #tpu.memory_space<vmem>>
        tpu.enqueue_dma source(%dma_start3A_45 : memref<128x128xf32, #tpu.memory_space<vmem>>) target(%dma_start3A_42 : memref<128x128xf32, #tpu.memory_space<vmem_shared>>) target_semaphore(%run_scoped3A : memref<!tpu.dma_semaphore, #tpu.memory_space<semaphore_mem>>)
        %dma_wait3A = arith.constant 0 : i32
        %dma_wait3A_46 = arith.constant 0 : i32
        %dma_wait3A_47 = tpu.memref_slice %arg7[%dma_wait3A, %dma_wait3A_46] : memref<320x128xf32, #tpu.memory_space<vmem>> -> memref<128x128xf32, #tpu.memory_space<vmem>>
        %dma_wait3A_48 = arith.constant 5120 : i32
        %dma_wait3A_49 = arith.constant 0 : i32
        %dma_wait3A_50 = tpu.memref_slice %arg8[%dma_wait3A_48, %dma_wait3A_49] : memref<5248x128xf32, #tpu.memory_space<vmem_shared>> -> memref<128x128xf32, #tpu.memory_space<vmem_shared>>
        %dma_wait3A_51 = arith.constant 5120 : i32
        %dma_wait3A_52 = arith.constant 0 : i32
        %dma_wait3A_53 = tpu.memref_slice %arg8[%dma_wait3A_51, %dma_wait3A_52] : memref<5248x128xf32, #tpu.memory_space<vmem_shared>> -> memref<128x128xf32, #tpu.memory_space<vmem_shared>>
        %dma_wait3A_54 = arith.constant 0 : i32
        %dma_wait3A_55 = arith.constant 0 : i32
        %dma_wait3A_56 = tpu.memref_slice %arg7[%dma_wait3A_54, %dma_wait3A_55] : memref<320x128xf32, #tpu.memory_space<vmem>> -> memref<128x128xf32, #tpu.memory_space<vmem>>
        tpu.wait_dma2 semaphore(%run_scoped3A : memref<!tpu.dma_semaphore, #tpu.memory_space<semaphore_mem>>) src(%dma_wait3A_56 : memref<128x128xf32, #tpu.memory_space<vmem>>) dst(%dma_wait3A_53 : memref<128x128xf32, #tpu.memory_space<vmem_shared>>)
        tpu.yield
      }) : () -> ()
    } else {
    }
    %barrier3A = arith.constant 0 : index
    tpu.barrier barrier_id(%barrier3A)
    %scan3A_18 = arith.constant 0 : i32
    %scan3A_19 = arith.constant 0 : i32
    %scan3A_20 = arith.constant 80 : i32
    %scan3A_21 = arith.addi %scan3A_19, %scan3A_20 : i32
    %scan3A_22 = arith.constant 1 : i32
    scf.for %scan3A_35 = %scan3A_19 to %scan3A_21 step %scan3A_22  : i32 {
      "tpu.region"() ({
        %run_scoped3A = tpu.sem_alloc : memref<!tpu.dma_semaphore, #tpu.memory_space<semaphore_mem>>
        %dma_start3A = arith.constant 0 : i32
        %dma_start3A_36 = tpu.memref_slice %arg5[%scan3A_35, %dma_start3A] : memref<80x128xi32, #tpu.memory_space<vmem>> -> memref<1x128xi32, #tpu.memory_space<vmem>>
        %dma_start3A_37 = tpu.memref_squeeze %dma_start3A_36 : memref<1x128xi32, #tpu.memory_space<vmem>> -> memref<128xi32, #tpu.memory_space<vmem>>
        %dma_start3A_38 = arith.constant 0 : i32
        %dma_start3A_39 = arith.constant 0 : i32
        %dma_start3A_40 = tpu.memref_slice %arg8[%dma_start3A_38, %dma_start3A_39] : memref<5248x128xf32, #tpu.memory_space<vmem_shared>> -> memref<5248x128xf32, #tpu.memory_space<vmem_shared>>
        tpu.enqueue_indirect_dma source(%arg6 : memref<128x128xf32, #tpu.memory_space<vmem>>) target(%dma_start3A_40 : memref<5248x128xf32, #tpu.memory_space<vmem_shared>>) offsets(%dma_start3A_37 : memref<128xi32, #tpu.memory_space<vmem>>) semaphore(%run_scoped3A : memref<!tpu.dma_semaphore, #tpu.memory_space<semaphore_mem>>) {add = true}
        %dma_wait3A = arith.constant 0 : i32
        %dma_wait3A_41 = tpu.memref_slice %arg5[%scan3A_35, %dma_wait3A] : memref<80x128xi32, #tpu.memory_space<vmem>> -> memref<1x128xi32, #tpu.memory_space<vmem>>
        %dma_wait3A_42 = tpu.memref_squeeze %dma_wait3A_41 : memref<1x128xi32, #tpu.memory_space<vmem>> -> memref<128xi32, #tpu.memory_space<vmem>>
        %dma_wait3A_43 = arith.constant 0 : i32
        %dma_wait3A_44 = arith.constant 0 : i32
        %dma_wait3A_45 = tpu.memref_slice %arg8[%dma_wait3A_43, %dma_wait3A_44] : memref<5248x128xf32, #tpu.memory_space<vmem_shared>> -> memref<5248x128xf32, #tpu.memory_space<vmem_shared>>
        tpu.wait_indirect_dma semaphore(%run_scoped3A : memref<!tpu.dma_semaphore, #tpu.memory_space<semaphore_mem>>) src(%arg6 : memref<128x128xf32, #tpu.memory_space<vmem>>) dst(%dma_wait3A_45 : memref<5248x128xf32, #tpu.memory_space<vmem_shared>>)
        tpu.yield
      }) : () -> ()
    }
    %scan3A_23 = arith.constant 80 : i32
    %barrier3A_24 = arith.constant 0 : index
    tpu.barrier barrier_id(%barrier3A_24)
    "tpu.region"() ({
      %run_scoped3A = tpu.sem_alloc : memref<!tpu.dma_semaphore, #tpu.memory_space<semaphore_mem>>
      %dma_start3A = arith.constant 0 : i32
      %dma_start3A_35 = arith.constant 0 : i32
      %dma_start3A_36 = tpu.memref_slice %arg7[%dma_start3A, %dma_start3A_35] : memref<320x128xf32, #tpu.memory_space<vmem>> -> memref<320x128xf32, #tpu.memory_space<vmem>>
      %dma_start3A_37 = arith.constant 0 : i32
      %dma_start3A_38 = tpu.memref_slice %arg8[%mul3A_2, %dma_start3A_37] : memref<5248x128xf32, #tpu.memory_space<vmem_shared>> -> memref<320x128xf32, #tpu.memory_space<vmem_shared>>
      %dma_start3A_39 = arith.constant 0 : i32
      %dma_start3A_40 = arith.constant 0 : i32
      %dma_start3A_41 = tpu.memref_slice %arg7[%dma_start3A_39, %dma_start3A_40] : memref<320x128xf32, #tpu.memory_space<vmem>> -> memref<320x128xf32, #tpu.memory_space<vmem>>
      %dma_start3A_42 = arith.constant 0 : i32
      %dma_start3A_43 = tpu.memref_slice %arg8[%mul3A_2, %dma_start3A_42] : memref<5248x128xf32, #tpu.memory_space<vmem_shared>> -> memref<320x128xf32, #tpu.memory_space<vmem_shared>>
      tpu.enqueue_dma source(%dma_start3A_43 : memref<320x128xf32, #tpu.memory_space<vmem_shared>>) target(%dma_start3A_41 : memref<320x128xf32, #tpu.memory_space<vmem>>) target_semaphore(%run_scoped3A : memref<!tpu.dma_semaphore, #tpu.memory_space<semaphore_mem>>)
      %dma_wait3A = arith.constant 0 : i32
      %dma_wait3A_44 = arith.constant 0 : i32
      %dma_wait3A_45 = tpu.memref_slice %arg7[%dma_wait3A, %dma_wait3A_44] : memref<320x128xf32, #tpu.memory_space<vmem>> -> memref<320x128xf32, #tpu.memory_space<vmem>>
      %dma_wait3A_46 = arith.constant 0 : i32
      %dma_wait3A_47 = tpu.memref_slice %arg8[%mul3A_2, %dma_wait3A_46] : memref<5248x128xf32, #tpu.memory_space<vmem_shared>> -> memref<320x128xf32, #tpu.memory_space<vmem_shared>>
      %dma_wait3A_48 = arith.constant 0 : i32
      %dma_wait3A_49 = arith.constant 0 : i32
      %dma_wait3A_50 = tpu.memref_slice %arg7[%dma_wait3A_48, %dma_wait3A_49] : memref<320x128xf32, #tpu.memory_space<vmem>> -> memref<320x128xf32, #tpu.memory_space<vmem>>
      %dma_wait3A_51 = arith.constant 0 : i32
      %dma_wait3A_52 = tpu.memref_slice %arg8[%mul3A_2, %dma_wait3A_51] : memref<5248x128xf32, #tpu.memory_space<vmem_shared>> -> memref<320x128xf32, #tpu.memory_space<vmem_shared>>
      tpu.wait_dma2 semaphore(%run_scoped3A : memref<!tpu.dma_semaphore, #tpu.memory_space<semaphore_mem>>) src(%dma_wait3A_52 : memref<320x128xf32, #tpu.memory_space<vmem_shared>>) dst(%dma_wait3A_50 : memref<320x128xf32, #tpu.memory_space<vmem>>)
      tpu.yield
    }) : () -> ()
    %eq3A_25 = arith.constant 0 : i32
    %eq3A_26 = arith.cmpi eq, %arg0, %eq3A_25 : i32
    %convert_element_type3A_27 = arith.extui %eq3A_26 : i1 to i32
    %cond3A_28 = arith.constant 0 : i32
    %cond3A_29 = arith.cmpi ne, %convert_element_type3A_27, %cond3A_28 : i32
    scf.if %cond3A_29 {
      "tpu.region"() ({
        %run_scoped3A = tpu.sem_alloc : memref<!tpu.dma_semaphore, #tpu.memory_space<semaphore_mem>>
        %dma_start3A = arith.constant 0 : i32
        %dma_start3A_35 = arith.constant 0 : i32
        %dma_start3A_36 = tpu.memref_slice %arg7[%dma_start3A, %dma_start3A_35] : memref<320x128xf32, #tpu.memory_space<vmem>> -> memref<320x128xf32, #tpu.memory_space<vmem>>
        %dma_start3A_37 = arith.constant 0 : i32
        %dma_start3A_38 = tpu.memref_slice %arg3[%mul3A_2, %dma_start3A_37] : memref<5120x128xf32, #tpu.memory_space<hbm>> -> memref<320x128xf32, #tpu.memory_space<hbm>>
        %dma_start3A_39 = arith.constant 0 : i32
        %dma_start3A_40 = tpu.memref_slice %arg3[%mul3A_2, %dma_start3A_39] : memref<5120x128xf32, #tpu.memory_space<hbm>> -> memref<320x128xf32, #tpu.memory_space<hbm>>
        %dma_start3A_41 = arith.constant 0 : i32
        %dma_start3A_42 = arith.constant 0 : i32
        %dma_start3A_43 = tpu.memref_slice %arg7[%dma_start3A_41, %dma_start3A_42] : memref<320x128xf32, #tpu.memory_space<vmem>> -> memref<320x128xf32, #tpu.memory_space<vmem>>
        tpu.enqueue_dma source(%dma_start3A_43 : memref<320x128xf32, #tpu.memory_space<vmem>>) target(%dma_start3A_40 : memref<320x128xf32, #tpu.memory_space<hbm>>) target_semaphore(%run_scoped3A : memref<!tpu.dma_semaphore, #tpu.memory_space<semaphore_mem>>)
        %dma_wait3A = arith.constant 0 : i32
        %dma_wait3A_44 = arith.constant 0 : i32
        %dma_wait3A_45 = tpu.memref_slice %arg7[%dma_wait3A, %dma_wait3A_44] : memref<320x128xf32, #tpu.memory_space<vmem>> -> memref<320x128xf32, #tpu.memory_space<vmem>>
        %dma_wait3A_46 = arith.constant 0 : i32
        %dma_wait3A_47 = tpu.memref_slice %arg3[%mul3A_2, %dma_wait3A_46] : memref<5120x128xf32, #tpu.memory_space<hbm>> -> memref<320x128xf32, #tpu.memory_space<hbm>>
        %dma_wait3A_48 = arith.constant 0 : i32
        %dma_wait3A_49 = tpu.memref_slice %arg3[%mul3A_2, %dma_wait3A_48] : memref<5120x128xf32, #tpu.memory_space<hbm>> -> memref<320x128xf32, #tpu.memory_space<hbm>>
        %dma_wait3A_50 = arith.constant 0 : i32
        %dma_wait3A_51 = arith.constant 0 : i32
        %dma_wait3A_52 = tpu.memref_slice %arg7[%dma_wait3A_50, %dma_wait3A_51] : memref<320x128xf32, #tpu.memory_space<vmem>> -> memref<320x128xf32, #tpu.memory_space<vmem>>
        tpu.wait_dma2 semaphore(%run_scoped3A : memref<!tpu.dma_semaphore, #tpu.memory_space<semaphore_mem>>) src(%dma_wait3A_52 : memref<320x128xf32, #tpu.memory_space<vmem>>) dst(%dma_wait3A_49 : memref<320x128xf32, #tpu.memory_space<hbm>>)
        tpu.yield
      }) : () -> ()
    } else {
    }
    %eq3A_30 = arith.constant 1 : i32
    %eq3A_31 = arith.cmpi eq, %arg0, %eq3A_30 : i32
    %convert_element_type3A_32 = arith.extui %eq3A_31 : i1 to i32
    %cond3A_33 = arith.constant 0 : i32
    %cond3A_34 = arith.cmpi ne, %convert_element_type3A_32, %cond3A_33 : i32
    scf.if %cond3A_34 {
      "tpu.region"() ({
        %run_scoped3A = tpu.sem_alloc : memref<!tpu.dma_semaphore, #tpu.memory_space<semaphore_mem>>
        %dma_start3A = arith.constant 0 : i32
        %dma_start3A_35 = arith.constant 0 : i32
        %dma_start3A_36 = tpu.memref_slice %arg7[%dma_start3A, %dma_start3A_35] : memref<320x128xf32, #tpu.memory_space<vmem>> -> memref<320x128xf32, #tpu.memory_space<vmem>>
        %dma_start3A_37 = arith.constant 0 : i32
        %dma_start3A_38 = tpu.memref_slice %arg4[%mul3A_2, %dma_start3A_37] : memref<5120x128xf32, #tpu.memory_space<hbm>> -> memref<320x128xf32, #tpu.memory_space<hbm>>
        %dma_start3A_39 = arith.constant 0 : i32
        %dma_start3A_40 = tpu.memref_slice %arg4[%mul3A_2, %dma_start3A_39] : memref<5120x128xf32, #tpu.memory_space<hbm>> -> memref<320x128xf32, #tpu.memory_space<hbm>>
        %dma_start3A_41 = arith.constant 0 : i32
        %dma_start3A_42 = arith.constant 0 : i32
        %dma_start3A_43 = tpu.memref_slice %arg7[%dma_start3A_41, %dma_start3A_42] : memref<320x128xf32, #tpu.memory_space<vmem>> -> memref<320x128xf32, #tpu.memory_space<vmem>>
        tpu.enqueue_dma source(%dma_start3A_43 : memref<320x128xf32, #tpu.memory_space<vmem>>) target(%dma_start3A_40 : memref<320x128xf32, #tpu.memory_space<hbm>>) target_semaphore(%run_scoped3A : memref<!tpu.dma_semaphore, #tpu.memory_space<semaphore_mem>>)
        %dma_wait3A = arith.constant 0 : i32
        %dma_wait3A_44 = arith.constant 0 : i32
        %dma_wait3A_45 = tpu.memref_slice %arg7[%dma_wait3A, %dma_wait3A_44] : memref<320x128xf32, #tpu.memory_space<vmem>> -> memref<320x128xf32, #tpu.memory_space<vmem>>
        %dma_wait3A_46 = arith.constant 0 : i32
        %dma_wait3A_47 = tpu.memref_slice %arg4[%mul3A_2, %dma_wait3A_46] : memref<5120x128xf32, #tpu.memory_space<hbm>> -> memref<320x128xf32, #tpu.memory_space<hbm>>
        %dma_wait3A_48 = arith.constant 0 : i32
        %dma_wait3A_49 = tpu.memref_slice %arg4[%mul3A_2, %dma_wait3A_48] : memref<5120x128xf32, #tpu.memory_space<hbm>> -> memref<320x128xf32, #tpu.memory_space<hbm>>
        %dma_wait3A_50 = arith.constant 0 : i32
        %dma_wait3A_51 = arith.constant 0 : i32
        %dma_wait3A_52 = tpu.memref_slice %arg7[%dma_wait3A_50, %dma_wait3A_51] : memref<320x128xf32, #tpu.memory_space<vmem>> -> memref<320x128xf32, #tpu.memory_space<vmem>>
        tpu.wait_dma2 semaphore(%run_scoped3A : memref<!tpu.dma_semaphore, #tpu.memory_space<semaphore_mem>>) src(%dma_wait3A_52 : memref<320x128xf32, #tpu.memory_space<vmem>>) dst(%dma_wait3A_49 : memref<320x128xf32, #tpu.memory_space<hbm>>)
        tpu.yield
      }) : () -> ()
    } else {
    }
    return
  }
}

#map = affine_map<(d0, d1) -> (0, 0)>
module attributes {stable_mosaic.version = 14 : i64} {
  func.func @_sc_agg(%arg0: i32, %arg1: i32, %arg2: memref<10240x128xf32, #tpu.memory_space<hbm>>, %arg3: memref<2560x128xi32, #tpu.memory_space<hbm>>, %arg4: memref<2560x128xi32, #tpu.memory_space<hbm>>, %arg5: memref<5120x128xf32, #tpu.memory_space<hbm>>, %arg6: memref<5120x128xf32, #tpu.memory_space<hbm>>, %arg7: memref<80x128xi32, #tpu.memory_space<vmem>>, %arg8: memref<80x128xi32, #tpu.memory_space<vmem>>, %arg9: memref<512x128xf32, #tpu.memory_space<vmem>>, %arg10: memref<5248x128xf32, #tpu.memory_space<vmem_shared>>, %arg11: memref<!tpu.dma_semaphore, #tpu.memory_space<semaphore_mem>>, %arg12: memref<!tpu.dma_semaphore, #tpu.memory_space<semaphore_mem>>) attributes {dimension_semantics = [#tpu.dimension_semantics<core_parallel>, #tpu.dimension_semantics<subcore_parallel>], iteration_bounds = array<i64: 2, 16>, scalar_prefetch = 0 : i64, scratch_operands = 6 : i64, tpu.core_type = #tpu.core_type<sc_vector_subcore>, window_params = [{transform_indices = #map}, {transform_indices = #map}, {transform_indices = #map}, {transform_indices = #map}, {transform_indices = #map}]} {
    %mul3A = arith.constant 320 : i32
    %mul3A_0 = arith.muli %arg1, %mul3A : i32
    %mul3A_1 = arith.constant 2 : i32
    %mul3A_2 = arith.muli %arg1, %mul3A_1 : i32
    %add3A = arith.addi %mul3A_2, %arg0 : i32
    %mul3A_3 = arith.constant 80 : i32
    %mul3A_4 = arith.muli %add3A, %mul3A_3 : i32
    %scan3A = arith.constant 0 : i32
    %scan3A_5 = arith.constant 0 : i32
    %scan3A_6 = arith.constant 512 : i32
    %scan3A_7 = arith.addi %scan3A_5, %scan3A_6 : i32
    %scan3A_8 = arith.constant 1 : i32
    scf.for %scan3A_35 = %scan3A_5 to %scan3A_7 step %scan3A_8  : i32 {
      %broadcast_in_dim3A = arith.constant 0.000000e+00 : f32
      %broadcast_in_dim3A_36 = vector.broadcast %broadcast_in_dim3A : f32 to vector<16xf32>
      %swap3A = arith.index_cast %scan3A_35 : i32 to index
      %swap3A_37 = arith.constant 0 : index
      %swap3A_38 = tpu.vector_load %arg9[%swap3A, %swap3A_37] {strides = array<i32>} : memref<512x128xf32, #tpu.memory_space<vmem>>, vector<1x16xf32>,
      %swap3A_39 = vector.shape_cast %swap3A_38 : vector<1x16xf32> to vector<16xf32>
      %swap3A_40 = vector.shape_cast %broadcast_in_dim3A_36 : vector<16xf32> to vector<1x16xf32>
      tpu.vector_store %arg9[%swap3A, %swap3A_37], %swap3A_40 {strides = array<i32>} : memref<512x128xf32, #tpu.memory_space<vmem>>, vector<1x16xf32>,
      %broadcast_in_dim3A_41 = arith.constant 0.000000e+00 : f32
      %broadcast_in_dim3A_42 = vector.broadcast %broadcast_in_dim3A_41 : f32 to vector<16xf32>
      %swap3A_43 = arith.index_cast %scan3A_35 : i32 to index
      %swap3A_44 = arith.constant 16 : index
      %swap3A_45 = tpu.vector_load %arg9[%swap3A_43, %swap3A_44] {strides = array<i32>} : memref<512x128xf32, #tpu.memory_space<vmem>>, vector<1x16xf32>,
      %swap3A_46 = vector.shape_cast %swap3A_45 : vector<1x16xf32> to vector<16xf32>
      %swap3A_47 = vector.shape_cast %broadcast_in_dim3A_42 : vector<16xf32> to vector<1x16xf32>
      tpu.vector_store %arg9[%swap3A_43, %swap3A_44], %swap3A_47 {strides = array<i32>} : memref<512x128xf32, #tpu.memory_space<vmem>>, vector<1x16xf32>,
      %broadcast_in_dim3A_48 = arith.constant 0.000000e+00 : f32
      %broadcast_in_dim3A_49 = vector.broadcast %broadcast_in_dim3A_48 : f32 to vector<16xf32>
      %swap3A_50 = arith.index_cast %scan3A_35 : i32 to index
      %swap3A_51 = arith.constant 32 : index
      %swap3A_52 = tpu.vector_load %arg9[%swap3A_50, %swap3A_51] {strides = array<i32>} : memref<512x128xf32, #tpu.memory_space<vmem>>, vector<1x16xf32>,
      %swap3A_53 = vector.shape_cast %swap3A_52 : vector<1x16xf32> to vector<16xf32>
      %swap3A_54 = vector.shape_cast %broadcast_in_dim3A_49 : vector<16xf32> to vector<1x16xf32>
      tpu.vector_store %arg9[%swap3A_50, %swap3A_51], %swap3A_54 {strides = array<i32>} : memref<512x128xf32, #tpu.memory_space<vmem>>, vector<1x16xf32>,
      %broadcast_in_dim3A_55 = arith.constant 0.000000e+00 : f32
      %broadcast_in_dim3A_56 = vector.broadcast %broadcast_in_dim3A_55 : f32 to vector<16xf32>
      %swap3A_57 = arith.index_cast %scan3A_35 : i32 to index
      %swap3A_58 = arith.constant 48 : index
      %swap3A_59 = tpu.vector_load %arg9[%swap3A_57, %swap3A_58] {strides = array<i32>} : memref<512x128xf32, #tpu.memory_space<vmem>>, vector<1x16xf32>,
      %swap3A_60 = vector.shape_cast %swap3A_59 : vector<1x16xf32> to vector<16xf32>
      %swap3A_61 = vector.shape_cast %broadcast_in_dim3A_56 : vector<16xf32> to vector<1x16xf32>
      tpu.vector_store %arg9[%swap3A_57, %swap3A_58], %swap3A_61 {strides = array<i32>} : memref<512x128xf32, #tpu.memory_space<vmem>>, vector<1x16xf32>,
      %broadcast_in_dim3A_62 = arith.constant 0.000000e+00 : f32
      %broadcast_in_dim3A_63 = vector.broadcast %broadcast_in_dim3A_62 : f32 to vector<16xf32>
      %swap3A_64 = arith.index_cast %scan3A_35 : i32 to index
      %swap3A_65 = arith.constant 64 : index
      %swap3A_66 = tpu.vector_load %arg9[%swap3A_64, %swap3A_65] {strides = array<i32>} : memref<512x128xf32, #tpu.memory_space<vmem>>, vector<1x16xf32>,
      %swap3A_67 = vector.shape_cast %swap3A_66 : vector<1x16xf32> to vector<16xf32>
      %swap3A_68 = vector.shape_cast %broadcast_in_dim3A_63 : vector<16xf32> to vector<1x16xf32>
      tpu.vector_store %arg9[%swap3A_64, %swap3A_65], %swap3A_68 {strides = array<i32>} : memref<512x128xf32, #tpu.memory_space<vmem>>, vector<1x16xf32>,
      %broadcast_in_dim3A_69 = arith.constant 0.000000e+00 : f32
      %broadcast_in_dim3A_70 = vector.broadcast %broadcast_in_dim3A_69 : f32 to vector<16xf32>
      %swap3A_71 = arith.index_cast %scan3A_35 : i32 to index
      %swap3A_72 = arith.constant 80 : index
      %swap3A_73 = tpu.vector_load %arg9[%swap3A_71, %swap3A_72] {strides = array<i32>} : memref<512x128xf32, #tpu.memory_space<vmem>>, vector<1x16xf32>,
      %swap3A_74 = vector.shape_cast %swap3A_73 : vector<1x16xf32> to vector<16xf32>
      %swap3A_75 = vector.shape_cast %broadcast_in_dim3A_70 : vector<16xf32> to vector<1x16xf32>
      tpu.vector_store %arg9[%swap3A_71, %swap3A_72], %swap3A_75 {strides = array<i32>} : memref<512x128xf32, #tpu.memory_space<vmem>>, vector<1x16xf32>,
      %broadcast_in_dim3A_76 = arith.constant 0.000000e+00 : f32
      %broadcast_in_dim3A_77 = vector.broadcast %broadcast_in_dim3A_76 : f32 to vector<16xf32>
      %swap3A_78 = arith.index_cast %scan3A_35 : i32 to index
      %swap3A_79 = arith.constant 96 : index
      %swap3A_80 = tpu.vector_load %arg9[%swap3A_78, %swap3A_79] {strides = array<i32>} : memref<512x128xf32, #tpu.memory_space<vmem>>, vector<1x16xf32>,
      %swap3A_81 = vector.shape_cast %swap3A_80 : vector<1x16xf32> to vector<16xf32>
      %swap3A_82 = vector.shape_cast %broadcast_in_dim3A_77 : vector<16xf32> to vector<1x16xf32>
      tpu.vector_store %arg9[%swap3A_78, %swap3A_79], %swap3A_82 {strides = array<i32>} : memref<512x128xf32, #tpu.memory_space<vmem>>, vector<1x16xf32>,
      %broadcast_in_dim3A_83 = arith.constant 0.000000e+00 : f32
      %broadcast_in_dim3A_84 = vector.broadcast %broadcast_in_dim3A_83 : f32 to vector<16xf32>
      %swap3A_85 = arith.index_cast %scan3A_35 : i32 to index
      %swap3A_86 = arith.constant 112 : index
      %swap3A_87 = tpu.vector_load %arg9[%swap3A_85, %swap3A_86] {strides = array<i32>} : memref<512x128xf32, #tpu.memory_space<vmem>>, vector<1x16xf32>,
      %swap3A_88 = vector.shape_cast %swap3A_87 : vector<1x16xf32> to vector<16xf32>
      %swap3A_89 = vector.shape_cast %broadcast_in_dim3A_84 : vector<16xf32> to vector<1x16xf32>
      tpu.vector_store %arg9[%swap3A_85, %swap3A_86], %swap3A_89 {strides = array<i32>} : memref<512x128xf32, #tpu.memory_space<vmem>>, vector<1x16xf32>,
    }
    %scan3A_9 = arith.constant 512 : i32
    "tpu.region"() ({
      %run_scoped3A = tpu.sem_alloc : memref<!tpu.dma_semaphore, #tpu.memory_space<semaphore_mem>>
      %dma_start3A = arith.constant 0 : i32
      %dma_start3A_35 = arith.constant 0 : i32
      %dma_start3A_36 = tpu.memref_slice %arg9[%dma_start3A, %dma_start3A_35] : memref<512x128xf32, #tpu.memory_space<vmem>> -> memref<320x128xf32, #tpu.memory_space<vmem>>
      %dma_start3A_37 = arith.constant 0 : i32
      %dma_start3A_38 = tpu.memref_slice %arg10[%mul3A_0, %dma_start3A_37] : memref<5248x128xf32, #tpu.memory_space<vmem_shared>> -> memref<320x128xf32, #tpu.memory_space<vmem_shared>>
      %dma_start3A_39 = arith.constant 0 : i32
      %dma_start3A_40 = tpu.memref_slice %arg10[%mul3A_0, %dma_start3A_39] : memref<5248x128xf32, #tpu.memory_space<vmem_shared>> -> memref<320x128xf32, #tpu.memory_space<vmem_shared>>
      %dma_start3A_41 = arith.constant 0 : i32
      %dma_start3A_42 = arith.constant 0 : i32
      %dma_start3A_43 = tpu.memref_slice %arg9[%dma_start3A_41, %dma_start3A_42] : memref<512x128xf32, #tpu.memory_space<vmem>> -> memref<320x128xf32, #tpu.memory_space<vmem>>
      tpu.enqueue_dma source(%dma_start3A_43 : memref<320x128xf32, #tpu.memory_space<vmem>>) target(%dma_start3A_40 : memref<320x128xf32, #tpu.memory_space<vmem_shared>>) target_semaphore(%run_scoped3A : memref<!tpu.dma_semaphore, #tpu.memory_space<semaphore_mem>>)
      %dma_wait3A = arith.constant 0 : i32
      %dma_wait3A_44 = arith.constant 0 : i32
      %dma_wait3A_45 = tpu.memref_slice %arg9[%dma_wait3A, %dma_wait3A_44] : memref<512x128xf32, #tpu.memory_space<vmem>> -> memref<320x128xf32, #tpu.memory_space<vmem>>
      %dma_wait3A_46 = arith.constant 0 : i32
      %dma_wait3A_47 = tpu.memref_slice %arg10[%mul3A_0, %dma_wait3A_46] : memref<5248x128xf32, #tpu.memory_space<vmem_shared>> -> memref<320x128xf32, #tpu.memory_space<vmem_shared>>
      %dma_wait3A_48 = arith.constant 0 : i32
      %dma_wait3A_49 = tpu.memref_slice %arg10[%mul3A_0, %dma_wait3A_48] : memref<5248x128xf32, #tpu.memory_space<vmem_shared>> -> memref<320x128xf32, #tpu.memory_space<vmem_shared>>
      %dma_wait3A_50 = arith.constant 0 : i32
      %dma_wait3A_51 = arith.constant 0 : i32
      %dma_wait3A_52 = tpu.memref_slice %arg9[%dma_wait3A_50, %dma_wait3A_51] : memref<512x128xf32, #tpu.memory_space<vmem>> -> memref<320x128xf32, #tpu.memory_space<vmem>>
      tpu.wait_dma2 semaphore(%run_scoped3A : memref<!tpu.dma_semaphore, #tpu.memory_space<semaphore_mem>>) src(%dma_wait3A_52 : memref<320x128xf32, #tpu.memory_space<vmem>>) dst(%dma_wait3A_49 : memref<320x128xf32, #tpu.memory_space<vmem_shared>>)
      tpu.yield
    }) : () -> ()
    %eq3A = arith.constant 15 : i32
    %eq3A_10 = arith.cmpi eq, %arg1, %eq3A : i32
    %convert_element_type3A = arith.extui %eq3A_10 : i1 to i32
    %cond3A = arith.constant 0 : i32
    %cond3A_11 = arith.cmpi ne, %convert_element_type3A, %cond3A : i32
    scf.if %cond3A_11 {
      "tpu.region"() ({
        %run_scoped3A = tpu.sem_alloc : memref<!tpu.dma_semaphore, #tpu.memory_space<semaphore_mem>>
        %dma_start3A = arith.constant 0 : i32
        %dma_start3A_35 = arith.constant 0 : i32
        %dma_start3A_36 = tpu.memref_slice %arg9[%dma_start3A, %dma_start3A_35] : memref<512x128xf32, #tpu.memory_space<vmem>> -> memref<128x128xf32, #tpu.memory_space<vmem>>
        %dma_start3A_37 = arith.constant 5120 : i32
        %dma_start3A_38 = arith.constant 0 : i32
        %dma_start3A_39 = tpu.memref_slice %arg10[%dma_start3A_37, %dma_start3A_38] : memref<5248x128xf32, #tpu.memory_space<vmem_shared>> -> memref<128x128xf32, #tpu.memory_space<vmem_shared>>
        %dma_start3A_40 = arith.constant 5120 : i32
        %dma_start3A_41 = arith.constant 0 : i32
        %dma_start3A_42 = tpu.memref_slice %arg10[%dma_start3A_40, %dma_start3A_41] : memref<5248x128xf32, #tpu.memory_space<vmem_shared>> -> memref<128x128xf32, #tpu.memory_space<vmem_shared>>
        %dma_start3A_43 = arith.constant 0 : i32
        %dma_start3A_44 = arith.constant 0 : i32
        %dma_start3A_45 = tpu.memref_slice %arg9[%dma_start3A_43, %dma_start3A_44] : memref<512x128xf32, #tpu.memory_space<vmem>> -> memref<128x128xf32, #tpu.memory_space<vmem>>
        tpu.enqueue_dma source(%dma_start3A_45 : memref<128x128xf32, #tpu.memory_space<vmem>>) target(%dma_start3A_42 : memref<128x128xf32, #tpu.memory_space<vmem_shared>>) target_semaphore(%run_scoped3A : memref<!tpu.dma_semaphore, #tpu.memory_space<semaphore_mem>>)
        %dma_wait3A = arith.constant 0 : i32
        %dma_wait3A_46 = arith.constant 0 : i32
        %dma_wait3A_47 = tpu.memref_slice %arg9[%dma_wait3A, %dma_wait3A_46] : memref<512x128xf32, #tpu.memory_space<vmem>> -> memref<128x128xf32, #tpu.memory_space<vmem>>
        %dma_wait3A_48 = arith.constant 5120 : i32
        %dma_wait3A_49 = arith.constant 0 : i32
        %dma_wait3A_50 = tpu.memref_slice %arg10[%dma_wait3A_48, %dma_wait3A_49] : memref<5248x128xf32, #tpu.memory_space<vmem_shared>> -> memref<128x128xf32, #tpu.memory_space<vmem_shared>>
        %dma_wait3A_51 = arith.constant 5120 : i32
        %dma_wait3A_52 = arith.constant 0 : i32
        %dma_wait3A_53 = tpu.memref_slice %arg10[%dma_wait3A_51, %dma_wait3A_52] : memref<5248x128xf32, #tpu.memory_space<vmem_shared>> -> memref<128x128xf32, #tpu.memory_space<vmem_shared>>
        %dma_wait3A_54 = arith.constant 0 : i32
        %dma_wait3A_55 = arith.constant 0 : i32
        %dma_wait3A_56 = tpu.memref_slice %arg9[%dma_wait3A_54, %dma_wait3A_55] : memref<512x128xf32, #tpu.memory_space<vmem>> -> memref<128x128xf32, #tpu.memory_space<vmem>>
        tpu.wait_dma2 semaphore(%run_scoped3A : memref<!tpu.dma_semaphore, #tpu.memory_space<semaphore_mem>>) src(%dma_wait3A_56 : memref<128x128xf32, #tpu.memory_space<vmem>>) dst(%dma_wait3A_53 : memref<128x128xf32, #tpu.memory_space<vmem_shared>>)
        tpu.yield
      }) : () -> ()
    } else {
    }
    %barrier3A = arith.constant 0 : index
    tpu.barrier barrier_id(%barrier3A)
    %scan3A_12 = arith.constant 0 : i32
    %scan3A_13 = arith.constant 0 : i32
    %mul3A_14 = arith.constant 80 : i32
    %mul3A_15 = arith.muli %scan3A_13, %mul3A_14 : i32
    %add3A_16 = arith.addi %mul3A_4, %mul3A_15 : i32
    "tpu.region"() ({
      %run_scoped3A = tpu.sem_alloc : memref<!tpu.dma_semaphore, #tpu.memory_space<semaphore_mem>>
      %dma_start3A = arith.constant 0 : i32
      %dma_start3A_35 = tpu.memref_slice %arg3[%add3A_16, %dma_start3A] : memref<2560x128xi32, #tpu.memory_space<hbm>> -> memref<80x128xi32, #tpu.memory_space<hbm>>
      %dma_start3A_36 = arith.constant 0 : i32
      %dma_start3A_37 = tpu.memref_slice %arg3[%add3A_16, %dma_start3A_36] : memref<2560x128xi32, #tpu.memory_space<hbm>> -> memref<80x128xi32, #tpu.memory_space<hbm>>
      tpu.enqueue_dma source(%dma_start3A_37 : memref<80x128xi32, #tpu.memory_space<hbm>>) target(%arg7 : memref<80x128xi32, #tpu.memory_space<vmem>>) target_semaphore(%run_scoped3A : memref<!tpu.dma_semaphore, #tpu.memory_space<semaphore_mem>>)
      %dma_wait3A = arith.constant 0 : i32
      %dma_wait3A_38 = tpu.memref_slice %arg3[%add3A_16, %dma_wait3A] : memref<2560x128xi32, #tpu.memory_space<hbm>> -> memref<80x128xi32, #tpu.memory_space<hbm>>
      %dma_wait3A_39 = arith.constant 0 : i32
      %dma_wait3A_40 = tpu.memref_slice %arg3[%add3A_16, %dma_wait3A_39] : memref<2560x128xi32, #tpu.memory_space<hbm>> -> memref<80x128xi32, #tpu.memory_space<hbm>>
      tpu.wait_dma2 semaphore(%run_scoped3A : memref<!tpu.dma_semaphore, #tpu.memory_space<semaphore_mem>>) src(%dma_wait3A_40 : memref<80x128xi32, #tpu.memory_space<hbm>>) dst(%arg7 : memref<80x128xi32, #tpu.memory_space<vmem>>)
      tpu.yield
    }) : () -> ()
    "tpu.region"() ({
      %run_scoped3A = tpu.sem_alloc : memref<!tpu.dma_semaphore, #tpu.memory_space<semaphore_mem>>
      %dma_start3A = arith.constant 0 : i32
      %dma_start3A_35 = tpu.memref_slice %arg4[%add3A_16, %dma_start3A] : memref<2560x128xi32, #tpu.memory_space<hbm>> -> memref<80x128xi32, #tpu.memory_space<hbm>>
      %dma_start3A_36 = arith.constant 0 : i32
      %dma_start3A_37 = tpu.memref_slice %arg4[%add3A_16, %dma_start3A_36] : memref<2560x128xi32, #tpu.memory_space<hbm>> -> memref<80x128xi32, #tpu.memory_space<hbm>>
      tpu.enqueue_dma source(%dma_start3A_37 : memref<80x128xi32, #tpu.memory_space<hbm>>) target(%arg8 : memref<80x128xi32, #tpu.memory_space<vmem>>) target_semaphore(%run_scoped3A : memref<!tpu.dma_semaphore, #tpu.memory_space<semaphore_mem>>)
      %dma_wait3A = arith.constant 0 : i32
      %dma_wait3A_38 = tpu.memref_slice %arg4[%add3A_16, %dma_wait3A] : memref<2560x128xi32, #tpu.memory_space<hbm>> -> memref<80x128xi32, #tpu.memory_space<hbm>>
      %dma_wait3A_39 = arith.constant 0 : i32
      %dma_wait3A_40 = tpu.memref_slice %arg4[%add3A_16, %dma_wait3A_39] : memref<2560x128xi32, #tpu.memory_space<hbm>> -> memref<80x128xi32, #tpu.memory_space<hbm>>
      tpu.wait_dma2 semaphore(%run_scoped3A : memref<!tpu.dma_semaphore, #tpu.memory_space<semaphore_mem>>) src(%dma_wait3A_40 : memref<80x128xi32, #tpu.memory_space<hbm>>) dst(%arg8 : memref<80x128xi32, #tpu.memory_space<vmem>>)
      tpu.yield
    }) : () -> ()
    %scan3A_17 = arith.constant 0 : i32
    %scan3A_18 = arith.constant 0 : i32
    %scan3A_19 = arith.constant 20 : i32
    %scan3A_20 = arith.addi %scan3A_18, %scan3A_19 : i32
    %scan3A_21 = arith.constant 1 : i32
    scf.for %scan3A_35 = %scan3A_18 to %scan3A_20 step %scan3A_21  : i32 {
      %mul3A_36 = arith.constant 4 : i32
      %mul3A_37 = arith.muli %scan3A_35, %mul3A_36 : i32
      %add3A_38 = arith.constant 0 : i32
      %add3A_39 = arith.addi %mul3A_37, %add3A_38 : i32
      %dma_start3A = arith.constant 0 : i32
      %dma_start3A_40 = arith.constant 0 : i32
      %dma_start3A_41 = tpu.memref_slice %arg9[%dma_start3A, %dma_start3A_40] : memref<512x128xf32, #tpu.memory_space<vmem>> -> memref<128x128xf32, #tpu.memory_space<vmem>>
      %dma_start3A_42 = arith.constant 0 : i32
      %dma_start3A_43 = tpu.memref_slice %arg7[%add3A_39, %dma_start3A_42] : memref<80x128xi32, #tpu.memory_space<vmem>> -> memref<1x128xi32, #tpu.memory_space<vmem>>
      %dma_start3A_44 = tpu.memref_squeeze %dma_start3A_43 : memref<1x128xi32, #tpu.memory_space<vmem>> -> memref<128xi32, #tpu.memory_space<vmem>>
      %dma_start3A_45 = arith.constant 0 : i32
      %dma_start3A_46 = arith.constant 0 : i32
      %dma_start3A_47 = tpu.memref_slice %arg2[%dma_start3A_45, %dma_start3A_46] : memref<10240x128xf32, #tpu.memory_space<hbm>> -> memref<10240x128xf32, #tpu.memory_space<hbm>>
      tpu.enqueue_indirect_dma source(%dma_start3A_47 : memref<10240x128xf32, #tpu.memory_space<hbm>>) target(%dma_start3A_41 : memref<128x128xf32, #tpu.memory_space<vmem>>) offsets(%dma_start3A_44 : memref<128xi32, #tpu.memory_space<vmem>>) semaphore(%arg11 : memref<!tpu.dma_semaphore, #tpu.memory_space<semaphore_mem>>)
      %mul3A_48 = arith.constant 4 : i32
      %mul3A_49 = arith.muli %scan3A_35, %mul3A_48 : i32
      %add3A_50 = arith.constant 1 : i32
      %add3A_51 = arith.addi %mul3A_49, %add3A_50 : i32
      %dma_start3A_52 = arith.constant 128 : i32
      %dma_start3A_53 = arith.constant 0 : i32
      %dma_start3A_54 = tpu.memref_slice %arg9[%dma_start3A_52, %dma_start3A_53] : memref<512x128xf32, #tpu.memory_space<vmem>> -> memref<128x128xf32, #tpu.memory_space<vmem>>
      %dma_start3A_55 = arith.constant 0 : i32
      %dma_start3A_56 = tpu.memref_slice %arg7[%add3A_51, %dma_start3A_55] : memref<80x128xi32, #tpu.memory_space<vmem>> -> memref<1x128xi32, #tpu.memory_space<vmem>>
      %dma_start3A_57 = tpu.memref_squeeze %dma_start3A_56 : memref<1x128xi32, #tpu.memory_space<vmem>> -> memref<128xi32, #tpu.memory_space<vmem>>
      %dma_start3A_58 = arith.constant 0 : i32
      %dma_start3A_59 = arith.constant 0 : i32
      %dma_start3A_60 = tpu.memref_slice %arg2[%dma_start3A_58, %dma_start3A_59] : memref<10240x128xf32, #tpu.memory_space<hbm>> -> memref<10240x128xf32, #tpu.memory_space<hbm>>
      tpu.enqueue_indirect_dma source(%dma_start3A_60 : memref<10240x128xf32, #tpu.memory_space<hbm>>) target(%dma_start3A_54 : memref<128x128xf32, #tpu.memory_space<vmem>>) offsets(%dma_start3A_57 : memref<128xi32, #tpu.memory_space<vmem>>) semaphore(%arg11 : memref<!tpu.dma_semaphore, #tpu.memory_space<semaphore_mem>>)
      %mul3A_61 = arith.constant 4 : i32
      %mul3A_62 = arith.muli %scan3A_35, %mul3A_61 : i32
      %add3A_63 = arith.constant 2 : i32
      %add3A_64 = arith.addi %mul3A_62, %add3A_63 : i32
      %dma_start3A_65 = arith.constant 256 : i32
      %dma_start3A_66 = arith.constant 0 : i32
      %dma_start3A_67 = tpu.memref_slice %arg9[%dma_start3A_65, %dma_start3A_66] : memref<512x128xf32, #tpu.memory_space<vmem>> -> memref<128x128xf32, #tpu.memory_space<vmem>>
      %dma_start3A_68 = arith.constant 0 : i32
      %dma_start3A_69 = tpu.memref_slice %arg7[%add3A_64, %dma_start3A_68] : memref<80x128xi32, #tpu.memory_space<vmem>> -> memref<1x128xi32, #tpu.memory_space<vmem>>
      %dma_start3A_70 = tpu.memref_squeeze %dma_start3A_69 : memref<1x128xi32, #tpu.memory_space<vmem>> -> memref<128xi32, #tpu.memory_space<vmem>>
      %dma_start3A_71 = arith.constant 0 : i32
      %dma_start3A_72 = arith.constant 0 : i32
      %dma_start3A_73 = tpu.memref_slice %arg2[%dma_start3A_71, %dma_start3A_72] : memref<10240x128xf32, #tpu.memory_space<hbm>> -> memref<10240x128xf32, #tpu.memory_space<hbm>>
      tpu.enqueue_indirect_dma source(%dma_start3A_73 : memref<10240x128xf32, #tpu.memory_space<hbm>>) target(%dma_start3A_67 : memref<128x128xf32, #tpu.memory_space<vmem>>) offsets(%dma_start3A_70 : memref<128xi32, #tpu.memory_space<vmem>>) semaphore(%arg11 : memref<!tpu.dma_semaphore, #tpu.memory_space<semaphore_mem>>)
      %mul3A_74 = arith.constant 4 : i32
      %mul3A_75 = arith.muli %scan3A_35, %mul3A_74 : i32
      %add3A_76 = arith.constant 3 : i32
      %add3A_77 = arith.addi %mul3A_75, %add3A_76 : i32
      %dma_start3A_78 = arith.constant 384 : i32
      %dma_start3A_79 = arith.constant 0 : i32
      %dma_start3A_80 = tpu.memref_slice %arg9[%dma_start3A_78, %dma_start3A_79] : memref<512x128xf32, #tpu.memory_space<vmem>> -> memref<128x128xf32, #tpu.memory_space<vmem>>
      %dma_start3A_81 = arith.constant 0 : i32
      %dma_start3A_82 = tpu.memref_slice %arg7[%add3A_77, %dma_start3A_81] : memref<80x128xi32, #tpu.memory_space<vmem>> -> memref<1x128xi32, #tpu.memory_space<vmem>>
      %dma_start3A_83 = tpu.memref_squeeze %dma_start3A_82 : memref<1x128xi32, #tpu.memory_space<vmem>> -> memref<128xi32, #tpu.memory_space<vmem>>
      %dma_start3A_84 = arith.constant 0 : i32
      %dma_start3A_85 = arith.constant 0 : i32
      %dma_start3A_86 = tpu.memref_slice %arg2[%dma_start3A_84, %dma_start3A_85] : memref<10240x128xf32, #tpu.memory_space<hbm>> -> memref<10240x128xf32, #tpu.memory_space<hbm>>
      tpu.enqueue_indirect_dma source(%dma_start3A_86 : memref<10240x128xf32, #tpu.memory_space<hbm>>) target(%dma_start3A_80 : memref<128x128xf32, #tpu.memory_space<vmem>>) offsets(%dma_start3A_83 : memref<128xi32, #tpu.memory_space<vmem>>) semaphore(%arg11 : memref<!tpu.dma_semaphore, #tpu.memory_space<semaphore_mem>>)
      %dma_wait3A = arith.constant 0 : i32
      %dma_wait3A_87 = arith.constant 0 : i32
      %dma_wait3A_88 = tpu.memref_slice %arg9[%dma_wait3A, %dma_wait3A_87] : memref<512x128xf32, #tpu.memory_space<vmem>> -> memref<128x128xf32, #tpu.memory_space<vmem>>
      %dma_wait3A_89 = arith.constant 0 : i32
      %dma_wait3A_90 = tpu.memref_slice %arg7[%add3A_39, %dma_wait3A_89] : memref<80x128xi32, #tpu.memory_space<vmem>> -> memref<1x128xi32, #tpu.memory_space<vmem>>
      %dma_wait3A_91 = tpu.memref_squeeze %dma_wait3A_90 : memref<1x128xi32, #tpu.memory_space<vmem>> -> memref<128xi32, #tpu.memory_space<vmem>>
      %dma_wait3A_92 = arith.constant 0 : i32
      %dma_wait3A_93 = arith.constant 0 : i32
      %dma_wait3A_94 = tpu.memref_slice %arg2[%dma_wait3A_92, %dma_wait3A_93] : memref<10240x128xf32, #tpu.memory_space<hbm>> -> memref<10240x128xf32, #tpu.memory_space<hbm>>
      tpu.wait_indirect_dma semaphore(%arg11 : memref<!tpu.dma_semaphore, #tpu.memory_space<semaphore_mem>>) src(%dma_wait3A_94 : memref<10240x128xf32, #tpu.memory_space<hbm>>) dst(%dma_wait3A_88 : memref<128x128xf32, #tpu.memory_space<vmem>>)
      %mul3A_95 = arith.constant 4 : i32
      %mul3A_96 = arith.muli %scan3A_35, %mul3A_95 : i32
      %add3A_97 = arith.constant 0 : i32
      %add3A_98 = arith.addi %mul3A_96, %add3A_97 : i32
      %dma_start3A_99 = arith.constant 0 : i32
      %dma_start3A_100 = arith.constant 0 : i32
      %dma_start3A_101 = tpu.memref_slice %arg9[%dma_start3A_99, %dma_start3A_100] : memref<512x128xf32, #tpu.memory_space<vmem>> -> memref<128x128xf32, #tpu.memory_space<vmem>>
      %dma_start3A_102 = arith.constant 0 : i32
      %dma_start3A_103 = tpu.memref_slice %arg8[%add3A_98, %dma_start3A_102] : memref<80x128xi32, #tpu.memory_space<vmem>> -> memref<1x128xi32, #tpu.memory_space<vmem>>
      %dma_start3A_104 = tpu.memref_squeeze %dma_start3A_103 : memref<1x128xi32, #tpu.memory_space<vmem>> -> memref<128xi32, #tpu.memory_space<vmem>>
      %dma_start3A_105 = arith.constant 0 : i32
      %dma_start3A_106 = arith.constant 0 : i32
      %dma_start3A_107 = tpu.memref_slice %arg10[%dma_start3A_105, %dma_start3A_106] : memref<5248x128xf32, #tpu.memory_space<vmem_shared>> -> memref<5248x128xf32, #tpu.memory_space<vmem_shared>>
      tpu.enqueue_indirect_dma source(%dma_start3A_101 : memref<128x128xf32, #tpu.memory_space<vmem>>) target(%dma_start3A_107 : memref<5248x128xf32, #tpu.memory_space<vmem_shared>>) offsets(%dma_start3A_104 : memref<128xi32, #tpu.memory_space<vmem>>) semaphore(%arg12 : memref<!tpu.dma_semaphore, #tpu.memory_space<semaphore_mem>>) {add = true}
      %dma_wait3A_108 = arith.constant 128 : i32
      %dma_wait3A_109 = arith.constant 0 : i32
      %dma_wait3A_110 = tpu.memref_slice %arg9[%dma_wait3A_108, %dma_wait3A_109] : memref<512x128xf32, #tpu.memory_space<vmem>> -> memref<128x128xf32, #tpu.memory_space<vmem>>
      %dma_wait3A_111 = arith.constant 0 : i32
      %dma_wait3A_112 = tpu.memref_slice %arg7[%add3A_51, %dma_wait3A_111] : memref<80x128xi32, #tpu.memory_space<vmem>> -> memref<1x128xi32, #tpu.memory_space<vmem>>
      %dma_wait3A_113 = tpu.memref_squeeze %dma_wait3A_112 : memref<1x128xi32, #tpu.memory_space<vmem>> -> memref<128xi32, #tpu.memory_space<vmem>>
      %dma_wait3A_114 = arith.constant 0 : i32
      %dma_wait3A_115 = arith.constant 0 : i32
      %dma_wait3A_116 = tpu.memref_slice %arg2[%dma_wait3A_114, %dma_wait3A_115] : memref<10240x128xf32, #tpu.memory_space<hbm>> -> memref<10240x128xf32, #tpu.memory_space<hbm>>
      tpu.wait_indirect_dma semaphore(%arg11 : memref<!tpu.dma_semaphore, #tpu.memory_space<semaphore_mem>>) src(%dma_wait3A_116 : memref<10240x128xf32, #tpu.memory_space<hbm>>) dst(%dma_wait3A_110 : memref<128x128xf32, #tpu.memory_space<vmem>>)
      %mul3A_117 = arith.constant 4 : i32
      %mul3A_118 = arith.muli %scan3A_35, %mul3A_117 : i32
      %add3A_119 = arith.constant 1 : i32
      %add3A_120 = arith.addi %mul3A_118, %add3A_119 : i32
      %dma_start3A_121 = arith.constant 128 : i32
      %dma_start3A_122 = arith.constant 0 : i32
      %dma_start3A_123 = tpu.memref_slice %arg9[%dma_start3A_121, %dma_start3A_122] : memref<512x128xf32, #tpu.memory_space<vmem>> -> memref<128x128xf32, #tpu.memory_space<vmem>>
      %dma_start3A_124 = arith.constant 0 : i32
      %dma_start3A_125 = tpu.memref_slice %arg8[%add3A_120, %dma_start3A_124] : memref<80x128xi32, #tpu.memory_space<vmem>> -> memref<1x128xi32, #tpu.memory_space<vmem>>
      %dma_start3A_126 = tpu.memref_squeeze %dma_start3A_125 : memref<1x128xi32, #tpu.memory_space<vmem>> -> memref<128xi32, #tpu.memory_space<vmem>>
      %dma_start3A_127 = arith.constant 0 : i32
      %dma_start3A_128 = arith.constant 0 : i32
      %dma_start3A_129 = tpu.memref_slice %arg10[%dma_start3A_127, %dma_start3A_128] : memref<5248x128xf32, #tpu.memory_space<vmem_shared>> -> memref<5248x128xf32, #tpu.memory_space<vmem_shared>>
      tpu.enqueue_indirect_dma source(%dma_start3A_123 : memref<128x128xf32, #tpu.memory_space<vmem>>) target(%dma_start3A_129 : memref<5248x128xf32, #tpu.memory_space<vmem_shared>>) offsets(%dma_start3A_126 : memref<128xi32, #tpu.memory_space<vmem>>) semaphore(%arg12 : memref<!tpu.dma_semaphore, #tpu.memory_space<semaphore_mem>>) {add = true}
      %dma_wait3A_130 = arith.constant 256 : i32
      %dma_wait3A_131 = arith.constant 0 : i32
      %dma_wait3A_132 = tpu.memref_slice %arg9[%dma_wait3A_130, %dma_wait3A_131] : memref<512x128xf32, #tpu.memory_space<vmem>> -> memref<128x128xf32, #tpu.memory_space<vmem>>
      %dma_wait3A_133 = arith.constant 0 : i32
      %dma_wait3A_134 = tpu.memref_slice %arg7[%add3A_64, %dma_wait3A_133] : memref<80x128xi32, #tpu.memory_space<vmem>> -> memref<1x128xi32, #tpu.memory_space<vmem>>
      %dma_wait3A_135 = tpu.memref_squeeze %dma_wait3A_134 : memref<1x128xi32, #tpu.memory_space<vmem>> -> memref<128xi32, #tpu.memory_space<vmem>>
      %dma_wait3A_136 = arith.constant 0 : i32
      %dma_wait3A_137 = arith.constant 0 : i32
      %dma_wait3A_138 = tpu.memref_slice %arg2[%dma_wait3A_136, %dma_wait3A_137] : memref<10240x128xf32, #tpu.memory_space<hbm>> -> memref<10240x128xf32, #tpu.memory_space<hbm>>
      tpu.wait_indirect_dma semaphore(%arg11 : memref<!tpu.dma_semaphore, #tpu.memory_space<semaphore_mem>>) src(%dma_wait3A_138 : memref<10240x128xf32, #tpu.memory_space<hbm>>) dst(%dma_wait3A_132 : memref<128x128xf32, #tpu.memory_space<vmem>>)
      %mul3A_139 = arith.constant 4 : i32
      %mul3A_140 = arith.muli %scan3A_35, %mul3A_139 : i32
      %add3A_141 = arith.constant 2 : i32
      %add3A_142 = arith.addi %mul3A_140, %add3A_141 : i32
      %dma_start3A_143 = arith.constant 256 : i32
      %dma_start3A_144 = arith.constant 0 : i32
      %dma_start3A_145 = tpu.memref_slice %arg9[%dma_start3A_143, %dma_start3A_144] : memref<512x128xf32, #tpu.memory_space<vmem>> -> memref<128x128xf32, #tpu.memory_space<vmem>>
      %dma_start3A_146 = arith.constant 0 : i32
      %dma_start3A_147 = tpu.memref_slice %arg8[%add3A_142, %dma_start3A_146] : memref<80x128xi32, #tpu.memory_space<vmem>> -> memref<1x128xi32, #tpu.memory_space<vmem>>
      %dma_start3A_148 = tpu.memref_squeeze %dma_start3A_147 : memref<1x128xi32, #tpu.memory_space<vmem>> -> memref<128xi32, #tpu.memory_space<vmem>>
      %dma_start3A_149 = arith.constant 0 : i32
      %dma_start3A_150 = arith.constant 0 : i32
      %dma_start3A_151 = tpu.memref_slice %arg10[%dma_start3A_149, %dma_start3A_150] : memref<5248x128xf32, #tpu.memory_space<vmem_shared>> -> memref<5248x128xf32, #tpu.memory_space<vmem_shared>>
      tpu.enqueue_indirect_dma source(%dma_start3A_145 : memref<128x128xf32, #tpu.memory_space<vmem>>) target(%dma_start3A_151 : memref<5248x128xf32, #tpu.memory_space<vmem_shared>>) offsets(%dma_start3A_148 : memref<128xi32, #tpu.memory_space<vmem>>) semaphore(%arg12 : memref<!tpu.dma_semaphore, #tpu.memory_space<semaphore_mem>>) {add = true}
      %dma_wait3A_152 = arith.constant 384 : i32
      %dma_wait3A_153 = arith.constant 0 : i32
      %dma_wait3A_154 = tpu.memref_slice %arg9[%dma_wait3A_152, %dma_wait3A_153] : memref<512x128xf32, #tpu.memory_space<vmem>> -> memref<128x128xf32, #tpu.memory_space<vmem>>
      %dma_wait3A_155 = arith.constant 0 : i32
      %dma_wait3A_156 = tpu.memref_slice %arg7[%add3A_77, %dma_wait3A_155] : memref<80x128xi32, #tpu.memory_space<vmem>> -> memref<1x128xi32, #tpu.memory_space<vmem>>
      %dma_wait3A_157 = tpu.memref_squeeze %dma_wait3A_156 : memref<1x128xi32, #tpu.memory_space<vmem>> -> memref<128xi32, #tpu.memory_space<vmem>>
      %dma_wait3A_158 = arith.constant 0 : i32
      %dma_wait3A_159 = arith.constant 0 : i32
      %dma_wait3A_160 = tpu.memref_slice %arg2[%dma_wait3A_158, %dma_wait3A_159] : memref<10240x128xf32, #tpu.memory_space<hbm>> -> memref<10240x128xf32, #tpu.memory_space<hbm>>
      tpu.wait_indirect_dma semaphore(%arg11 : memref<!tpu.dma_semaphore, #tpu.memory_space<semaphore_mem>>) src(%dma_wait3A_160 : memref<10240x128xf32, #tpu.memory_space<hbm>>) dst(%dma_wait3A_154 : memref<128x128xf32, #tpu.memory_space<vmem>>)
      %mul3A_161 = arith.constant 4 : i32
      %mul3A_162 = arith.muli %scan3A_35, %mul3A_161 : i32
      %add3A_163 = arith.constant 3 : i32
      %add3A_164 = arith.addi %mul3A_162, %add3A_163 : i32
      %dma_start3A_165 = arith.constant 384 : i32
      %dma_start3A_166 = arith.constant 0 : i32
      %dma_start3A_167 = tpu.memref_slice %arg9[%dma_start3A_165, %dma_start3A_166] : memref<512x128xf32, #tpu.memory_space<vmem>> -> memref<128x128xf32, #tpu.memory_space<vmem>>
      %dma_start3A_168 = arith.constant 0 : i32
      %dma_start3A_169 = tpu.memref_slice %arg8[%add3A_164, %dma_start3A_168] : memref<80x128xi32, #tpu.memory_space<vmem>> -> memref<1x128xi32, #tpu.memory_space<vmem>>
      %dma_start3A_170 = tpu.memref_squeeze %dma_start3A_169 : memref<1x128xi32, #tpu.memory_space<vmem>> -> memref<128xi32, #tpu.memory_space<vmem>>
      %dma_start3A_171 = arith.constant 0 : i32
      %dma_start3A_172 = arith.constant 0 : i32
      %dma_start3A_173 = tpu.memref_slice %arg10[%dma_start3A_171, %dma_start3A_172] : memref<5248x128xf32, #tpu.memory_space<vmem_shared>> -> memref<5248x128xf32, #tpu.memory_space<vmem_shared>>
      tpu.enqueue_indirect_dma source(%dma_start3A_167 : memref<128x128xf32, #tpu.memory_space<vmem>>) target(%dma_start3A_173 : memref<5248x128xf32, #tpu.memory_space<vmem_shared>>) offsets(%dma_start3A_170 : memref<128xi32, #tpu.memory_space<vmem>>) semaphore(%arg12 : memref<!tpu.dma_semaphore, #tpu.memory_space<semaphore_mem>>) {add = true}
      %dma_wait3A_174 = arith.constant 0 : i32
      %dma_wait3A_175 = arith.constant 0 : i32
      %dma_wait3A_176 = tpu.memref_slice %arg9[%dma_wait3A_174, %dma_wait3A_175] : memref<512x128xf32, #tpu.memory_space<vmem>> -> memref<128x128xf32, #tpu.memory_space<vmem>>
      %dma_wait3A_177 = arith.constant 0 : i32
      %dma_wait3A_178 = tpu.memref_slice %arg8[%add3A_98, %dma_wait3A_177] : memref<80x128xi32, #tpu.memory_space<vmem>> -> memref<1x128xi32, #tpu.memory_space<vmem>>
      %dma_wait3A_179 = tpu.memref_squeeze %dma_wait3A_178 : memref<1x128xi32, #tpu.memory_space<vmem>> -> memref<128xi32, #tpu.memory_space<vmem>>
      %dma_wait3A_180 = arith.constant 0 : i32
      %dma_wait3A_181 = arith.constant 0 : i32
      %dma_wait3A_182 = tpu.memref_slice %arg10[%dma_wait3A_180, %dma_wait3A_181] : memref<5248x128xf32, #tpu.memory_space<vmem_shared>> -> memref<5248x128xf32, #tpu.memory_space<vmem_shared>>
      tpu.wait_indirect_dma semaphore(%arg12 : memref<!tpu.dma_semaphore, #tpu.memory_space<semaphore_mem>>) src(%dma_wait3A_176 : memref<128x128xf32, #tpu.memory_space<vmem>>) dst(%dma_wait3A_182 : memref<5248x128xf32, #tpu.memory_space<vmem_shared>>)
      %dma_wait3A_183 = arith.constant 128 : i32
      %dma_wait3A_184 = arith.constant 0 : i32
      %dma_wait3A_185 = tpu.memref_slice %arg9[%dma_wait3A_183, %dma_wait3A_184] : memref<512x128xf32, #tpu.memory_space<vmem>> -> memref<128x128xf32, #tpu.memory_space<vmem>>
      %dma_wait3A_186 = arith.constant 0 : i32
      %dma_wait3A_187 = tpu.memref_slice %arg8[%add3A_120, %dma_wait3A_186] : memref<80x128xi32, #tpu.memory_space<vmem>> -> memref<1x128xi32, #tpu.memory_space<vmem>>
      %dma_wait3A_188 = tpu.memref_squeeze %dma_wait3A_187 : memref<1x128xi32, #tpu.memory_space<vmem>> -> memref<128xi32, #tpu.memory_space<vmem>>
      %dma_wait3A_189 = arith.constant 0 : i32
      %dma_wait3A_190 = arith.constant 0 : i32
      %dma_wait3A_191 = tpu.memref_slice %arg10[%dma_wait3A_189, %dma_wait3A_190] : memref<5248x128xf32, #tpu.memory_space<vmem_shared>> -> memref<5248x128xf32, #tpu.memory_space<vmem_shared>>
      tpu.wait_indirect_dma semaphore(%arg12 : memref<!tpu.dma_semaphore, #tpu.memory_space<semaphore_mem>>) src(%dma_wait3A_185 : memref<128x128xf32, #tpu.memory_space<vmem>>) dst(%dma_wait3A_191 : memref<5248x128xf32, #tpu.memory_space<vmem_shared>>)
      %dma_wait3A_192 = arith.constant 256 : i32
      %dma_wait3A_193 = arith.constant 0 : i32
      %dma_wait3A_194 = tpu.memref_slice %arg9[%dma_wait3A_192, %dma_wait3A_193] : memref<512x128xf32, #tpu.memory_space<vmem>> -> memref<128x128xf32, #tpu.memory_space<vmem>>
      %dma_wait3A_195 = arith.constant 0 : i32
      %dma_wait3A_196 = tpu.memref_slice %arg8[%add3A_142, %dma_wait3A_195] : memref<80x128xi32, #tpu.memory_space<vmem>> -> memref<1x128xi32, #tpu.memory_space<vmem>>
      %dma_wait3A_197 = tpu.memref_squeeze %dma_wait3A_196 : memref<1x128xi32, #tpu.memory_space<vmem>> -> memref<128xi32, #tpu.memory_space<vmem>>
      %dma_wait3A_198 = arith.constant 0 : i32
      %dma_wait3A_199 = arith.constant 0 : i32
      %dma_wait3A_200 = tpu.memref_slice %arg10[%dma_wait3A_198, %dma_wait3A_199] : memref<5248x128xf32, #tpu.memory_space<vmem_shared>> -> memref<5248x128xf32, #tpu.memory_space<vmem_shared>>
      tpu.wait_indirect_dma semaphore(%arg12 : memref<!tpu.dma_semaphore, #tpu.memory_space<semaphore_mem>>) src(%dma_wait3A_194 : memref<128x128xf32, #tpu.memory_space<vmem>>) dst(%dma_wait3A_200 : memref<5248x128xf32, #tpu.memory_space<vmem_shared>>)
      %dma_wait3A_201 = arith.constant 384 : i32
      %dma_wait3A_202 = arith.constant 0 : i32
      %dma_wait3A_203 = tpu.memref_slice %arg9[%dma_wait3A_201, %dma_wait3A_202] : memref<512x128xf32, #tpu.memory_space<vmem>> -> memref<128x128xf32, #tpu.memory_space<vmem>>
      %dma_wait3A_204 = arith.constant 0 : i32
      %dma_wait3A_205 = tpu.memref_slice %arg8[%add3A_164, %dma_wait3A_204] : memref<80x128xi32, #tpu.memory_space<vmem>> -> memref<1x128xi32, #tpu.memory_space<vmem>>
      %dma_wait3A_206 = tpu.memref_squeeze %dma_wait3A_205 : memref<1x128xi32, #tpu.memory_space<vmem>> -> memref<128xi32, #tpu.memory_space<vmem>>
      %dma_wait3A_207 = arith.constant 0 : i32
      %dma_wait3A_208 = arith.constant 0 : i32
      %dma_wait3A_209 = tpu.memref_slice %arg10[%dma_wait3A_207, %dma_wait3A_208] : memref<5248x128xf32, #tpu.memory_space<vmem_shared>> -> memref<5248x128xf32, #tpu.memory_space<vmem_shared>>
      tpu.wait_indirect_dma semaphore(%arg12 : memref<!tpu.dma_semaphore, #tpu.memory_space<semaphore_mem>>) src(%dma_wait3A_203 : memref<128x128xf32, #tpu.memory_space<vmem>>) dst(%dma_wait3A_209 : memref<5248x128xf32, #tpu.memory_space<vmem_shared>>)
    }
    %scan3A_22 = arith.constant 20 : i32
    %scan3A_23 = arith.constant 1 : i32
    %barrier3A_24 = arith.constant 0 : index
    tpu.barrier barrier_id(%barrier3A_24)
    "tpu.region"() ({
      %run_scoped3A = tpu.sem_alloc : memref<!tpu.dma_semaphore, #tpu.memory_space<semaphore_mem>>
      %dma_start3A = arith.constant 0 : i32
      %dma_start3A_35 = arith.constant 0 : i32
      %dma_start3A_36 = tpu.memref_slice %arg9[%dma_start3A, %dma_start3A_35] : memref<512x128xf32, #tpu.memory_space<vmem>> -> memref<320x128xf32, #tpu.memory_space<vmem>>
      %dma_start3A_37 = arith.constant 0 : i32
      %dma_start3A_38 = tpu.memref_slice %arg10[%mul3A_0, %dma_start3A_37] : memref<5248x128xf32, #tpu.memory_space<vmem_shared>> -> memref<320x128xf32, #tpu.memory_space<vmem_shared>>
      %dma_start3A_39 = arith.constant 0 : i32
      %dma_start3A_40 = arith.constant 0 : i32
      %dma_start3A_41 = tpu.memref_slice %arg9[%dma_start3A_39, %dma_start3A_40] : memref<512x128xf32, #tpu.memory_space<vmem>> -> memref<320x128xf32, #tpu.memory_space<vmem>>
      %dma_start3A_42 = arith.constant 0 : i32
      %dma_start3A_43 = tpu.memref_slice %arg10[%mul3A_0, %dma_start3A_42] : memref<5248x128xf32, #tpu.memory_space<vmem_shared>> -> memref<320x128xf32, #tpu.memory_space<vmem_shared>>
      tpu.enqueue_dma source(%dma_start3A_43 : memref<320x128xf32, #tpu.memory_space<vmem_shared>>) target(%dma_start3A_41 : memref<320x128xf32, #tpu.memory_space<vmem>>) target_semaphore(%run_scoped3A : memref<!tpu.dma_semaphore, #tpu.memory_space<semaphore_mem>>)
      %dma_wait3A = arith.constant 0 : i32
      %dma_wait3A_44 = arith.constant 0 : i32
      %dma_wait3A_45 = tpu.memref_slice %arg9[%dma_wait3A, %dma_wait3A_44] : memref<512x128xf32, #tpu.memory_space<vmem>> -> memref<320x128xf32, #tpu.memory_space<vmem>>
      %dma_wait3A_46 = arith.constant 0 : i32
      %dma_wait3A_47 = tpu.memref_slice %arg10[%mul3A_0, %dma_wait3A_46] : memref<5248x128xf32, #tpu.memory_space<vmem_shared>> -> memref<320x128xf32, #tpu.memory_space<vmem_shared>>
      %dma_wait3A_48 = arith.constant 0 : i32
      %dma_wait3A_49 = arith.constant 0 : i32
      %dma_wait3A_50 = tpu.memref_slice %arg9[%dma_wait3A_48, %dma_wait3A_49] : memref<512x128xf32, #tpu.memory_space<vmem>> -> memref<320x128xf32, #tpu.memory_space<vmem>>
      %dma_wait3A_51 = arith.constant 0 : i32
      %dma_wait3A_52 = tpu.memref_slice %arg10[%mul3A_0, %dma_wait3A_51] : memref<5248x128xf32, #tpu.memory_space<vmem_shared>> -> memref<320x128xf32, #tpu.memory_space<vmem_shared>>
      tpu.wait_dma2 semaphore(%run_scoped3A : memref<!tpu.dma_semaphore, #tpu.memory_space<semaphore_mem>>) src(%dma_wait3A_52 : memref<320x128xf32, #tpu.memory_space<vmem_shared>>) dst(%dma_wait3A_50 : memref<320x128xf32, #tpu.memory_space<vmem>>)
      tpu.yield
    }) : () -> ()
    %eq3A_25 = arith.constant 0 : i32
    %eq3A_26 = arith.cmpi eq, %arg0, %eq3A_25 : i32
    %convert_element_type3A_27 = arith.extui %eq3A_26 : i1 to i32
    %cond3A_28 = arith.constant 0 : i32
    %cond3A_29 = arith.cmpi ne, %convert_element_type3A_27, %cond3A_28 : i32
    scf.if %cond3A_29 {
      "tpu.region"() ({
        %run_scoped3A = tpu.sem_alloc : memref<!tpu.dma_semaphore, #tpu.memory_space<semaphore_mem>>
        %dma_start3A = arith.constant 0 : i32
        %dma_start3A_35 = arith.constant 0 : i32
        %dma_start3A_36 = tpu.memref_slice %arg9[%dma_start3A, %dma_start3A_35] : memref<512x128xf32, #tpu.memory_space<vmem>> -> memref<320x128xf32, #tpu.memory_space<vmem>>
        %dma_start3A_37 = arith.constant 0 : i32
        %dma_start3A_38 = tpu.memref_slice %arg5[%mul3A_0, %dma_start3A_37] : memref<5120x128xf32, #tpu.memory_space<hbm>> -> memref<320x128xf32, #tpu.memory_space<hbm>>
        %dma_start3A_39 = arith.constant 0 : i32
        %dma_start3A_40 = tpu.memref_slice %arg5[%mul3A_0, %dma_start3A_39] : memref<5120x128xf32, #tpu.memory_space<hbm>> -> memref<320x128xf32, #tpu.memory_space<hbm>>
        %dma_start3A_41 = arith.constant 0 : i32
        %dma_start3A_42 = arith.constant 0 : i32
        %dma_start3A_43 = tpu.memref_slice %arg9[%dma_start3A_41, %dma_start3A_42] : memref<512x128xf32, #tpu.memory_space<vmem>> -> memref<320x128xf32, #tpu.memory_space<vmem>>
        tpu.enqueue_dma source(%dma_start3A_43 : memref<320x128xf32, #tpu.memory_space<vmem>>) target(%dma_start3A_40 : memref<320x128xf32, #tpu.memory_space<hbm>>) target_semaphore(%run_scoped3A : memref<!tpu.dma_semaphore, #tpu.memory_space<semaphore_mem>>)
        %dma_wait3A = arith.constant 0 : i32
        %dma_wait3A_44 = arith.constant 0 : i32
        %dma_wait3A_45 = tpu.memref_slice %arg9[%dma_wait3A, %dma_wait3A_44] : memref<512x128xf32, #tpu.memory_space<vmem>> -> memref<320x128xf32, #tpu.memory_space<vmem>>
        %dma_wait3A_46 = arith.constant 0 : i32
        %dma_wait3A_47 = tpu.memref_slice %arg5[%mul3A_0, %dma_wait3A_46] : memref<5120x128xf32, #tpu.memory_space<hbm>> -> memref<320x128xf32, #tpu.memory_space<hbm>>
        %dma_wait3A_48 = arith.constant 0 : i32
        %dma_wait3A_49 = tpu.memref_slice %arg5[%mul3A_0, %dma_wait3A_48] : memref<5120x128xf32, #tpu.memory_space<hbm>> -> memref<320x128xf32, #tpu.memory_space<hbm>>
        %dma_wait3A_50 = arith.constant 0 : i32
        %dma_wait3A_51 = arith.constant 0 : i32
        %dma_wait3A_52 = tpu.memref_slice %arg9[%dma_wait3A_50, %dma_wait3A_51] : memref<512x128xf32, #tpu.memory_space<vmem>> -> memref<320x128xf32, #tpu.memory_space<vmem>>
        tpu.wait_dma2 semaphore(%run_scoped3A : memref<!tpu.dma_semaphore, #tpu.memory_space<semaphore_mem>>) src(%dma_wait3A_52 : memref<320x128xf32, #tpu.memory_space<vmem>>) dst(%dma_wait3A_49 : memref<320x128xf32, #tpu.memory_space<hbm>>)
        tpu.yield
      }) : () -> ()
    } else {
    }
    %eq3A_30 = arith.constant 1 : i32
    %eq3A_31 = arith.cmpi eq, %arg0, %eq3A_30 : i32
    %convert_element_type3A_32 = arith.extui %eq3A_31 : i1 to i32
    %cond3A_33 = arith.constant 0 : i32
    %cond3A_34 = arith.cmpi ne, %convert_element_type3A_32, %cond3A_33 : i32
    scf.if %cond3A_34 {
      "tpu.region"() ({
        %run_scoped3A = tpu.sem_alloc : memref<!tpu.dma_semaphore, #tpu.memory_space<semaphore_mem>>
        %dma_start3A = arith.constant 0 : i32
        %dma_start3A_35 = arith.constant 0 : i32
        %dma_start3A_36 = tpu.memref_slice %arg9[%dma_start3A, %dma_start3A_35] : memref<512x128xf32, #tpu.memory_space<vmem>> -> memref<320x128xf32, #tpu.memory_space<vmem>>
        %dma_start3A_37 = arith.constant 0 : i32
        %dma_start3A_38 = tpu.memref_slice %arg6[%mul3A_0, %dma_start3A_37] : memref<5120x128xf32, #tpu.memory_space<hbm>> -> memref<320x128xf32, #tpu.memory_space<hbm>>
        %dma_start3A_39 = arith.constant 0 : i32
        %dma_start3A_40 = tpu.memref_slice %arg6[%mul3A_0, %dma_start3A_39] : memref<5120x128xf32, #tpu.memory_space<hbm>> -> memref<320x128xf32, #tpu.memory_space<hbm>>
        %dma_start3A_41 = arith.constant 0 : i32
        %dma_start3A_42 = arith.constant 0 : i32
        %dma_start3A_43 = tpu.memref_slice %arg9[%dma_start3A_41, %dma_start3A_42] : memref<512x128xf32, #tpu.memory_space<vmem>> -> memref<320x128xf32, #tpu.memory_space<vmem>>
        tpu.enqueue_dma source(%dma_start3A_43 : memref<320x128xf32, #tpu.memory_space<vmem>>) target(%dma_start3A_40 : memref<320x128xf32, #tpu.memory_space<hbm>>) target_semaphore(%run_scoped3A : memref<!tpu.dma_semaphore, #tpu.memory_space<semaphore_mem>>)
        %dma_wait3A = arith.constant 0 : i32
        %dma_wait3A_44 = arith.constant 0 : i32
        %dma_wait3A_45 = tpu.memref_slice %arg9[%dma_wait3A, %dma_wait3A_44] : memref<512x128xf32, #tpu.memory_space<vmem>> -> memref<320x128xf32, #tpu.memory_space<vmem>>
        %dma_wait3A_46 = arith.constant 0 : i32
        %dma_wait3A_47 = tpu.memref_slice %arg6[%mul3A_0, %dma_wait3A_46] : memref<5120x128xf32, #tpu.memory_space<hbm>> -> memref<320x128xf32, #tpu.memory_space<hbm>>
        %dma_wait3A_48 = arith.constant 0 : i32
        %dma_wait3A_49 = tpu.memref_slice %arg6[%mul3A_0, %dma_wait3A_48] : memref<5120x128xf32, #tpu.memory_space<hbm>> -> memref<320x128xf32, #tpu.memory_space<hbm>>
        %dma_wait3A_50 = arith.constant 0 : i32
        %dma_wait3A_51 = arith.constant 0 : i32
        %dma_wait3A_52 = tpu.memref_slice %arg9[%dma_wait3A_50, %dma_wait3A_51] : memref<512x128xf32, #tpu.memory_space<vmem>> -> memref<320x128xf32, #tpu.memory_space<vmem>>
        tpu.wait_dma2 semaphore(%run_scoped3A : memref<!tpu.dma_semaphore, #tpu.memory_space<semaphore_mem>>) src(%dma_wait3A_52 : memref<320x128xf32, #tpu.memory_space<vmem>>) dst(%dma_wait3A_49 : memref<320x128xf32, #tpu.memory_space<hbm>>)
        tpu.yield
      }) : () -> ()
    } else {
    }
    return
  }
}

module attributes {stable_mosaic.version = 14 : i64} {
  func.func @_mm1_body(%arg0: i32, %arg1: memref<256x128xf32, #tpu.memory_space<vmem>>, %arg2: memref<128x128xf32, #tpu.memory_space<vmem>>, %arg3: memref<256x128xf32, #tpu.memory_space<vmem>>, %arg4: memref<256x128xf32, #tpu.memory_space<vmem>>, %arg5: memref<256x128xf32, #tpu.memory_space<vmem>>) attributes {dimension_semantics = [#tpu.dimension_semantics<arbitrary>], iteration_bounds = array<i64: 40>, scalar_prefetch = 0 : i64, scratch_operands = 0 : i64, tpu.core_type = #tpu.core_type<tc>, window_params = [{transform_indices = @transform_0, window_bounds = array<i64: 256, 128>}, {pipeline_mode = #tpu.pipeline_mode<synchronous>, transform_indices = @transform_1, window_bounds = array<i64: 128, 128>}, {transform_indices = @transform_2, window_bounds = array<i64: 256, 128>}, {transform_indices = @transform_3, window_bounds = array<i64: 256, 128>}, {transform_indices = @transform_4, window_bounds = array<i64: 256, 128>}]} {
    %get3A = arith.constant 0 : index
    %get3A_0 = arith.constant 0 : index
    %get3A_1 = vector.load %arg3[%get3A, %get3A_0] : memref<256x128xf32, #tpu.memory_space<vmem>>, vector<256x1xf32>
    %get3A_2 = arith.constant 0 : index
    %get3A_3 = arith.constant 0 : index
    %get3A_4 = vector.load %arg4[%get3A_2, %get3A_3] : memref<256x128xf32, #tpu.memory_space<vmem>>, vector<256x1xf32>
    %add3A = arith.addf %get3A_1, %get3A_4 : vector<256x1xf32>
    %add3A_5 = arith.constant 1.000000e+00 : f32
    %add3A_6 = vector.broadcast %add3A_5 : f32 to vector<256x1xf32>
    %add3A_7 = arith.addf %add3A, %add3A_6 : vector<256x1xf32>
    %rsqrt3A = math.rsqrt %add3A_7 : vector<256x1xf32>
    %get3A_8 = arith.constant 0 : index
    %get3A_9 = arith.constant 0 : index
    %get3A_10 = vector.load %arg1[%get3A_8, %get3A_9] : memref<256x128xf32, #tpu.memory_space<vmem>>, vector<256x128xf32>
    %get3A_11 = arith.constant 0 : index
    %get3A_12 = arith.constant 0 : index
    %get3A_13 = vector.load %arg2[%get3A_11, %get3A_12] : memref<128x128xf32, #tpu.memory_space<vmem>>, vector<128x128xf32>
    %dot_general3A = arith.constant dense<0.000000e+00> : vector<256x128xf32>
    %dot_general3A_14 = tpu.matmul %get3A_10, %get3A_13, %dot_general3A {dimension_numbers = #tpu.dot_dimension_numbers<[1], [0], [0], [1], [0, 0, 1, 1], [], []>, transpose_lhs_hint = false} : vector<256x128xf32>, vector<128x128xf32>, vector<256x128xf32> -> vector<256x128xf32>
    %mul3A = vector.broadcast %rsqrt3A : vector<256x1xf32> to vector<256x128xf32>
    %mul3A_15 = arith.mulf %dot_general3A_14, %mul3A : vector<256x128xf32>
    %swap3A = arith.constant 0 : index
    %swap3A_16 = arith.constant 0 : index
    %swap3A_17 = vector.load %arg5[%swap3A, %swap3A_16] : memref<256x128xf32, #tpu.memory_space<vmem>>, vector<256x128xf32>
    tpu.vector_store %arg5[%swap3A, %swap3A_16], %mul3A_15 {strides = array<i32>} : memref<256x128xf32, #tpu.memory_space<vmem>>, vector<256x128xf32>,
    return
  }
  func.func @transform_0(%arg0: i32) -> (i32, i32) {
    %c0_i32 = arith.constant 0 : i32
    %c0_i32_0 = arith.constant 0 : i32
    return %arg0, %c0_i32 : i32, i32
  }
  func.func @transform_1(%arg0: i32) -> (i32, i32) {
    %c0_i32 = arith.constant 0 : i32
    %c0_i32_0 = arith.constant 0 : i32
    %c0_i32_1 = arith.constant 0 : i32
    return %c0_i32, %c0_i32_0 : i32, i32
  }
  func.func @transform_2(%arg0: i32) -> (i32, i32) {
    %c0_i32 = arith.constant 0 : i32
    %c0_i32_0 = arith.constant 0 : i32
    return %arg0, %c0_i32 : i32, i32
  }
  func.func @transform_3(%arg0: i32) -> (i32, i32) {
    %c0_i32 = arith.constant 0 : i32
    %c0_i32_0 = arith.constant 0 : i32
    return %arg0, %c0_i32 : i32, i32
  }
  func.func @transform_4(%arg0: i32) -> (i32, i32) {
    %c0_i32 = arith.constant 0 : i32
    %c0_i32_0 = arith.constant 0 : i32
    return %arg0, %c0_i32 : i32, i32
  }
}

module attributes {stable_mosaic.version = 14 : i64} {
  func.func @_mm2_body(%arg0: i32, %arg1: memref<256x128xf32, #tpu.memory_space<vmem>>, %arg2: memref<256x128xf32, #tpu.memory_space<vmem>>, %arg3: memref<256x128xf32, #tpu.memory_space<vmem>>, %arg4: memref<256x128xf32, #tpu.memory_space<vmem>>, %arg5: memref<256x128xf32, #tpu.memory_space<vmem>>, %arg6: memref<1x128xf32, #tpu.memory_space<vmem>>, %arg7: memref<256x128xf32, #tpu.memory_space<vmem>>) attributes {dimension_semantics = [#tpu.dimension_semantics<arbitrary>], iteration_bounds = array<i64: 40>, scalar_prefetch = 0 : i64, scratch_operands = 0 : i64, tpu.core_type = #tpu.core_type<tc>, window_params = [{transform_indices = @transform_0, window_bounds = array<i64: 256, 128>}, {transform_indices = @transform_1, window_bounds = array<i64: 256, 128>}, {transform_indices = @transform_2, window_bounds = array<i64: 256, 128>}, {transform_indices = @transform_3, window_bounds = array<i64: 256, 128>}, {transform_indices = @transform_4, window_bounds = array<i64: 256, 128>}, {pipeline_mode = #tpu.pipeline_mode<synchronous>, transform_indices = @transform_5, window_bounds = array<i64: 1, 128>}, {transform_indices = @transform_6, window_bounds = array<i64: 256, 128>}]} {
    %get3A = arith.constant 0 : index
    %get3A_0 = arith.constant 0 : index
    %get3A_1 = vector.load %arg4[%get3A, %get3A_0] : memref<256x128xf32, #tpu.memory_space<vmem>>, vector<256x1xf32>
    %get3A_2 = arith.constant 0 : index
    %get3A_3 = arith.constant 0 : index
    %get3A_4 = vector.load %arg5[%get3A_2, %get3A_3] : memref<256x128xf32, #tpu.memory_space<vmem>>, vector<256x1xf32>
    %add3A = arith.addf %get3A_1, %get3A_4 : vector<256x1xf32>
    %add3A_5 = arith.constant 1.000000e+00 : f32
    %add3A_6 = vector.broadcast %add3A_5 : f32 to vector<256x1xf32>
    %add3A_7 = arith.addf %add3A, %add3A_6 : vector<256x1xf32>
    %rsqrt3A = math.rsqrt %add3A_7 : vector<256x1xf32>
    %get3A_8 = arith.constant 0 : index
    %get3A_9 = arith.constant 0 : index
    %get3A_10 = vector.load %arg1[%get3A_8, %get3A_9] : memref<256x128xf32, #tpu.memory_space<vmem>>, vector<256x128xf32>
    %get3A_11 = arith.constant 0 : index
    %get3A_12 = arith.constant 0 : index
    %get3A_13 = vector.load %arg2[%get3A_11, %get3A_12] : memref<256x128xf32, #tpu.memory_space<vmem>>, vector<256x128xf32>
    %add3A_14 = arith.addf %get3A_10, %get3A_13 : vector<256x128xf32>
    %get3A_15 = arith.constant 0 : index
    %get3A_16 = arith.constant 0 : index
    %get3A_17 = vector.load %arg3[%get3A_15, %get3A_16] : memref<256x128xf32, #tpu.memory_space<vmem>>, vector<256x128xf32>
    %add3A_18 = arith.addf %add3A_14, %get3A_17 : vector<256x128xf32>
    %mul3A = vector.broadcast %rsqrt3A : vector<256x1xf32> to vector<256x128xf32>
    %mul3A_19 = arith.mulf %mul3A, %add3A_18 : vector<256x128xf32>
    %get3A_20 = arith.constant 0 : index
    %get3A_21 = arith.constant 0 : index
    %get3A_22 = vector.load %arg6[%get3A_20, %get3A_21] : memref<1x128xf32, #tpu.memory_space<vmem>>, vector<1x128xf32>
    %add3A_23 = vector.broadcast %get3A_22 : vector<1x128xf32> to vector<256x128xf32>
    %add3A_24 = arith.addf %mul3A_19, %add3A_23 : vector<256x128xf32>
    %max3A = arith.constant 0.000000e+00 : f32
    %max3A_25 = vector.broadcast %max3A : f32 to vector<256x128xf32>
    %max3A_26 = arith.maximumf %add3A_24, %max3A_25 : vector<256x128xf32>
    %swap3A = arith.constant 0 : index
    %swap3A_27 = arith.constant 0 : index
    %swap3A_28 = vector.load %arg7[%swap3A, %swap3A_27] : memref<256x128xf32, #tpu.memory_space<vmem>>, vector<256x128xf32>
    tpu.vector_store %arg7[%swap3A, %swap3A_27], %max3A_26 {strides = array<i32>} : memref<256x128xf32, #tpu.memory_space<vmem>>, vector<256x128xf32>,
    return
  }
  func.func @transform_0(%arg0: i32) -> (i32, i32) {
    %c0_i32 = arith.constant 0 : i32
    %c0_i32_0 = arith.constant 0 : i32
    return %arg0, %c0_i32 : i32, i32
  }
  func.func @transform_1(%arg0: i32) -> (i32, i32) {
    %c0_i32 = arith.constant 0 : i32
    %c0_i32_0 = arith.constant 0 : i32
    return %arg0, %c0_i32 : i32, i32
  }
  func.func @transform_2(%arg0: i32) -> (i32, i32) {
    %c0_i32 = arith.constant 0 : i32
    %c0_i32_0 = arith.constant 0 : i32
    return %arg0, %c0_i32 : i32, i32
  }
  func.func @transform_3(%arg0: i32) -> (i32, i32) {
    %c0_i32 = arith.constant 0 : i32
    %c0_i32_0 = arith.constant 0 : i32
    return %arg0, %c0_i32 : i32, i32
  }
  func.func @transform_4(%arg0: i32) -> (i32, i32) {
    %c0_i32 = arith.constant 0 : i32
    %c0_i32_0 = arith.constant 0 : i32
    return %arg0, %c0_i32 : i32, i32
  }
  func.func @transform_5(%arg0: i32) -> (i32, i32) {
    %c0_i32 = arith.constant 0 : i32
    %c0_i32_0 = arith.constant 0 : i32
    %c0_i32_1 = arith.constant 0 : i32
    return %c0_i32, %c0_i32_0 : i32, i32
  }
  func.func @transform_6(%arg0: i32) -> (i32, i32) {
    %c0_i32 = arith.constant 0 : i32
    %c0_i32_0 = arith.constant 0 : i32
    return %arg0, %c0_i32 : i32, i32
  }
}

</mosaic_0001>

<sc_bundles>
// kernel: closed_call.15.cloned.1.call-start
scs
__scs_entry_jumppad:
0x0: {  	(pc) =	sbr.rel $0x88, $3  }
0x1: {  	(tag) =	ssettag $0x0;
	lr =	simm.s32 $0x1  }
0x2: {  	[smem:$0x3F9B] =	sst lr;
	_ =	strace $0xD0000000  }
0x3: {  	_ = 	snop  }
0x4: {  	_ = 	snop  }
0x5: {  	_ = 	snop  }
0x6: {  	_ = 	snop  }
0x7: {  	_ = 	snop  }
__scs_overlays_trampoline_lowered:
0x8: {  	[smem:$0x3FAA] =	sst s0  }
0x9: {  	[smem:$0x3FAB] =	sst s1  }
0xa: {  	[smem:$0x3FAC] =	sst s2  }
0xb: {  	[smem:$0x3FAD] =	sst s3  }
0xc: {  	[smem:$0x3FAE] =	sst s4  }
0xd: {  	[smem:$0x3FAF] =	sst s5  }
0xe: {  	[smem:$0x3FB0] =	sst s6  }
0xf: {  	[smem:$0x3FB1] =	sst s7  }
0x10: {  	[smem:$0x3FB2] =	sst s8  }
0x11: {  	[smem:$0x3FB3] =	sst s9;
	s0 =	simm.s32 @!p0 $0x0  }
0x12: {  	s1 =	sld [smem:$0x3F99];
	s0 =	simm.s32 @p0 $0x1  }
0x13: {  	[smem:$0x3FB4] =	sst s0;
	s0 =	simm.s32 @!p1 $0x0  }
0x14: {  	s2 =	sld [smem:$0x3F98];
	s0 =	simm.s32 @p1 $0x1  }
0x15: {  	[smem:$0x3FB5] =	sst s0;
	s0 =	simm.s32 @!p2 $0x0  }
0x16: {  	s3 =	sld [smem:$0x3FDB];
	s0 =	simm.s32 @p2 $0x1  }
0x17: {  	s4 =	simm.s32 $0x1BF5;
	[smem:$0x3FB7] =	sst s0  }
0x18: {  	s0 =	sld [smem:$0x3F9A];
	_ =	swait.ge [sflag:s4], $0x0  }
0x19: {  	s7 =	sld [smem:$0x3F9B]  }
0x1a: {  	s8 =	sadd.s32 $0xFFFFE003, lr  }
0x1b: {  	s9 =	sadd.s32 $0xFFFFFEF7, lr;
	s5 =	simm.s32 $0xFFFFFFFF;
	p2 =	slt.u32 s8, $0xFFFFF086  }
0x1c: {  	p1 =	slt.u32 s9, $0xF7A;
	s5 =	simm.s32 @!p2 $0x0  }
0x1d: {  	s5 =	simm.s32 @p1 $0x1;
	p0 =	seq.s32 s7, s2  }
0x1e: {  	s7 =	smul.u32 @!p0 $0xF7A, s2;
	p2 =	seq.s32 @!p0 s5, $0x0  }
0x1f: {  	s9 =	smul.u32 $0xF7A, s1;
	s8 =	simm.s32 @!p0 $0x1BF5;
	p2 =	por !p2, p0  }
0x20: {  	[sflag:s8] =	ssyncset.s32 @!p0 $0xFFFFF086;
	s6 =	sadd.s32 @!p0 s3, s7;
	s7 =	simm.s32 @!p0 $0x108  }
0x21: {  	s3 =	sadd.s32 s3, s9;
	s6 =	sadd.s32 @!p0 $0x88, s6;
	s7 =	simm.s32 @p2 $0x1082  }
0x22: {  	[simem:s7], [sflag:s8] =	dma.local @!p0 [hbm:s6], $0xF7A  }
0x23: {  	s9 =	sor.u32 $0xD0000000, s2;
	s6 =	simm.s32 $0x108;
	_ =	swait.ge @!p0 [sflag:s8], $0x0  }
0x24: {  	s3 =	sadd.s32 $0x88, s3;
	s6 =	simm.s32 @!p1 $0x1082;
	[sflag:s4] =	ssyncset.s32 $0xFFFFF086  }
0x25: {  	[simem:s6], [sflag:s4] =	dma.local [hbm:s3], $0xF7A  }
0x26: {  	[smem:$0x3F9B] =	sst s1;
	(tag) =	ssettag s2;
	_ =	strace s9  }
0x27: {  	s1 =	sld [smem:$0x3FAB]  }
0x28: {  	s2 =	sld [smem:$0x3FAC]  }
0x29: {  	s4 =	sld [smem:$0x3FAE]  }
0x2a: {  	p0 =	seq.s32 s5, $0x0;
	s5 =	sld [smem:$0x3FAF]  }
0x2b: {  	s6 =	sld [smem:$0x3FB0]  }
0x2c: {  	s7 =	sld [smem:$0x3FB1]  }
0x2d: {  	s3 =	simm.s32 $0x108;
	s8 =	sld [smem:$0x3FB2]  }
0x2e: {  	s3 =	simm.s32 @!p0 $0x1082;
	s9 =	sld [smem:$0x3FB3]  }
0x2f: {  	lr =	sadd.s32 s0, s3;
	s0 =	sld [smem:$0x3FAA]  }
0x30: {  	s3 =	sld [smem:$0x3FAD]  }
0x31: {  	[smem:$0x3FB6] =	sst s10  }
0x32: {  	s10 =	sld [smem:$0x3FB4];
	_ =	sdelay $0x3  }
0x33: {  	p0 =	seq.s32 s10, $0x1;
	s10 =	sld [smem:$0x3FB6];
	_ =	sdelay $0x3  }
0x34: {  	[smem:$0x3FB6] =	sst s10  }
0x35: {  	s10 =	sld [smem:$0x3FB5];
	_ =	sdelay $0x3  }
0x36: {  	p1 =	seq.s32 s10, $0x1;
	s10 =	sld [smem:$0x3FB6];
	_ =	sdelay $0x3  }
0x37: {  	[smem:$0x3FB6] =	sst s10  }
0x38: {  	s10 =	sld [smem:$0x3FB7]  }
0x39: {  	_ = 	snop;
	(pc) =	sbr.ind lr, $3  }
0x3a: {  	_ = 	snop  }
0x3b: {  	_ = 	snop  }
0x3c: {  	p2 =	seq.s32 s10, $0x1;
	s10 =	sld [smem:$0x3FB6]  }
0x3d: {  	_ =	shalt  }
0x3e: {  	_ =	shalt  }
0x3f: {  	_ =	shalt  }
0x40: {  	_ =	shalt  }
0x41: {  	_ =	shalt  }
0x42: {  	_ =	shalt  }
0x43: {  	_ =	shalt  }
0x44: {  	_ =	shalt  }
0x45: {  	_ =	shalt  }
0x46: {  	_ =	shalt  }
0x47: {  	_ =	shalt  }
0x48: {  	_ =	shalt  }
0x49: {  	_ =	shalt  }
0x4a: {  	_ =	shalt  }
0x4b: {  	_ =	shalt  }
0x4c: {  	_ =	shalt  }
0x4d: {  	_ =	shalt  }
0x4e: {  	_ =	shalt  }
0x4f: {  	_ =	shalt  }
0x50: {  	_ =	shalt  }
0x51: {  	_ =	shalt  }
0x52: {  	_ =	shalt  }
0x53: {  	_ =	shalt  }
0x54: {  	_ =	shalt  }
0x55: {  	_ =	shalt  }
0x56: {  	_ =	shalt  }
0x57: {  	_ =	shalt  }
0x58: {  	_ =	shalt  }
0x59: {  	_ =	shalt  }
0x5a: {  	_ =	shalt  }
0x5b: {  	_ =	shalt  }
0x5c: {  	_ =	shalt  }
0x5d: {  	_ =	shalt  }
0x5e: {  	_ =	shalt  }
0x5f: {  	_ =	shalt  }
0x60: {  	_ =	shalt  }
0x61: {  	_ =	shalt  }
0x62: {  	_ =	shalt  }
0x63: {  	_ =	shalt  }
0x64: {  	_ =	shalt  }
0x65: {  	_ =	shalt  }
0x66: {  	_ =	shalt  }
0x67: {  	_ =	shalt  }
0x68: {  	_ =	shalt  }
0x69: {  	_ =	shalt  }
0x6a: {  	_ =	shalt  }
0x6b: {  	_ =	shalt  }
0x6c: {  	_ =	shalt  }
0x6d: {  	_ =	shalt  }
0x6e: {  	_ =	shalt  }
0x6f: {  	_ =	shalt  }
0x70: {  	_ =	shalt  }
0x71: {  	_ =	shalt  }
0x72: {  	_ =	shalt  }
0x73: {  	_ =	shalt  }
0x74: {  	_ =	shalt  }
0x75: {  	_ =	shalt  }
0x76: {  	_ =	shalt  }
0x77: {  	_ =	shalt  }
0x78: {  	_ =	shalt  }
0x79: {  	_ =	shalt  }
0x7a: {  	_ =	shalt  }
0x7b: {  	_ =	shalt  }
0x7c: {  	_ =	shalt  }
0x7d: {  	_ =	shalt  }
0x7e: {  	_ =	shalt  }
0x7f: {  	_ =	shalt  }
0x80: {  	_ =	shalt  }
0x81: {  	_ =	shalt  }
0x82: {  	_ =	shalt  }
0x83: {  	_ =	shalt  }
0x84: {  	_ =	shalt  }
0x85: {  	_ =	shalt  }
0x86: {  	_ =	shalt  }
0x87: {  	_ =	shalt  }
.Lfunc_end0:
.L_simem_size_0:
called_computation_lowered:
.L_overlay_start_0:
0x88: {  	s2 =	sld [smem:$0x3FD9]  }
0x89: {  	s3 =	sld [smem:$0x3FFE];
	_ =	sdelay $0x1  }
0x8a: {  	s1 =	srdreg.scid  }
0x8b: {  	s0 =	sand.u32 $0x1, s1  }
0x8c: {  	s16 =	sshll.u32 s0, $0xA;
	s2 =	sadd.s32 s3, s2  }
0x8d: {  	s2 =	sadd.s32 s2, s16  }
0x8e: {  	[smem:$0x3FC2] =	sst s2  }
0x8f: {  	_ = 	snop  }
0x90: {  	(tm) =	ssettm $0x1  }
0x91: {  	s17 =	sld [smem:$0x3FFB];
	_ =	sdelay $0x3  }
0x92: {  	_ =	strace s17  }
0x93: {  	s2 =	sld [smem:$0x3FFC];
	_ =	sdelay $0x3  }
0x94: {  	_ =	strace s2  }
0x95: {  	s2 =	sld [smem:$0x3FFD];
	_ =	sdelay $0x3  }
0x96: {  	_ =	strace s2  }
0x97: {  	_ =	strace $0x8FFFFFFF  }
0x98: {  	s18 =	sld [smem:$0x3FDB];
	_ =	sdelay $0x1  }
0x99: {  	s19 =	simm.s32 $_scs_section_size  }
0x9a: {  	s4 =	simm.s32 $_size__tile_overlayer_lowered;
	s5 =	simm.s32 $_tile_overlayer_lowered  }
0x9b: {  	s22 =	simm.s32 $0x1BFF;
	s21 =	sshll.u32 s5, $0x1;
	s2 =	sadd.s32 s19, s18  }
0x9c: {  	s6 =	simm.s32 $0x0;
	s20 =	sshll.u32 s4, $0x1;
	s4 =	sadd.s32 s21, s2  }
0x9d: {  	[timem:s6], [sflag:s22] =	dma.local [hbm:s4], s20  }
0x9e: {  	_ =	swait.ge [sflag:s22], s20  }
0x9f: {  	s3 =	ssub.s32 $0x0, s20;
	[sflag:s22] =	ssyncset.done $0x0  }
0xa0: {  	[sflag:s22] =	ssyncadd.s32 s3;
	_ =	sdelay $0x1  }
0xa1: {  	s23 =	simm.s32 $0x1B8B  }
0xa2: {  	_ =	swait.ge [sflag:s23], $0x1  }
0xa3: {  	[sflag:s23] =	ssyncset.done $0x0  }
0xa4: {  	s25 =	simm.s32 $0x1B8E;
	s24 =	sld [smem:$0x3FFE];
	[sflag:s23] =	ssyncadd.s32 $0xFFFFFFFF  }
0xa5: {  	s26 =	simm.s32 $execute0_lowered;
	[smem:$0x3FD2] =	sst s25  }
0xa6: {  	s4 =	sshll.u32 s26, $0x1;
	_ =	strace $0x8000004C;
	[dreg:$0x1] =	wrdreg $0xFFFFFFFF  }
0xa7: {  	s28 =	simm.s32 $_size_execute0_lowered;
	s2 =	sadd.s32 s2, s4;
	[dreg:$0x0] =	wrdreg $0x0  }
0xa8: {  	s4 =	sshll.u32 s28, $0x1;
	[dreg:$0x2] =	wrdreg s2  }
0xa9: {  	[dreg:$0x3] =	wrdreg s4  }
0xaa: {  	[dreg:$0x4] =	wrdreg $0xC0  }
0xab: {  	_ =	task [dreg:s6], $0x5FFFF  }
0xac: {  	[dreg:$0x1] =	wrdreg $0xFFFFFFFF  }
0xad: {  	[dreg:$0x0] =	wrdreg $0x60  }
0xae: {  	[dreg:$0x2] =	wrdreg s24  }
0xaf: {  	[dreg:$0x3] =	wrdreg $0x150000  }
0xb0: {  	[dreg:$0x4] =	wrdreg $0x9  }
0xb1: {  	_ =	task.clear_ibuf [dreg:s6], $0x5FFFF;
	_ =	strace $0x9000004C  }
0xb2: {  	s29 =	simm.s32 $0x9;
	_ =	strace $0x8000004E  }
0xb3: {  	_ =	swait.ge [sflag:s29], $0x1  }
0xb4: {  	[sflag:s29] =	ssyncadd.s32 $0xFFFFFFFF  }
0xb5: {  	_ =	strace $0x9000004E  }
0xb6: {  	_ =	sfence  }
0xb7: {  	s30 =	sld [smem:$0x0];
	_ =	sdelay $0x2  }
0xb8: {  	s31 =	sshll.u32 s1, $0xD;
	s1 =	sshrl.u32 s1, $0x2  }
0xb9: {  	s3 =	sand.u32 $0x4000, s31;
	s1 =	sadd.s32 s1, s30  }
0xba: {  	s0 =	sor.u32 s3, s0;
	s1 =	sshll.u32 s1, $0x11  }
0xbb: {  	s0 =	sor.u32 s1, s0  }
0xbc: {  	s0 =	sadd.s32 $0x8F2B, s0  }
0xbd: {  	[sflag:s0] =	ssyncadd.remote.s32 $0x1  }
0xbe: {  	_ =	sfence.sel $0xFFFF  }
0xbf: {  	[dreg:$0x0] =	wrdreg $0xFFFFFFFF;
	(pc) =	sbr.abs _section_cstart, $3  }
0xc0: {  	[dreg:$0x1] =	wrdreg $0xFFFFFFFF  }
0xc1: {  	_ =	task.clear_ibuf [dreg:s6], $0x2FFFF;
	_ =	strace $0x9FFFFFFF  }
0xc2: {  	(tm) =	ssettm $0x7FFFFFFF  }
0xc3: {  	_ =	shalt  }
tec
execute0_lowered:
.L_overlay_start_1:
0x0: {  	(tag) =	ssettag $0x1  }
0x1: {  	s10 =	rddreg [dreg:$0x0]  }
0x2: {  	s2 =	rddreg [dreg:$0x1]  }
0x3: {  	s0 =	rddreg [dreg:$0x2]  }
0x4: {  	s4 =	srdreg.scid;
	s1 =	stileid.u32  }
0x5: {  	s3 =	simm.s32 $0x0;
	s12 =	simm.s32 $0x68200;
	s14 =	simm.s32 $0x80  }
0x6: {  	s15 =	simm.s32 $0x9000;
	s16 =	simm.s32 $0xD000;
	s17 =	simm.s32 $0x11000  }
0x7: {  	s18 =	simm.s32 $0x1;
	s19 =	simm.s32 $0x2;
	s20 =	simm.s32 $0x0  }
0x8: {  	s7 =	sand.u32 $0x1, s4;
	s31 =	sshll.u32 s1, $0x1;
	s5 =	smul.u32 $0x28000, s1  }
0x9: {  	[smem:$0x7FF] =	sst s3;
	s13 =	smul.u32 $0x1400, s1;
	s4 =	sor.u32 s7, s31  }
0xa: {  	_ =	strace $0x8000004D;
	s8 =	ssub.s32 $0x2, s7;
	p0 =	seq.s32 s7, $0x1  }
0xb: {  	s6 =	smul.u32 $0x500, s4;
	s4 =	sadd.s32 $0x22000, s10;
	s9 =	sshrl.u32 s8, $0x1  }
0xc: {  	s5 =	sshrl.u32 s5, $0x2;
	s12 =	simm.s32 @!p0 $0x54200;
	p0 =	sne.s32 s1, $0xF  }
0xd: {  	s9 =	ssub.s32 s8, s9;
	s5 =	sadd.s32 s5, s2;
	s11 =	sadd.s32 s6, s10  }
0xe: {  	s6 =	sadd.s32 $0xA0000, s2;
	s9 =	smax.u32 s9, $0x1;
	s10 =	sadd.s32 s12, s10  }
0xf: {  	s12 =	simm.s32 $0x3;
	s7 =	sadd.s32 $0x18000, s11;
	s8 =	sadd.s32 $0xE000, s11  }
0x10: {  	v0 =	vimm.f32 $0.0e+00;
	s10 =	sadd.s32 s10, s13;
	s11 =	simm.s32 $0x5000;
	s13 =	simm.s32 $0x2800  }
.LBB2_1:
0x11: {  	s21 =	simm.s32 $0x0;
	s22 =	simm.s32 $0x200  }
.LBB2_2:
0x12: {  	p1 =	sne.s32 s22, $0x3FE00;
	[tilespmem:s21+$0x5070] =	vst v0  }
0x13: {  	[tilespmem:s21+$0x5000] =	vst v0  }
0x14: {  	[tilespmem:s21+$0x5010] =	vst v0  }
.Ltmp0:
0x15: {  	[tilespmem:s21+$0x5020] =	vst v0;
	(pc) =	sbr.rel @p1 .LBB2_2-.Ltmp0, $4  }
0x16: {  	[tilespmem:s21+$0x5030] =	vst v0  }
0x17: {  	[tilespmem:s21+$0x5040] =	vst v0  }
0x18: {  	[tilespmem:s21+$0x5050] =	vst v0  }
0x19: {  	[tilespmem:s21+$0x5060] =	vst v0;
	s21 =	sshra.s32 s22, $0x2;
	s22 =	sadd.s32 $0x200, s22  }
0x1a: {  	[tilespmem:s21+$0x5070] =	vst v0  }
0x1b: {  	[tilespmem:s21+$0x5000] =	vst v0  }
0x1c: {  	[tilespmem:s21+$0x5010] =	vst v0  }
0x1d: {  	[tilespmem:s21+$0x5020] =	vst v0  }
0x1e: {  	[tilespmem:s21+$0x5030] =	vst v0  }
0x1f: {  	[tilespmem:s21+$0x5040] =	vst v0  }
0x20: {  	[tilespmem:s21+$0x5050] =	vst v0  }
0x21: {  	[tilespmem:s21+$0x5060] =	vst v0  }
0x22: {  	[spmem:s5] =	stream.linear.scatter [tilespmem:s11], [sflag:$0x3], $0xA000, $0x38;
	[tilespmem:$0x1F400] =	vst v63  }
0x23: {  	_ =	swait.ge [sflag:s12], $0xA000  }
0x24: {  	[sflag:s12] =	ssyncset.done $0x0  }
0x25: {  	s21 =	simm.s32 @!p0 $0x5000;
	[sflag:s12] =	ssyncadd.s32 $0xFFFF6000  }
0x26: {  	[spmem:s6] =	stream.linear.scatter @!p0 [tilespmem:s21], [sflag:$0x3], $0x4000, $0x38;
	[tilespmem:$0x1F400] =	vst v63  }
0x27: {  	s21 =	simm.s32 @!p0 $0x3  }
0x28: {  	_ =	swait.ge @!p0 [sflag:s21], $0x4000  }
0x29: {  	[sflag:s21] =	ssyncset.done @!p0 $0x0  }
0x2a: {  	[sflag:s21] =	ssyncadd.s32 @!p0 $0xFFFFC000  }
0x2b: {  	s22 =	simm.s32 $0x0;
	[bflag:$0x0] =	sbarrier.arrive $0xFFFF  }
0x2c: {  	[tilespmem:s22], [sflag:$0x3] =	stream.linear.gather [hbm4b:s7+s22], $0x2800, $0x38;
	[tilespmem:$0x1F400] =	vst v63  }
0x2d: {  	_ =	swait.ge [sflag:s12], $0x2800  }
0x2e: {  	[sflag:s12] =	ssyncset.done $0x0  }
0x2f: {  	[sflag:s12] =	ssyncadd.s32 $0xFFFFD800  }
0x30: {  	[tilespmem:s13], [sflag:$0x3] =	stream.linear.gather [hbm4b:s8+s22], $0x2800, $0x38;
	[tilespmem:$0x1F400] =	vst v63  }
0x31: {  	_ =	swait.ge [sflag:s12], $0x2800  }
0x32: {  	[sflag:s12] =	ssyncset.done $0x0  }
0x33: {  	s23 =	simm.s32 $0x0;
	[sflag:s12] =	ssyncadd.s32 $0xFFFFD800  }
0x34: {  	[tilespmem:s11], [sflag:$0x1] =	stream.indirect.gather [hbm4b:s4+s14], $0x80, s23, s14, $0xb8;
	[tilespmem:$0x1F400] =	vst v63  }
0x35: {  	s24 =	simm.s32 $0x80  }
0x36: {  	[tilespmem:s15], [sflag:$0x1] =	stream.indirect.gather [hbm4b:s4+s14], $0x80, s24, s14, $0xb8;
	[tilespmem:$0x1F400] =	vst v63  }
0x37: {  	s25 =	simm.s32 $0x100  }
0x38: {  	[tilespmem:s16], [sflag:$0x1] =	stream.indirect.gather [hbm4b:s4+s14], $0x80, s25, s14, $0xb8;
	[tilespmem:$0x1F400] =	vst v63  }
0x39: {  	s26 =	simm.s32 $0x180  }
0x3a: {  	[tilespmem:s17], [sflag:$0x1] =	stream.indirect.gather [hbm4b:s4+s14], $0x80, s26, s14, $0xb8;
	[tilespmem:$0x1F400] =	vst v63  }
0x3b: {  	_ =	swait.ge [sflag:s18], $0x4000  }
0x3c: {  	[sflag:s18] =	ssyncset.done $0x0  }
0x3d: {  	s28 =	simm.s32 $0x2800;
	[sflag:s18] =	ssyncadd.s32 $0xFFFFC000  }
0x3e: {  	[spmem:s2] =	stream.indirect.scatter.add.f32 [tilespmem:s11], [sflag:$0x2], $0x80, s28, s14, $0xb8;
	[tilespmem:$0x1F400] =	vst v63  }
0x3f: {  	_ =	swait.ge [sflag:s18], $0x4000  }
0x40: {  	[sflag:s18] =	ssyncset.done $0x0  }
0x41: {  	s29 =	simm.s32 $0x2880;
	[sflag:s18] =	ssyncadd.s32 $0xFFFFC000  }
0x42: {  	[spmem:s2] =	stream.indirect.scatter.add.f32 [tilespmem:s15], [sflag:$0x2], $0x80, s29, s14, $0xb8;
	[tilespmem:$0x1F400] =	vst v63  }
0x43: {  	_ =	swait.ge [sflag:s18], $0x4000  }
0x44: {  	[sflag:s18] =	ssyncset.done $0x0  }
0x45: {  	s30 =	simm.s32 $0x2900;
	[sflag:s18] =	ssyncadd.s32 $0xFFFFC000  }
0x46: {  	[spmem:s2] =	stream.indirect.scatter.add.f32 [tilespmem:s16], [sflag:$0x2], $0x80, s30, s14, $0xb8;
	[tilespmem:$0x1F400] =	vst v63  }
0x47: {  	_ =	swait.ge [sflag:s18], $0x4000  }
0x48: {  	[sflag:s18] =	ssyncset.done $0x0  }
0x49: {  	s31 =	simm.s32 $0x2980;
	[sflag:s18] =	ssyncadd.s32 $0xFFFFC000  }
0x4a: {  	[spmem:s2] =	stream.indirect.scatter.add.f32 [tilespmem:s17], [sflag:$0x2], $0x80, s31, s14, $0xb8;
	[tilespmem:$0x1F400] =	vst v63  }
0x4b: {  	_ =	swait.ge [sflag:s19], $0x4000  }
0x4c: {  	[sflag:s19] =	ssyncset.done $0x0  }
0x4d: {  	[sflag:s19] =	ssyncadd.s32 $0xFFFFC000  }
0x4e: {  	_ =	swait.ge [sflag:s19], $0x4000  }
0x4f: {  	[sflag:s19] =	ssyncset.done $0x0  }
0x50: {  	[sflag:s19] =	ssyncadd.s32 $0xFFFFC000  }
0x51: {  	_ =	swait.ge [sflag:s19], $0x4000  }
0x52: {  	[sflag:s19] =	ssyncset.done $0x0  }
0x53: {  	[sflag:s19] =	ssyncadd.s32 $0xFFFFC000  }
0x54: {  	_ =	swait.ge [sflag:s19], $0x4000  }
0x55: {  	s21 =	simm.s32 $0x800;
	s23 =	simm.s32 $0x1000;
	[sflag:s19] =	ssyncset.done $0x0  }
.LBB2_4:
0x56: {  	s24 =	sshra.s32 s21, $0x2  }
0x57: {  	[sflag:s19] =	ssyncadd.s32 $0xFFFFC000;
	s21 =	smov.u32 s23;
	s22 =	sadd.s32 $0x800, s23  }
0x58: {  	[tilespmem:s11], [sflag:$0x1] =	stream.indirect.gather [hbm4b:s4+s14], $0x80, s24, s14, $0xb8;
	[tilespmem:$0x1F400] =	vst v63  }
0x59: {  	p1 =	sne.s32 s23, $0x9800;
	s23 =	sadd.s32 $0x80, s24  }
0x5a: {  	[tilespmem:s15], [sflag:$0x1] =	stream.indirect.gather [hbm4b:s4+s14], $0x80, s23, s14, $0xb8;
	[tilespmem:$0x1F400] =	vst v63  }
0x5b: {  	s23 =	sadd.s32 $0x100, s24  }
0x5c: {  	[tilespmem:s16], [sflag:$0x1] =	stream.indirect.gather [hbm4b:s4+s14], $0x80, s23, s14, $0xb8;
	[tilespmem:$0x1F400] =	vst v63  }
0x5d: {  	s23 =	sadd.s32 $0x180, s24  }
0x5e: {  	[tilespmem:s17], [sflag:$0x1] =	stream.indirect.gather [hbm4b:s4+s14], $0x80, s23, s14, $0xb8;
	[tilespmem:$0x1F400] =	vst v63  }
0x5f: {  	_ =	swait.ge [sflag:s18], $0x4000  }
0x60: {  	[sflag:s18] =	ssyncset.done $0x0  }
0x61: {  	s23 =	sadd.s32 $0x2800, s24;
	[sflag:s18] =	ssyncadd.s32 $0xFFFFC000  }
0x62: {  	[spmem:s2] =	stream.indirect.scatter.add.f32 [tilespmem:s11], [sflag:$0x2], $0x80, s23, s14, $0xb8;
	[tilespmem:$0x1F400] =	vst v63  }
0x63: {  	_ =	swait.ge [sflag:s18], $0x4000  }
0x64: {  	[sflag:s18] =	ssyncset.done $0x0  }
0x65: {  	s23 =	sadd.s32 $0x2880, s24;
	[sflag:s18] =	ssyncadd.s32 $0xFFFFC000  }
0x66: {  	[spmem:s2] =	stream.indirect.scatter.add.f32 [tilespmem:s15], [sflag:$0x2], $0x80, s23, s14, $0xb8;
	[tilespmem:$0x1F400] =	vst v63  }
0x67: {  	_ =	swait.ge [sflag:s18], $0x4000  }
0x68: {  	[sflag:s18] =	ssyncset.done $0x0  }
0x69: {  	s23 =	sadd.s32 $0x2900, s24;
	[sflag:s18] =	ssyncadd.s32 $0xFFFFC000  }
0x6a: {  	[spmem:s2] =	stream.indirect.scatter.add.f32 [tilespmem:s16], [sflag:$0x2], $0x80, s23, s14, $0xb8;
	[tilespmem:$0x1F400] =	vst v63  }
0x6b: {  	_ =	swait.ge [sflag:s18], $0x4000  }
0x6c: {  	[sflag:s18] =	ssyncset.done $0x0  }
0x6d: {  	s23 =	sadd.s32 $0x2980, s24;
	[sflag:s18] =	ssyncadd.s32 $0xFFFFC000  }
0x6e: {  	[spmem:s2] =	stream.indirect.scatter.add.f32 [tilespmem:s17], [sflag:$0x2], $0x80, s23, s14, $0xb8;
	[tilespmem:$0x1F400] =	vst v63  }
0x6f: {  	_ =	swait.ge [sflag:s19], $0x4000  }
0x70: {  	[sflag:s19] =	ssyncset.done $0x0  }
0x71: {  	[sflag:s19] =	ssyncadd.s32 $0xFFFFC000  }
0x72: {  	_ =	swait.ge [sflag:s19], $0x4000  }
0x73: {  	[sflag:s19] =	ssyncset.done $0x0  }
0x74: {  	[sflag:s19] =	ssyncadd.s32 $0xFFFFC000  }
.Ltmp1:
0x75: {  	_ =	swait.ge [sflag:s19], $0x4000;
	(pc) =	sbr.rel @p1 .LBB2_4-.Ltmp1, $4  }
0x76: {  	[sflag:s19] =	ssyncset.done $0x0  }
0x77: {  	[sflag:s19] =	ssyncadd.s32 $0xFFFFC000  }
0x78: {  	_ =	swait.ge [sflag:s19], $0x4000  }
0x79: {  	s23 =	smov.u32 s22;
	[sflag:s19] =	ssyncset.done $0x0  }
0x7a: {  	s21 =	sshra.s32 s21, $0x2;
	[sflag:s19] =	ssyncadd.s32 $0xFFFFC000  }
0x7b: {  	[tilespmem:s11], [sflag:$0x1] =	stream.indirect.gather [hbm4b:s4+s14], $0x80, s21, s14, $0xb8;
	[tilespmem:$0x1F400] =	vst v63  }
0x7c: {  	s22 =	sadd.s32 $0x80, s21  }
0x7d: {  	[tilespmem:s15], [sflag:$0x1] =	stream.indirect.gather [hbm4b:s4+s14], $0x80, s22, s14, $0xb8;
	[tilespmem:$0x1F400] =	vst v63  }
0x7e: {  	s26 =	sadd.s32 $0x100, s21  }
0x7f: {  	[tilespmem:s16], [sflag:$0x1] =	stream.indirect.gather [hbm4b:s4+s14], $0x80, s26, s14, $0xb8;
	[tilespmem:$0x1F400] =	vst v63  }
0x80: {  	s28 =	sadd.s32 $0x180, s21  }
0x81: {  	[tilespmem:s17], [sflag:$0x1] =	stream.indirect.gather [hbm4b:s4+s14], $0x80, s28, s14, $0xb8;
	[tilespmem:$0x1F400] =	vst v63  }
0x82: {  	_ =	swait.ge [sflag:s18], $0x4000  }
0x83: {  	[sflag:s18] =	ssyncset.done $0x0  }
0x84: {  	s29 =	sadd.s32 $0x2800, s21;
	[sflag:s18] =	ssyncadd.s32 $0xFFFFC000  }
0x85: {  	[spmem:s2] =	stream.indirect.scatter.add.f32 [tilespmem:s11], [sflag:$0x2], $0x80, s29, s14, $0xb8;
	[tilespmem:$0x1F400] =	vst v63  }
0x86: {  	_ =	swait.ge [sflag:s18], $0x4000  }
0x87: {  	[sflag:s18] =	ssyncset.done $0x0  }
0x88: {  	s30 =	sadd.s32 $0x2880, s21;
	[sflag:s18] =	ssyncadd.s32 $0xFFFFC000  }
0x89: {  	[spmem:s2] =	stream.indirect.scatter.add.f32 [tilespmem:s15], [sflag:$0x2], $0x80, s30, s14, $0xb8;
	[tilespmem:$0x1F400] =	vst v63  }
0x8a: {  	_ =	swait.ge [sflag:s18], $0x4000  }
0x8b: {  	[sflag:s18] =	ssyncset.done $0x0  }
0x8c: {  	s31 =	sadd.s32 $0x2900, s21;
	[sflag:s18] =	ssyncadd.s32 $0xFFFFC000  }
0x8d: {  	[spmem:s2] =	stream.indirect.scatter.add.f32 [tilespmem:s16], [sflag:$0x2], $0x80, s31, s14, $0xb8;
	[tilespmem:$0x1F400] =	vst v63  }
0x8e: {  	_ =	swait.ge [sflag:s18], $0x4000  }
0x8f: {  	[sflag:s18] =	ssyncset.done $0x0  }
0x90: {  	s21 =	sadd.s32 $0x2980, s21;
	[sflag:s18] =	ssyncadd.s32 $0xFFFFC000  }
0x91: {  	[spmem:s2] =	stream.indirect.scatter.add.f32 [tilespmem:s17], [sflag:$0x2], $0x80, s21, s14, $0xb8;
	[tilespmem:$0x1F400] =	vst v63  }
0x92: {  	_ =	swait.ge [sflag:s19], $0x4000  }
0x93: {  	[sflag:s19] =	ssyncset.done $0x0  }
0x94: {  	[sflag:s19] =	ssyncadd.s32 $0xFFFFC000  }
0x95: {  	_ =	swait.ge [sflag:s19], $0x4000  }
0x96: {  	[sflag:s19] =	ssyncset.done $0x0  }
0x97: {  	[sflag:s19] =	ssyncadd.s32 $0xFFFFC000  }
0x98: {  	_ =	swait.ge [sflag:s19], $0x4000  }
0x99: {  	[sflag:s19] =	ssyncset.done $0x0  }
0x9a: {  	[sflag:s19] =	ssyncadd.s32 $0xFFFFC000  }
0x9b: {  	_ =	swait.ge [sflag:s19], $0x4000  }
0x9c: {  	[sflag:s19] =	ssyncset.done $0x0  }
0x9d: {  	[sflag:s19] =	ssyncadd.s32 $0xFFFFC000  }
0x9e: {  	[bflag:$0x0] =	sbarrier.arrive $0xFFFF  }
0x9f: {  	[tilespmem:s11], [sflag:$0x3] =	stream.linear.gather [spmem:s5], $0xA000, $0x38;
	[tilespmem:$0x1F400] =	vst v63  }
0xa0: {  	s20 =	sadd.s32 $0x1, s20;
	_ =	swait.ge [sflag:s12], $0xA000  }
0xa1: {  	p1 =	sne.s32 s20, s9;
	[sflag:s12] =	ssyncset.done $0x0  }
.Ltmp2:
0xa2: {  	[sflag:s12] =	ssyncadd.s32 $0xFFFF6000;
	(pc) =	sbr.rel @p1 .LBB2_1-.Ltmp2, $4  }
0xa3: {  	[hbm4b:s10+s3] =	stream.linear.scatter [tilespmem:s11], [sflag:$0x3], $0xA000, $0x38;
	[tilespmem:$0x1F400] =	vst v63  }
0xa4: {  	_ =	swait.ge [sflag:s12], $0xA000  }
0xa5: {  	[sflag:s12] =	ssyncset.done $0x0  }
0xa6: {  	[sflag:s12] =	ssyncadd.s32 $0xFFFF6000  }
0xa7: {  	_ =	sfence.sel $0x180000  }
0xa8: {  	[bflag:$0x0] =	sbarrier.arrive $0xFFFF  }
0xa9: {  	p0 =	sne.s32 s1, $0x0;
	_ =	strace $0x9000004D  }
0xaa: {  	s0 =	sadd.s32 @!p0 $0x100000, s0;
	[bflag:$0x2] =	sbarrier.arrive $0xFFFF  }
0xab: {  	[sflag:s0] =	ssyncadd.tile.s32 @!p0 $0x1;
	_ =	shalt  }
.Lfunc_end2:
_tile_overlayer_lowered:
.L_overlay_start_2:
0xac: {  	(tag) =	ssettag $0x2  }
0xad: {  	s0 =	rddreg [dreg:$0x0];
	s2 =	stileid.u32  }
0xae: {  	s1 =	rddreg [dreg:$0x1];
	p0 =	sne.s32 s2, $0x0  }
0xaf: {  	s3 =	rddreg [dreg:$0x2];
	[bflag:$0x3] =	sbarrier.arrive $0xFFFF;
	s2 =	simm.s32 @!p0 $0x1C03  }
0xb0: {  	[timem:s3], [sflag:s2] =	dma.local @!p0 [hbm:s0], s1  }
0xb1: {  	s0 =	simm.s32 @!p0 $0x3  }
0xb2: {  	_ =	swait.ge @!p0 [sflag:s0], s1  }
0xb3: {  	s1 =	ssub.s32 @!p0 $0x0, s1;
	[sflag:s0] =	ssyncset.done @!p0 $0x0  }
0xb4: {  	[sflag:s0] =	ssyncadd.s32 @!p0 s1  }
0xb5: {  	[bflag:$0x3] =	sbarrier.arrive $0xFFFF  }
0xb6: {  	_ =	shalt  }

// kernel: closed_call.18.cloned.1.call-start
scs
__scs_entry_jumppad:
0x0: {  	(pc) =	sbr.rel $0x88, $3  }
0x1: {  	(tag) =	ssettag $0x0;
	lr =	simm.s32 $0x1  }
0x2: {  	[smem:$0x3F9B] =	sst lr;
	_ =	strace $0xD0000000  }
0x3: {  	_ = 	snop  }
0x4: {  	_ = 	snop  }
0x5: {  	_ = 	snop  }
0x6: {  	_ = 	snop  }
0x7: {  	_ = 	snop  }
__scs_overlays_trampoline_lowered:
0x8: {  	[smem:$0x3FAA] =	sst s0  }
0x9: {  	[smem:$0x3FAB] =	sst s1  }
0xa: {  	[smem:$0x3FAC] =	sst s2  }
0xb: {  	[smem:$0x3FAD] =	sst s3  }
0xc: {  	[smem:$0x3FAE] =	sst s4  }
0xd: {  	[smem:$0x3FAF] =	sst s5  }
0xe: {  	[smem:$0x3FB0] =	sst s6  }
0xf: {  	[smem:$0x3FB1] =	sst s7  }
0x10: {  	[smem:$0x3FB2] =	sst s8  }
0x11: {  	[smem:$0x3FB3] =	sst s9;
	s0 =	simm.s32 @!p0 $0x0  }
0x12: {  	s1 =	sld [smem:$0x3F99];
	s0 =	simm.s32 @p0 $0x1  }
0x13: {  	[smem:$0x3FB4] =	sst s0;
	s0 =	simm.s32 @!p1 $0x0  }
0x14: {  	s2 =	sld [smem:$0x3F98];
	s0 =	simm.s32 @p1 $0x1  }
0x15: {  	[smem:$0x3FB5] =	sst s0;
	s0 =	simm.s32 @!p2 $0x0  }
0x16: {  	s3 =	sld [smem:$0x3FDB];
	s0 =	simm.s32 @p2 $0x1  }
0x17: {  	s4 =	simm.s32 $0x1BF5;
	[smem:$0x3FB7] =	sst s0  }
0x18: {  	s0 =	sld [smem:$0x3F9A];
	_ =	swait.ge [sflag:s4], $0x0  }
0x19: {  	s7 =	sld [smem:$0x3F9B]  }
0x1a: {  	s8 =	sadd.s32 $0xFFFFE003, lr  }
0x1b: {  	s9 =	sadd.s32 $0xFFFFFEF7, lr;
	s5 =	simm.s32 $0xFFFFFFFF;
	p2 =	slt.u32 s8, $0xFFFFF086  }
0x1c: {  	p1 =	slt.u32 s9, $0xF7A;
	s5 =	simm.s32 @!p2 $0x0  }
0x1d: {  	s5 =	simm.s32 @p1 $0x1;
	p0 =	seq.s32 s7, s2  }
0x1e: {  	s7 =	smul.u32 @!p0 $0xF7A, s2;
	p2 =	seq.s32 @!p0 s5, $0x0  }
0x1f: {  	s9 =	smul.u32 $0xF7A, s1;
	s8 =	simm.s32 @!p0 $0x1BF5;
	p2 =	por !p2, p0  }
0x20: {  	[sflag:s8] =	ssyncset.s32 @!p0 $0xFFFFF086;
	s6 =	sadd.s32 @!p0 s3, s7;
	s7 =	simm.s32 @!p0 $0x108  }
0x21: {  	s3 =	sadd.s32 s3, s9;
	s6 =	sadd.s32 @!p0 $0x88, s6;
	s7 =	simm.s32 @p2 $0x1082  }
0x22: {  	[simem:s7], [sflag:s8] =	dma.local @!p0 [hbm:s6], $0xF7A  }
0x23: {  	s9 =	sor.u32 $0xD0000000, s2;
	s6 =	simm.s32 $0x108;
	_ =	swait.ge @!p0 [sflag:s8], $0x0  }
0x24: {  	s3 =	sadd.s32 $0x88, s3;
	s6 =	simm.s32 @!p1 $0x1082;
	[sflag:s4] =	ssyncset.s32 $0xFFFFF086  }
0x25: {  	[simem:s6], [sflag:s4] =	dma.local [hbm:s3], $0xF7A  }
0x26: {  	[smem:$0x3F9B] =	sst s1;
	(tag) =	ssettag s2;
	_ =	strace s9  }
0x27: {  	s1 =	sld [smem:$0x3FAB]  }
0x28: {  	s2 =	sld [smem:$0x3FAC]  }
0x29: {  	s4 =	sld [smem:$0x3FAE]  }
0x2a: {  	p0 =	seq.s32 s5, $0x0;
	s5 =	sld [smem:$0x3FAF]  }
0x2b: {  	s6 =	sld [smem:$0x3FB0]  }
0x2c: {  	s7 =	sld [smem:$0x3FB1]  }
0x2d: {  	s3 =	simm.s32 $0x108;
	s8 =	sld [smem:$0x3FB2]  }
0x2e: {  	s3 =	simm.s32 @!p0 $0x1082;
	s9 =	sld [smem:$0x3FB3]  }
0x2f: {  	lr =	sadd.s32 s0, s3;
	s0 =	sld [smem:$0x3FAA]  }
0x30: {  	s3 =	sld [smem:$0x3FAD]  }
0x31: {  	[smem:$0x3FB6] =	sst s10  }
0x32: {  	s10 =	sld [smem:$0x3FB4];
	_ =	sdelay $0x3  }
0x33: {  	p0 =	seq.s32 s10, $0x1;
	s10 =	sld [smem:$0x3FB6];
	_ =	sdelay $0x3  }
0x34: {  	[smem:$0x3FB6] =	sst s10  }
0x35: {  	s10 =	sld [smem:$0x3FB5];
	_ =	sdelay $0x3  }
0x36: {  	p1 =	seq.s32 s10, $0x1;
	s10 =	sld [smem:$0x3FB6];
	_ =	sdelay $0x3  }
0x37: {  	[smem:$0x3FB6] =	sst s10  }
0x38: {  	s10 =	sld [smem:$0x3FB7]  }
0x39: {  	_ = 	snop;
	(pc) =	sbr.ind lr, $3  }
0x3a: {  	_ = 	snop  }
0x3b: {  	_ = 	snop  }
0x3c: {  	p2 =	seq.s32 s10, $0x1;
	s10 =	sld [smem:$0x3FB6]  }
0x3d: {  	_ =	shalt  }
0x3e: {  	_ =	shalt  }
0x3f: {  	_ =	shalt  }
0x40: {  	_ =	shalt  }
0x41: {  	_ =	shalt  }
0x42: {  	_ =	shalt  }
0x43: {  	_ =	shalt  }
0x44: {  	_ =	shalt  }
0x45: {  	_ =	shalt  }
0x46: {  	_ =	shalt  }
0x47: {  	_ =	shalt  }
0x48: {  	_ =	shalt  }
0x49: {  	_ =	shalt  }
0x4a: {  	_ =	shalt  }
0x4b: {  	_ =	shalt  }
0x4c: {  	_ =	shalt  }
0x4d: {  	_ =	shalt  }
0x4e: {  	_ =	shalt  }
0x4f: {  	_ =	shalt  }
0x50: {  	_ =	shalt  }
0x51: {  	_ =	shalt  }
0x52: {  	_ =	shalt  }
0x53: {  	_ =	shalt  }
0x54: {  	_ =	shalt  }
0x55: {  	_ =	shalt  }
0x56: {  	_ =	shalt  }
0x57: {  	_ =	shalt  }
0x58: {  	_ =	shalt  }
0x59: {  	_ =	shalt  }
0x5a: {  	_ =	shalt  }
0x5b: {  	_ =	shalt  }
0x5c: {  	_ =	shalt  }
0x5d: {  	_ =	shalt  }
0x5e: {  	_ =	shalt  }
0x5f: {  	_ =	shalt  }
0x60: {  	_ =	shalt  }
0x61: {  	_ =	shalt  }
0x62: {  	_ =	shalt  }
0x63: {  	_ =	shalt  }
0x64: {  	_ =	shalt  }
0x65: {  	_ =	shalt  }
0x66: {  	_ =	shalt  }
0x67: {  	_ =	shalt  }
0x68: {  	_ =	shalt  }
0x69: {  	_ =	shalt  }
0x6a: {  	_ =	shalt  }
0x6b: {  	_ =	shalt  }
0x6c: {  	_ =	shalt  }
0x6d: {  	_ =	shalt  }
0x6e: {  	_ =	shalt  }
0x6f: {  	_ =	shalt  }
0x70: {  	_ =	shalt  }
0x71: {  	_ =	shalt  }
0x72: {  	_ =	shalt  }
0x73: {  	_ =	shalt  }
0x74: {  	_ =	shalt  }
0x75: {  	_ =	shalt  }
0x76: {  	_ =	shalt  }
0x77: {  	_ =	shalt  }
0x78: {  	_ =	shalt  }
0x79: {  	_ =	shalt  }
0x7a: {  	_ =	shalt  }
0x7b: {  	_ =	shalt  }
0x7c: {  	_ =	shalt  }
0x7d: {  	_ =	shalt  }
0x7e: {  	_ =	shalt  }
0x7f: {  	_ =	shalt  }
0x80: {  	_ =	shalt  }
0x81: {  	_ =	shalt  }
0x82: {  	_ =	shalt  }
0x83: {  	_ =	shalt  }
0x84: {  	_ =	shalt  }
0x85: {  	_ =	shalt  }
0x86: {  	_ =	shalt  }
0x87: {  	_ =	shalt  }
.Lfunc_end0:
.L_simem_size_0:
called_computation.1_lowered:
.L_overlay_start_0:
0x88: {  	s2 =	sld [smem:$0x3FD9]  }
0x89: {  	s3 =	sld [smem:$0x3FFE];
	_ =	sdelay $0x1  }
0x8a: {  	s1 =	srdreg.scid  }
0x8b: {  	s0 =	sand.u32 $0x1, s1  }
0x8c: {  	s17 =	sshll.u32 s0, $0xA;
	s2 =	sadd.s32 s3, s2  }
0x8d: {  	s2 =	sadd.s32 s2, s17  }
0x8e: {  	[smem:$0x3FC2] =	sst s2  }
0x8f: {  	_ = 	snop  }
0x90: {  	s18 =	sld [smem:$0x3FD0];
	(tm) =	ssettm $0x1  }
0x91: {  	s19 =	sld [smem:$0x3FFB];
	_ =	sdelay $0x3  }
0x92: {  	_ =	strace s19  }
0x93: {  	s2 =	sld [smem:$0x3FFC];
	_ =	sdelay $0x3  }
0x94: {  	_ =	strace s2  }
0x95: {  	s2 =	sld [smem:$0x3FFD];
	_ =	sdelay $0x3  }
0x96: {  	_ =	strace s2  }
0x97: {  	_ =	strace $0x8FFFFFFF  }
0x98: {  	s20 =	sld [smem:$0x3FDB];
	_ =	sdelay $0x1  }
0x99: {  	s4 =	simm.s32 $_scs_section_size  }
0x9a: {  	s5 =	simm.s32 $_size__tile_overlayer_lowered;
	s6 =	simm.s32 $_tile_overlayer_lowered  }
0x9b: {  	s7 =	simm.s32 $0x1BFF;
	s21 =	sshll.u32 s6, $0x1;
	s4 =	sadd.s32 s4, s20  }
0x9c: {  	s22 =	simm.s32 $0x0;
	s5 =	sshll.u32 s5, $0x1;
	s6 =	sadd.s32 s21, s4  }
0x9d: {  	[timem:s22], [sflag:s7] =	dma.local [hbm:s6], s5  }
0x9e: {  	_ =	swait.ge [sflag:s7], s5  }
0x9f: {  	s5 =	ssub.s32 $0x0, s5;
	[sflag:s7] =	ssyncset.done $0x0  }
0xa0: {  	[sflag:s7] =	ssyncadd.s32 s5;
	_ =	sdelay $0x1  }
0xa1: {  	s23 =	simm.s32 $0x1B8B  }
0xa2: {  	_ =	swait.ge [sflag:s23], $0x1  }
0xa3: {  	[sflag:s23] =	ssyncset.done $0x0  }
0xa4: {  	[sflag:s23] =	ssyncadd.s32 $0xFFFFFFFF  }
0xa5: {  	s5 =	sld [smem:$0x0]  }
0xa6: {  	s6 =	sand.u32 $0xFFFFFFFE, s1  }
0xa7: {  	p0 =	sne.s32 s1, s6  }
0xa8: {  	s6 =	sshll.u32 @p0 s6, $0xE  }
0xa9: {  	s6 =	sadd.s32 @p0 $0x11B8D, s6;
	s7 =	sshll.u32 @p0 s5, $0x11  }
0xaa: {  	s6 =	sor.u32 @p0 s7, s6  }
0xab: {  	[sflag:s6] =	ssyncadd.remote.s32 @p0 $0x1;
	_ =	sdelay $0x1  }
0xac: {  	s6 =	simm.s32 @p0 $0x1B8D  }
0xad: {  	_ =	swait.eq @p0 [sflag:s6], $0x1  }
0xae: {  	[sflag:s6] =	ssyncadd.s32 @p0 $0xFFFFFFFF  }
0xaf: {  	s7 =	sshll.u32 @!p0 s1, $0xE  }
0xb0: {  	s7 =	sor.u32 @!p0 $0x4000, s7;
	s6 =	simm.s32 @!p0 $0x1B8D  }
0xb1: {  	s5 =	sshll.u32 @!p0 s5, $0x11;
	s7 =	sadd.s32 @!p0 $0x11B8D, s7;
	_ =	swait.eq @!p0 [sflag:s6], $0x1  }
0xb2: {  	s5 =	sor.u32 @!p0 s5, s7;
	[sflag:s6] =	ssyncadd.s32 @!p0 $0xFFFFFFFF  }
0xb3: {  	s25 =	simm.s32 $0x1B8E;
	s24 =	sld [smem:$0x3FFE];
	[sflag:s5] =	ssyncadd.remote.s32 @!p0 $0x1  }
0xb4: {  	s26 =	simm.s32 $execute0_lowered;
	[smem:$0x3FD2] =	sst s25  }
0xb5: {  	s6 =	sshll.u32 s26, $0x1;
	_ =	strace $0x8000004F;
	[dreg:$0x1] =	wrdreg $0xFFFFFFFF  }
0xb6: {  	s28 =	simm.s32 $_size_execute0_lowered;
	s4 =	sadd.s32 s4, s6;
	[dreg:$0x0] =	wrdreg $0x0  }
0xb7: {  	s6 =	sshll.u32 s28, $0x1;
	[dreg:$0x2] =	wrdreg s4  }
0xb8: {  	[dreg:$0x3] =	wrdreg s6  }
0xb9: {  	[dreg:$0x4] =	wrdreg $0xC0  }
0xba: {  	_ =	task [dreg:s22], $0x5FFFF  }
0xbb: {  	[dreg:$0x1] =	wrdreg $0xFFFFFFFF  }
0xbc: {  	[dreg:$0x0] =	wrdreg $0x60  }
0xbd: {  	[dreg:$0x2] =	wrdreg s24  }
0xbe: {  	[dreg:$0x3] =	wrdreg s18  }
0xbf: {  	[dreg:$0x4] =	wrdreg $0x150000  }
0xc0: {  	[dreg:$0x5] =	wrdreg $0xA  }
0xc1: {  	_ =	task.clear_ibuf [dreg:s22], $0x6FFFF;
	_ =	strace $0x9000004F  }
0xc2: {  	s29 =	simm.s32 $0xA;
	_ =	strace $0x80000051  }
0xc3: {  	_ =	swait.ge [sflag:s29], $0x1  }
0xc4: {  	[sflag:s29] =	ssyncadd.s32 $0xFFFFFFFF  }
0xc5: {  	_ =	strace $0x90000051  }
0xc6: {  	_ =	sfence  }
0xc7: {  	s30 =	sld [smem:$0x0];
	_ =	sdelay $0x2  }
0xc8: {  	s31 =	sshll.u32 s1, $0xD;
	s1 =	sshrl.u32 s1, $0x2  }
0xc9: {  	s4 =	sand.u32 $0x4000, s31;
	s1 =	sadd.s32 s1, s30  }
0xca: {  	s0 =	sor.u32 s4, s0;
	s1 =	sshll.u32 s1, $0x11  }
0xcb: {  	s0 =	sor.u32 s1, s0  }
0xcc: {  	s0 =	sadd.s32 $0x8F2B, s0  }
0xcd: {  	[sflag:s0] =	ssyncadd.remote.s32 $0x1  }
0xce: {  	_ =	sfence.sel $0xFFFF  }
0xcf: {  	[dreg:$0x0] =	wrdreg $0xFFFFFFFF;
	(pc) =	sbr.abs _section_cstart, $3  }
0xd0: {  	[dreg:$0x1] =	wrdreg $0xFFFFFFFF  }
0xd1: {  	_ =	task.clear_ibuf [dreg:s22], $0x2FFFF;
	_ =	strace $0x9FFFFFFF  }
0xd2: {  	(tm) =	ssettm $0x7FFFFFFF  }
0xd3: {  	_ =	shalt  }
tec
execute0_lowered:
.L_overlay_start_1:
0x0: {  	(tag) =	ssettag $0x1  }
0x1: {  	s5 =	rddreg [dreg:$0x0]  }
0x2: {  	s10 =	rddreg [dreg:$0x1];
	s1 =	srdreg.scid  }
0x3: {  	s0 =	stileid.u32;
	s2 =	rddreg [dreg:$0x2]  }
0x4: {  	s3 =	simm.s32 $0x0;
	s14 =	simm.s32 $0x80;
	s15 =	simm.s32 $0x9000  }
0x5: {  	s16 =	simm.s32 $0xD000;
	s17 =	simm.s32 $0x11000;
	s18 =	simm.s32 $0x1  }
0x6: {  	s19 =	simm.s32 $0x2;
	s20 =	simm.s32 $0x0;
	s8 =	sand.u32 $0x1, s1  }
0x7: {  	s4 =	sshll.u32 s0, $0x1;
	s1 =	rddreg [dreg:$0x3];
	s7 =	smul.u32 $0x28000, s0  }
0x8: {  	[smem:$0x7FF] =	sst s3;
	s11 =	sadd.s32 $0x7C200, s5;
	s13 =	smul.u32 $0x1400, s0  }
0x9: {  	s4 =	sor.u32 s8, s4;
	_ =	strace $0x80000050;
	s30 =	ssub.s32 $0x2, s8  }
0xa: {  	p0 =	seq.s32 s8, $0x1;
	s6 =	smul.u32 $0x500, s4;
	s4 =	sadd.s32 $0x22000, s5  }
0xb: {  	s31 =	sshrl.u32 s30, $0x1;
	s7 =	sshrl.u32 s7, $0x2;
	s10 =	smov.u32 @p0 s11  }
0xc: {  	p0 =	sne.s32 s0, $0xF;
	s11 =	simm.s32 $0x5000;
	s12 =	ssub.s32 s30, s31  }
0xd: {  	s10 =	sadd.s32 s10, s13;
	s13 =	simm.s32 $0x2800;
	s9 =	sadd.s32 s6, s5  }
0xe: {  	s5 =	sadd.s32 s7, s2;
	s6 =	sadd.s32 $0xA0000, s2;
	s7 =	sadd.s32 $0x18000, s9  }
0xf: {  	v0 =	vimm.f32 $0.0e+00;
	s8 =	sadd.s32 $0x4000, s9;
	s9 =	smax.u32 s12, $0x1;
	s12 =	simm.s32 $0x3  }
.LBB2_1:
0x10: {  	s21 =	simm.s32 $0x0;
	s22 =	simm.s32 $0x200  }
.LBB2_2:
0x11: {  	p1 =	sne.s32 s22, $0x3FE00;
	[tilespmem:s21+$0x5070] =	vst v0  }
0x12: {  	[tilespmem:s21+$0x5000] =	vst v0  }
0x13: {  	[tilespmem:s21+$0x5010] =	vst v0  }
.Ltmp0:
0x14: {  	[tilespmem:s21+$0x5020] =	vst v0;
	(pc) =	sbr.rel @p1 .LBB2_2-.Ltmp0, $4  }
0x15: {  	[tilespmem:s21+$0x5030] =	vst v0  }
0x16: {  	[tilespmem:s21+$0x5040] =	vst v0  }
0x17: {  	[tilespmem:s21+$0x5050] =	vst v0  }
0x18: {  	[tilespmem:s21+$0x5060] =	vst v0;
	s21 =	sshra.s32 s22, $0x2;
	s22 =	sadd.s32 $0x200, s22  }
0x19: {  	[tilespmem:s21+$0x5070] =	vst v0  }
0x1a: {  	[tilespmem:s21+$0x5000] =	vst v0  }
0x1b: {  	[tilespmem:s21+$0x5010] =	vst v0  }
0x1c: {  	[tilespmem:s21+$0x5020] =	vst v0  }
0x1d: {  	[tilespmem:s21+$0x5030] =	vst v0  }
0x1e: {  	[tilespmem:s21+$0x5040] =	vst v0  }
0x1f: {  	[tilespmem:s21+$0x5050] =	vst v0  }
0x20: {  	[tilespmem:s21+$0x5060] =	vst v0  }
0x21: {  	[spmem:s5] =	stream.linear.scatter [tilespmem:s11], [sflag:$0x3], $0xA000, $0x38;
	[tilespmem:$0x1F400] =	vst v63  }
0x22: {  	_ =	swait.ge [sflag:s12], $0xA000  }
0x23: {  	[sflag:s12] =	ssyncset.done $0x0  }
0x24: {  	s21 =	simm.s32 @!p0 $0x5000;
	[sflag:s12] =	ssyncadd.s32 $0xFFFF6000  }
0x25: {  	[spmem:s6] =	stream.linear.scatter @!p0 [tilespmem:s21], [sflag:$0x3], $0x4000, $0x38;
	[tilespmem:$0x1F400] =	vst v63  }
0x26: {  	s21 =	simm.s32 @!p0 $0x3  }
0x27: {  	_ =	swait.ge @!p0 [sflag:s21], $0x4000  }
0x28: {  	[sflag:s21] =	ssyncset.done @!p0 $0x0  }
0x29: {  	[sflag:s21] =	ssyncadd.s32 @!p0 $0xFFFFC000  }
0x2a: {  	s22 =	simm.s32 $0x0;
	[bflag:$0x0] =	sbarrier.arrive $0xFFFF  }
0x2b: {  	[tilespmem:s22], [sflag:$0x3] =	stream.linear.gather [hbm4b:s7+s22], $0x2800, $0x38;
	[tilespmem:$0x1F400] =	vst v63  }
0x2c: {  	_ =	swait.ge [sflag:s12], $0x2800  }
0x2d: {  	[sflag:s12] =	ssyncset.done $0x0  }
0x2e: {  	[sflag:s12] =	ssyncadd.s32 $0xFFFFD800  }
0x2f: {  	[tilespmem:s13], [sflag:$0x3] =	stream.linear.gather [hbm4b:s8+s22], $0x2800, $0x38;
	[tilespmem:$0x1F400] =	vst v63  }
0x30: {  	_ =	swait.ge [sflag:s12], $0x2800  }
0x31: {  	[sflag:s12] =	ssyncset.done $0x0  }
0x32: {  	s23 =	simm.s32 $0x0;
	[sflag:s12] =	ssyncadd.s32 $0xFFFFD800  }
0x33: {  	[tilespmem:s11], [sflag:$0x1] =	stream.indirect.gather [hbm4b:s4+s14], $0x80, s23, s14, $0xb8;
	[tilespmem:$0x1F400] =	vst v63  }
0x34: {  	s24 =	simm.s32 $0x80  }
0x35: {  	[tilespmem:s15], [sflag:$0x1] =	stream.indirect.gather [hbm4b:s4+s14], $0x80, s24, s14, $0xb8;
	[tilespmem:$0x1F400] =	vst v63  }
0x36: {  	s25 =	simm.s32 $0x100  }
0x37: {  	[tilespmem:s16], [sflag:$0x1] =	stream.indirect.gather [hbm4b:s4+s14], $0x80, s25, s14, $0xb8;
	[tilespmem:$0x1F400] =	vst v63  }
0x38: {  	s26 =	simm.s32 $0x180  }
0x39: {  	[tilespmem:s17], [sflag:$0x1] =	stream.indirect.gather [hbm4b:s4+s14], $0x80, s26, s14, $0xb8;
	[tilespmem:$0x1F400] =	vst v63  }
0x3a: {  	_ =	swait.ge [sflag:s18], $0x4000  }
0x3b: {  	[sflag:s18] =	ssyncset.done $0x0  }
0x3c: {  	s28 =	simm.s32 $0x2800;
	[sflag:s18] =	ssyncadd.s32 $0xFFFFC000  }
0x3d: {  	[spmem:s2] =	stream.indirect.scatter.add.f32 [tilespmem:s11], [sflag:$0x2], $0x80, s28, s14, $0xb8;
	[tilespmem:$0x1F400] =	vst v63  }
0x3e: {  	_ =	swait.ge [sflag:s18], $0x4000  }
0x3f: {  	[sflag:s18] =	ssyncset.done $0x0  }
0x40: {  	s29 =	simm.s32 $0x2880;
	[sflag:s18] =	ssyncadd.s32 $0xFFFFC000  }
0x41: {  	[spmem:s2] =	stream.indirect.scatter.add.f32 [tilespmem:s15], [sflag:$0x2], $0x80, s29, s14, $0xb8;
	[tilespmem:$0x1F400] =	vst v63  }
0x42: {  	_ =	swait.ge [sflag:s18], $0x4000  }
0x43: {  	[sflag:s18] =	ssyncset.done $0x0  }
0x44: {  	s30 =	simm.s32 $0x2900;
	[sflag:s18] =	ssyncadd.s32 $0xFFFFC000  }
0x45: {  	[spmem:s2] =	stream.indirect.scatter.add.f32 [tilespmem:s16], [sflag:$0x2], $0x80, s30, s14, $0xb8;
	[tilespmem:$0x1F400] =	vst v63  }
0x46: {  	_ =	swait.ge [sflag:s18], $0x4000  }
0x47: {  	[sflag:s18] =	ssyncset.done $0x0  }
0x48: {  	s31 =	simm.s32 $0x2980;
	[sflag:s18] =	ssyncadd.s32 $0xFFFFC000  }
0x49: {  	[spmem:s2] =	stream.indirect.scatter.add.f32 [tilespmem:s17], [sflag:$0x2], $0x80, s31, s14, $0xb8;
	[tilespmem:$0x1F400] =	vst v63  }
0x4a: {  	_ =	swait.ge [sflag:s19], $0x4000  }
0x4b: {  	[sflag:s19] =	ssyncset.done $0x0  }
0x4c: {  	[sflag:s19] =	ssyncadd.s32 $0xFFFFC000  }
0x4d: {  	_ =	swait.ge [sflag:s19], $0x4000  }
0x4e: {  	[sflag:s19] =	ssyncset.done $0x0  }
0x4f: {  	[sflag:s19] =	ssyncadd.s32 $0xFFFFC000  }
0x50: {  	_ =	swait.ge [sflag:s19], $0x4000  }
0x51: {  	[sflag:s19] =	ssyncset.done $0x0  }
0x52: {  	[sflag:s19] =	ssyncadd.s32 $0xFFFFC000  }
0x53: {  	_ =	swait.ge [sflag:s19], $0x4000  }
0x54: {  	s21 =	simm.s32 $0x800;
	s23 =	simm.s32 $0x1000;
	[sflag:s19] =	ssyncset.done $0x0  }
.LBB2_4:
0x55: {  	s24 =	sshra.s32 s21, $0x2  }
0x56: {  	[sflag:s19] =	ssyncadd.s32 $0xFFFFC000;
	s21 =	smov.u32 s23;
	s22 =	sadd.s32 $0x800, s23  }
0x57: {  	[tilespmem:s11], [sflag:$0x1] =	stream.indirect.gather [hbm4b:s4+s14], $0x80, s24, s14, $0xb8;
	[tilespmem:$0x1F400] =	vst v63  }
0x58: {  	p1 =	sne.s32 s23, $0x9800;
	s23 =	sadd.s32 $0x80, s24  }
0x59: {  	[tilespmem:s15], [sflag:$0x1] =	stream.indirect.gather [hbm4b:s4+s14], $0x80, s23, s14, $0xb8;
	[tilespmem:$0x1F400] =	vst v63  }
0x5a: {  	s23 =	sadd.s32 $0x100, s24  }
0x5b: {  	[tilespmem:s16], [sflag:$0x1] =	stream.indirect.gather [hbm4b:s4+s14], $0x80, s23, s14, $0xb8;
	[tilespmem:$0x1F400] =	vst v63  }
0x5c: {  	s23 =	sadd.s32 $0x180, s24  }
0x5d: {  	[tilespmem:s17], [sflag:$0x1] =	stream.indirect.gather [hbm4b:s4+s14], $0x80, s23, s14, $0xb8;
	[tilespmem:$0x1F400] =	vst v63  }
0x5e: {  	_ =	swait.ge [sflag:s18], $0x4000  }
0x5f: {  	[sflag:s18] =	ssyncset.done $0x0  }
0x60: {  	s23 =	sadd.s32 $0x2800, s24;
	[sflag:s18] =	ssyncadd.s32 $0xFFFFC000  }
0x61: {  	[spmem:s2] =	stream.indirect.scatter.add.f32 [tilespmem:s11], [sflag:$0x2], $0x80, s23, s14, $0xb8;
	[tilespmem:$0x1F400] =	vst v63  }
0x62: {  	_ =	swait.ge [sflag:s18], $0x4000  }
0x63: {  	[sflag:s18] =	ssyncset.done $0x0  }
0x64: {  	s23 =	sadd.s32 $0x2880, s24;
	[sflag:s18] =	ssyncadd.s32 $0xFFFFC000  }
0x65: {  	[spmem:s2] =	stream.indirect.scatter.add.f32 [tilespmem:s15], [sflag:$0x2], $0x80, s23, s14, $0xb8;
	[tilespmem:$0x1F400] =	vst v63  }
0x66: {  	_ =	swait.ge [sflag:s18], $0x4000  }
0x67: {  	[sflag:s18] =	ssyncset.done $0x0  }
0x68: {  	s23 =	sadd.s32 $0x2900, s24;
	[sflag:s18] =	ssyncadd.s32 $0xFFFFC000  }
0x69: {  	[spmem:s2] =	stream.indirect.scatter.add.f32 [tilespmem:s16], [sflag:$0x2], $0x80, s23, s14, $0xb8;
	[tilespmem:$0x1F400] =	vst v63  }
0x6a: {  	_ =	swait.ge [sflag:s18], $0x4000  }
0x6b: {  	[sflag:s18] =	ssyncset.done $0x0  }
0x6c: {  	s23 =	sadd.s32 $0x2980, s24;
	[sflag:s18] =	ssyncadd.s32 $0xFFFFC000  }
0x6d: {  	[spmem:s2] =	stream.indirect.scatter.add.f32 [tilespmem:s17], [sflag:$0x2], $0x80, s23, s14, $0xb8;
	[tilespmem:$0x1F400] =	vst v63  }
0x6e: {  	_ =	swait.ge [sflag:s19], $0x4000  }
0x6f: {  	[sflag:s19] =	ssyncset.done $0x0  }
0x70: {  	[sflag:s19] =	ssyncadd.s32 $0xFFFFC000  }
0x71: {  	_ =	swait.ge [sflag:s19], $0x4000  }
0x72: {  	[sflag:s19] =	ssyncset.done $0x0  }
0x73: {  	[sflag:s19] =	ssyncadd.s32 $0xFFFFC000  }
.Ltmp1:
0x74: {  	_ =	swait.ge [sflag:s19], $0x4000;
	(pc) =	sbr.rel @p1 .LBB2_4-.Ltmp1, $4  }
0x75: {  	[sflag:s19] =	ssyncset.done $0x0  }
0x76: {  	[sflag:s19] =	ssyncadd.s32 $0xFFFFC000  }
0x77: {  	_ =	swait.ge [sflag:s19], $0x4000  }
0x78: {  	s23 =	smov.u32 s22;
	[sflag:s19] =	ssyncset.done $0x0  }
0x79: {  	s21 =	sshra.s32 s21, $0x2;
	[sflag:s19] =	ssyncadd.s32 $0xFFFFC000  }
0x7a: {  	[tilespmem:s11], [sflag:$0x1] =	stream.indirect.gather [hbm4b:s4+s14], $0x80, s21, s14, $0xb8;
	[tilespmem:$0x1F400] =	vst v63  }
0x7b: {  	s22 =	sadd.s32 $0x80, s21  }
0x7c: {  	[tilespmem:s15], [sflag:$0x1] =	stream.indirect.gather [hbm4b:s4+s14], $0x80, s22, s14, $0xb8;
	[tilespmem:$0x1F400] =	vst v63  }
0x7d: {  	s26 =	sadd.s32 $0x100, s21  }
0x7e: {  	[tilespmem:s16], [sflag:$0x1] =	stream.indirect.gather [hbm4b:s4+s14], $0x80, s26, s14, $0xb8;
	[tilespmem:$0x1F400] =	vst v63  }
0x7f: {  	s28 =	sadd.s32 $0x180, s21  }
0x80: {  	[tilespmem:s17], [sflag:$0x1] =	stream.indirect.gather [hbm4b:s4+s14], $0x80, s28, s14, $0xb8;
	[tilespmem:$0x1F400] =	vst v63  }
0x81: {  	_ =	swait.ge [sflag:s18], $0x4000  }
0x82: {  	[sflag:s18] =	ssyncset.done $0x0  }
0x83: {  	s29 =	sadd.s32 $0x2800, s21;
	[sflag:s18] =	ssyncadd.s32 $0xFFFFC000  }
0x84: {  	[spmem:s2] =	stream.indirect.scatter.add.f32 [tilespmem:s11], [sflag:$0x2], $0x80, s29, s14, $0xb8;
	[tilespmem:$0x1F400] =	vst v63  }
0x85: {  	_ =	swait.ge [sflag:s18], $0x4000  }
0x86: {  	[sflag:s18] =	ssyncset.done $0x0  }
0x87: {  	s30 =	sadd.s32 $0x2880, s21;
	[sflag:s18] =	ssyncadd.s32 $0xFFFFC000  }
0x88: {  	[spmem:s2] =	stream.indirect.scatter.add.f32 [tilespmem:s15], [sflag:$0x2], $0x80, s30, s14, $0xb8;
	[tilespmem:$0x1F400] =	vst v63  }
0x89: {  	_ =	swait.ge [sflag:s18], $0x4000  }
0x8a: {  	[sflag:s18] =	ssyncset.done $0x0  }
0x8b: {  	s31 =	sadd.s32 $0x2900, s21;
	[sflag:s18] =	ssyncadd.s32 $0xFFFFC000  }
0x8c: {  	[spmem:s2] =	stream.indirect.scatter.add.f32 [tilespmem:s16], [sflag:$0x2], $0x80, s31, s14, $0xb8;
	[tilespmem:$0x1F400] =	vst v63  }
0x8d: {  	_ =	swait.ge [sflag:s18], $0x4000  }
0x8e: {  	[sflag:s18] =	ssyncset.done $0x0  }
0x8f: {  	s21 =	sadd.s32 $0x2980, s21;
	[sflag:s18] =	ssyncadd.s32 $0xFFFFC000  }
0x90: {  	[spmem:s2] =	stream.indirect.scatter.add.f32 [tilespmem:s17], [sflag:$0x2], $0x80, s21, s14, $0xb8;
	[tilespmem:$0x1F400] =	vst v63  }
0x91: {  	_ =	swait.ge [sflag:s19], $0x4000  }
0x92: {  	[sflag:s19] =	ssyncset.done $0x0  }
0x93: {  	[sflag:s19] =	ssyncadd.s32 $0xFFFFC000  }
0x94: {  	_ =	swait.ge [sflag:s19], $0x4000  }
0x95: {  	[sflag:s19] =	ssyncset.done $0x0  }
0x96: {  	[sflag:s19] =	ssyncadd.s32 $0xFFFFC000  }
0x97: {  	_ =	swait.ge [sflag:s19], $0x4000  }
0x98: {  	[sflag:s19] =	ssyncset.done $0x0  }
0x99: {  	[sflag:s19] =	ssyncadd.s32 $0xFFFFC000  }
0x9a: {  	_ =	swait.ge [sflag:s19], $0x4000  }
0x9b: {  	[sflag:s19] =	ssyncset.done $0x0  }
0x9c: {  	[sflag:s19] =	ssyncadd.s32 $0xFFFFC000  }
0x9d: {  	[bflag:$0x0] =	sbarrier.arrive $0xFFFF  }
0x9e: {  	[tilespmem:s11], [sflag:$0x3] =	stream.linear.gather [spmem:s5], $0xA000, $0x38;
	[tilespmem:$0x1F400] =	vst v63  }
0x9f: {  	s20 =	sadd.s32 $0x1, s20;
	_ =	swait.ge [sflag:s12], $0xA000  }
0xa0: {  	p1 =	sne.s32 s20, s9;
	[sflag:s12] =	ssyncset.done $0x0  }
.Ltmp2:
0xa1: {  	[sflag:s12] =	ssyncadd.s32 $0xFFFF6000;
	(pc) =	sbr.rel @p1 .LBB2_1-.Ltmp2, $4  }
0xa2: {  	[hbm4b:s10+s3] =	stream.linear.scatter [tilespmem:s11], [sflag:$0x3], $0xA000, $0x38;
	[tilespmem:$0x1F400] =	vst v63  }
0xa3: {  	_ =	swait.ge [sflag:s12], $0xA000  }
0xa4: {  	[sflag:s12] =	ssyncset.done $0x0  }
0xa5: {  	[sflag:s12] =	ssyncadd.s32 $0xFFFF6000  }
0xa6: {  	_ =	sfence.sel $0x180000  }
0xa7: {  	[bflag:$0x0] =	sbarrier.arrive $0xFFFF  }
0xa8: {  	p0 =	sne.s32 s0, $0x0;
	_ =	strace $0x90000050  }
0xa9: {  	s0 =	sadd.s32 @!p0 $0x100000, s1;
	[bflag:$0x2] =	sbarrier.arrive $0xFFFF  }
0xaa: {  	[sflag:s0] =	ssyncadd.tile.s32 @!p0 $0x1;
	_ =	shalt  }
.Lfunc_end2:
_tile_overlayer_lowered:
.L_overlay_start_2:
0xab: {  	(tag) =	ssettag $0x2  }
0xac: {  	s0 =	rddreg [dreg:$0x0];
	s2 =	stileid.u32  }
0xad: {  	s1 =	rddreg [dreg:$0x1];
	p0 =	sne.s32 s2, $0x0  }
0xae: {  	s3 =	rddreg [dreg:$0x2];
	[bflag:$0x3] =	sbarrier.arrive $0xFFFF;
	s2 =	simm.s32 @!p0 $0x1C03  }
0xaf: {  	[timem:s3], [sflag:s2] =	dma.local @!p0 [hbm:s0], s1  }
0xb0: {  	s0 =	simm.s32 @!p0 $0x3  }
0xb1: {  	_ =	swait.ge @!p0 [sflag:s0], s1  }
0xb2: {  	s1 =	ssub.s32 @!p0 $0x0, s1;
	[sflag:s0] =	ssyncset.done @!p0 $0x0  }
0xb3: {  	[sflag:s0] =	ssyncadd.s32 @!p0 s1  }
0xb4: {  	[bflag:$0x3] =	sbarrier.arrive $0xFFFF  }
0xb5: {  	_ =	shalt  }

// kernel: kernel.4.cloned.1.call-start
scs
__scs_entry_jumppad:
0x0: {  	(pc) =	sbr.rel $0x88, $3  }
0x1: {  	(tag) =	ssettag $0x0;
	lr =	simm.s32 $0x1  }
0x2: {  	[smem:$0x3F9B] =	sst lr;
	_ =	strace $0xD0000000  }
0x3: {  	_ = 	snop  }
0x4: {  	_ = 	snop  }
0x5: {  	_ = 	snop  }
0x6: {  	_ = 	snop  }
0x7: {  	_ = 	snop  }
__scs_overlays_trampoline_lowered:
0x8: {  	[smem:$0x3FAA] =	sst s0  }
0x9: {  	[smem:$0x3FAB] =	sst s1  }
0xa: {  	[smem:$0x3FAC] =	sst s2  }
0xb: {  	[smem:$0x3FAD] =	sst s3  }
0xc: {  	[smem:$0x3FAE] =	sst s4  }
0xd: {  	[smem:$0x3FAF] =	sst s5  }
0xe: {  	[smem:$0x3FB0] =	sst s6  }
0xf: {  	[smem:$0x3FB1] =	sst s7  }
0x10: {  	[smem:$0x3FB2] =	sst s8  }
0x11: {  	[smem:$0x3FB3] =	sst s9;
	s0 =	simm.s32 @!p0 $0x0  }
0x12: {  	s1 =	sld [smem:$0x3F99];
	s0 =	simm.s32 @p0 $0x1  }
0x13: {  	[smem:$0x3FB4] =	sst s0;
	s0 =	simm.s32 @!p1 $0x0  }
0x14: {  	s2 =	sld [smem:$0x3F98];
	s0 =	simm.s32 @p1 $0x1  }
0x15: {  	[smem:$0x3FB5] =	sst s0;
	s0 =	simm.s32 @!p2 $0x0  }
0x16: {  	s3 =	sld [smem:$0x3FDB];
	s0 =	simm.s32 @p2 $0x1  }
0x17: {  	s4 =	simm.s32 $0x1BF5;
	[smem:$0x3FB7] =	sst s0  }
0x18: {  	s0 =	sld [smem:$0x3F9A];
	_ =	swait.ge [sflag:s4], $0x0  }
0x19: {  	s7 =	sld [smem:$0x3F9B]  }
0x1a: {  	s8 =	sadd.s32 $0xFFFFE003, lr  }
0x1b: {  	s9 =	sadd.s32 $0xFFFFFEF7, lr;
	s5 =	simm.s32 $0xFFFFFFFF;
	p2 =	slt.u32 s8, $0xFFFFF086  }
0x1c: {  	p1 =	slt.u32 s9, $0xF7A;
	s5 =	simm.s32 @!p2 $0x0  }
0x1d: {  	s5 =	simm.s32 @p1 $0x1;
	p0 =	seq.s32 s7, s2  }
0x1e: {  	s7 =	smul.u32 @!p0 $0xF7A, s2;
	p2 =	seq.s32 @!p0 s5, $0x0  }
0x1f: {  	s9 =	smul.u32 $0xF7A, s1;
	s8 =	simm.s32 @!p0 $0x1BF5;
	p2 =	por !p2, p0  }
0x20: {  	[sflag:s8] =	ssyncset.s32 @!p0 $0xFFFFF086;
	s6 =	sadd.s32 @!p0 s3, s7;
	s7 =	simm.s32 @!p0 $0x108  }
0x21: {  	s3 =	sadd.s32 s3, s9;
	s6 =	sadd.s32 @!p0 $0x88, s6;
	s7 =	simm.s32 @p2 $0x1082  }
0x22: {  	[simem:s7], [sflag:s8] =	dma.local @!p0 [hbm:s6], $0xF7A  }
0x23: {  	s9 =	sor.u32 $0xD0000000, s2;
	s6 =	simm.s32 $0x108;
	_ =	swait.ge @!p0 [sflag:s8], $0x0  }
0x24: {  	s3 =	sadd.s32 $0x88, s3;
	s6 =	simm.s32 @!p1 $0x1082;
	[sflag:s4] =	ssyncset.s32 $0xFFFFF086  }
0x25: {  	[simem:s6], [sflag:s4] =	dma.local [hbm:s3], $0xF7A  }
0x26: {  	[smem:$0x3F9B] =	sst s1;
	(tag) =	ssettag s2;
	_ =	strace s9  }
0x27: {  	s1 =	sld [smem:$0x3FAB]  }
0x28: {  	s2 =	sld [smem:$0x3FAC]  }
0x29: {  	s4 =	sld [smem:$0x3FAE]  }
0x2a: {  	p0 =	seq.s32 s5, $0x0;
	s5 =	sld [smem:$0x3FAF]  }
0x2b: {  	s6 =	sld [smem:$0x3FB0]  }
0x2c: {  	s7 =	sld [smem:$0x3FB1]  }
0x2d: {  	s3 =	simm.s32 $0x108;
	s8 =	sld [smem:$0x3FB2]  }
0x2e: {  	s3 =	simm.s32 @!p0 $0x1082;
	s9 =	sld [smem:$0x3FB3]  }
0x2f: {  	lr =	sadd.s32 s0, s3;
	s0 =	sld [smem:$0x3FAA]  }
0x30: {  	s3 =	sld [smem:$0x3FAD]  }
0x31: {  	[smem:$0x3FB6] =	sst s10  }
0x32: {  	s10 =	sld [smem:$0x3FB4];
	_ =	sdelay $0x3  }
0x33: {  	p0 =	seq.s32 s10, $0x1;
	s10 =	sld [smem:$0x3FB6];
	_ =	sdelay $0x3  }
0x34: {  	[smem:$0x3FB6] =	sst s10  }
0x35: {  	s10 =	sld [smem:$0x3FB5];
	_ =	sdelay $0x3  }
0x36: {  	p1 =	seq.s32 s10, $0x1;
	s10 =	sld [smem:$0x3FB6];
	_ =	sdelay $0x3  }
0x37: {  	[smem:$0x3FB6] =	sst s10  }
0x38: {  	s10 =	sld [smem:$0x3FB7]  }
0x39: {  	_ = 	snop;
	(pc) =	sbr.ind lr, $3  }
0x3a: {  	_ = 	snop  }
0x3b: {  	_ = 	snop  }
0x3c: {  	p2 =	seq.s32 s10, $0x1;
	s10 =	sld [smem:$0x3FB6]  }
0x3d: {  	_ =	shalt  }
0x3e: {  	_ =	shalt  }
0x3f: {  	_ =	shalt  }
0x40: {  	_ =	shalt  }
0x41: {  	_ =	shalt  }
0x42: {  	_ =	shalt  }
0x43: {  	_ =	shalt  }
0x44: {  	_ =	shalt  }
0x45: {  	_ =	shalt  }
0x46: {  	_ =	shalt  }
0x47: {  	_ =	shalt  }
0x48: {  	_ =	shalt  }
0x49: {  	_ =	shalt  }
0x4a: {  	_ =	shalt  }
0x4b: {  	_ =	shalt  }
0x4c: {  	_ =	shalt  }
0x4d: {  	_ =	shalt  }
0x4e: {  	_ =	shalt  }
0x4f: {  	_ =	shalt  }
0x50: {  	_ =	shalt  }
0x51: {  	_ =	shalt  }
0x52: {  	_ =	shalt  }
0x53: {  	_ =	shalt  }
0x54: {  	_ =	shalt  }
0x55: {  	_ =	shalt  }
0x56: {  	_ =	shalt  }
0x57: {  	_ =	shalt  }
0x58: {  	_ =	shalt  }
0x59: {  	_ =	shalt  }
0x5a: {  	_ =	shalt  }
0x5b: {  	_ =	shalt  }
0x5c: {  	_ =	shalt  }
0x5d: {  	_ =	shalt  }
0x5e: {  	_ =	shalt  }
0x5f: {  	_ =	shalt  }
0x60: {  	_ =	shalt  }
0x61: {  	_ =	shalt  }
0x62: {  	_ =	shalt  }
0x63: {  	_ =	shalt  }
0x64: {  	_ =	shalt  }
0x65: {  	_ =	shalt  }
0x66: {  	_ =	shalt  }
0x67: {  	_ =	shalt  }
0x68: {  	_ =	shalt  }
0x69: {  	_ =	shalt  }
0x6a: {  	_ =	shalt  }
0x6b: {  	_ =	shalt  }
0x6c: {  	_ =	shalt  }
0x6d: {  	_ =	shalt  }
0x6e: {  	_ =	shalt  }
0x6f: {  	_ =	shalt  }
0x70: {  	_ =	shalt  }
0x71: {  	_ =	shalt  }
0x72: {  	_ =	shalt  }
0x73: {  	_ =	shalt  }
0x74: {  	_ =	shalt  }
0x75: {  	_ =	shalt  }
0x76: {  	_ =	shalt  }
0x77: {  	_ =	shalt  }
0x78: {  	_ =	shalt  }
0x79: {  	_ =	shalt  }
0x7a: {  	_ =	shalt  }
0x7b: {  	_ =	shalt  }
0x7c: {  	_ =	shalt  }
0x7d: {  	_ =	shalt  }
0x7e: {  	_ =	shalt  }
0x7f: {  	_ =	shalt  }
0x80: {  	_ =	shalt  }
0x81: {  	_ =	shalt  }
0x82: {  	_ =	shalt  }
0x83: {  	_ =	shalt  }
0x84: {  	_ =	shalt  }
0x85: {  	_ =	shalt  }
0x86: {  	_ =	shalt  }
0x87: {  	_ =	shalt  }
.Lfunc_end0:
.L_simem_size_0:
called_computation.2_lowered:
.L_overlay_start_0:
0x88: {  	s2 =	sld [smem:$0x3FD9]  }
0x89: {  	s3 =	sld [smem:$0x3FFE];
	_ =	sdelay $0x1  }
0x8a: {  	s1 =	srdreg.scid  }
0x8b: {  	s0 =	sand.u32 $0x1, s1  }
0x8c: {  	s16 =	sshll.u32 s0, $0xA;
	s2 =	sadd.s32 s3, s2  }
0x8d: {  	s2 =	sadd.s32 s2, s16  }
0x8e: {  	[smem:$0x3FC2] =	sst s2  }
0x8f: {  	_ = 	snop  }
0x90: {  	(tm) =	ssettm $0x1  }
0x91: {  	s17 =	sld [smem:$0x3FFB];
	_ =	sdelay $0x3  }
0x92: {  	_ =	strace s17  }
0x93: {  	s2 =	sld [smem:$0x3FFC];
	_ =	sdelay $0x3  }
0x94: {  	_ =	strace s2  }
0x95: {  	s2 =	sld [smem:$0x3FFD];
	_ =	sdelay $0x3  }
0x96: {  	_ =	strace s2  }
0x97: {  	_ =	strace $0x8FFFFFFF  }
0x98: {  	s18 =	sld [smem:$0x3FDB];
	_ =	sdelay $0x1  }
0x99: {  	s19 =	simm.s32 $_scs_section_size  }
0x9a: {  	s4 =	simm.s32 $_size__tile_overlayer_lowered;
	s5 =	simm.s32 $_tile_overlayer_lowered  }
0x9b: {  	s22 =	simm.s32 $0x1BFF;
	s21 =	sshll.u32 s5, $0x1;
	s2 =	sadd.s32 s19, s18  }
0x9c: {  	s6 =	simm.s32 $0x0;
	s20 =	sshll.u32 s4, $0x1;
	s4 =	sadd.s32 s21, s2  }
0x9d: {  	[timem:s6], [sflag:s22] =	dma.local [hbm:s4], s20  }
0x9e: {  	_ =	swait.ge [sflag:s22], s20  }
0x9f: {  	s3 =	ssub.s32 $0x0, s20;
	[sflag:s22] =	ssyncset.done $0x0  }
0xa0: {  	[sflag:s22] =	ssyncadd.s32 s3;
	_ =	sdelay $0x1  }
0xa1: {  	s23 =	simm.s32 $0x1B8B  }
0xa2: {  	_ =	swait.ge [sflag:s23], $0x1  }
0xa3: {  	[sflag:s23] =	ssyncset.done $0x0  }
0xa4: {  	s25 =	simm.s32 $0x1B8E;
	s24 =	sld [smem:$0x3FFE];
	[sflag:s23] =	ssyncadd.s32 $0xFFFFFFFF  }
0xa5: {  	s26 =	simm.s32 $execute0_lowered;
	[smem:$0x3FD2] =	sst s25  }
0xa6: {  	s4 =	sshll.u32 s26, $0x1;
	_ =	strace $0x80000046;
	[dreg:$0x1] =	wrdreg $0xFFFFFFFF  }
0xa7: {  	s28 =	simm.s32 $_size_execute0_lowered;
	s2 =	sadd.s32 s2, s4;
	[dreg:$0x0] =	wrdreg $0x0  }
0xa8: {  	s4 =	sshll.u32 s28, $0x1;
	[dreg:$0x2] =	wrdreg s2  }
0xa9: {  	[dreg:$0x3] =	wrdreg s4  }
0xaa: {  	[dreg:$0x4] =	wrdreg $0xC0  }
0xab: {  	_ =	task [dreg:s6], $0x5FFFF  }
0xac: {  	[dreg:$0x1] =	wrdreg $0xFFFFFFFF  }
0xad: {  	[dreg:$0x0] =	wrdreg $0x60  }
0xae: {  	[dreg:$0x2] =	wrdreg s24  }
0xaf: {  	[dreg:$0x3] =	wrdreg $0x108000  }
0xb0: {  	[dreg:$0x4] =	wrdreg $0x9  }
0xb1: {  	_ =	task.clear_ibuf [dreg:s6], $0x5FFFF;
	_ =	strace $0x90000046  }
0xb2: {  	s29 =	simm.s32 $0x9;
	_ =	strace $0x80000048  }
0xb3: {  	_ =	swait.ge [sflag:s29], $0x1  }
0xb4: {  	[sflag:s29] =	ssyncadd.s32 $0xFFFFFFFF  }
0xb5: {  	_ =	strace $0x90000048  }
0xb6: {  	_ =	sfence  }
0xb7: {  	s30 =	sld [smem:$0x0];
	_ =	sdelay $0x2  }
0xb8: {  	s31 =	sshll.u32 s1, $0xD;
	s1 =	sshrl.u32 s1, $0x2  }
0xb9: {  	s3 =	sand.u32 $0x4000, s31;
	s1 =	sadd.s32 s1, s30  }
0xba: {  	s0 =	sor.u32 s3, s0;
	s1 =	sshll.u32 s1, $0x11  }
0xbb: {  	s0 =	sor.u32 s1, s0  }
0xbc: {  	s0 =	sadd.s32 $0x8F2B, s0  }
0xbd: {  	[sflag:s0] =	ssyncadd.remote.s32 $0x1  }
0xbe: {  	_ =	sfence.sel $0xFFFF  }
0xbf: {  	[dreg:$0x0] =	wrdreg $0xFFFFFFFF;
	(pc) =	sbr.abs _section_cstart, $3  }
0xc0: {  	[dreg:$0x1] =	wrdreg $0xFFFFFFFF  }
0xc1: {  	_ =	task.clear_ibuf [dreg:s6], $0x2FFFF;
	_ =	strace $0x9FFFFFFF  }
0xc2: {  	(tm) =	ssettm $0x7FFFFFFF  }
0xc3: {  	_ =	shalt  }
tec
execute0_lowered:
.L_overlay_start_1:
0x0: {  	(tag) =	ssettag $0x1  }
0x1: {  	s6 =	rddreg [dreg:$0x0];
	s1 =	srdreg.scid  }
0x2: {  	s0 =	stileid.u32;
	s2 =	rddreg [dreg:$0x1]  }
0x3: {  	s3 =	simm.s32 $0x0;
	s11 =	simm.s32 $0x80;
	s12 =	simm.s32 $0x2800  }
0x4: {  	s13 =	simm.s32 $0x0;
	s4 =	sand.u32 $0x1, s1;
	s1 =	rddreg [dreg:$0x2]  }
0x5: {  	s5 =	sshll.u32 s0, $0x1;
	[smem:$0x7FF] =	sst s3;
	s9 =	smul.u32 $0x28000, s0  }
0x6: {  	s10 =	smul.u32 $0x1400, s0;
	s5 =	sor.u32 s4, s5;
	s7 =	ssub.s32 $0x2, s4  }
0x7: {  	_ =	strace $0x80000047;
	s5 =	smul.u32 $0x500, s5;
	s8 =	sshrl.u32 s7, $0x1  }
0x8: {  	p0 =	seq.s32 s4, $0x1;
	s7 =	ssub.s32 s7, s8;
	s8 =	simm.s32 $0x18000  }
0x9: {  	s9 =	sshrl.u32 s9, $0x2;
	s5 =	sadd.s32 s5, s6;
	s8 =	simm.s32 @!p0 $0x2C000  }
0xa: {  	s7 =	smax.u32 s7, $0x1;
	p0 =	sne.s32 s0, $0xF;
	s4 =	sadd.s32 $0x4000, s5  }
0xb: {  	s5 =	sadd.s32 s9, s2;
	s8 =	sadd.s32 s8, s6;
	s6 =	sadd.s32 $0xA0000, s2  }
0xc: {  	v0 =	vimm.f32 $1.000000000e+00;
	v1 =	vimm.f32 $0.0e+00;
	s9 =	simm.s32 $0x1;
	s8 =	sadd.s32 s8, s10;
	s10 =	simm.s32 $0x6800  }
.LBB2_1:
0xd: {  	s14 =	simm.s32 $0x0;
	s15 =	simm.s32 $0x200  }
.LBB2_2:
0xe: {  	p1 =	sne.s32 s15, $0xFE00;
	[tilespmem:s14+$0x2870] =	vst v0  }
0xf: {  	[tilespmem:s14+$0x2800] =	vst v0  }
0x10: {  	[tilespmem:s14+$0x2810] =	vst v0  }
.Ltmp0:
0x11: {  	[tilespmem:s14+$0x2820] =	vst v0;
	(pc) =	sbr.rel @p1 .LBB2_2-.Ltmp0, $4  }
0x12: {  	[tilespmem:s14+$0x2830] =	vst v0  }
0x13: {  	[tilespmem:s14+$0x2840] =	vst v0  }
0x14: {  	[tilespmem:s14+$0x2850] =	vst v0  }
0x15: {  	[tilespmem:s14+$0x2860] =	vst v0;
	s14 =	sshra.s32 s15, $0x2;
	s15 =	sadd.s32 $0x200, s15  }
0x16: {  	[tilespmem:s14+$0x2870] =	vst v0  }
0x17: {  	[tilespmem:s14+$0x2800] =	vst v0  }
0x18: {  	[tilespmem:s14+$0x2810] =	vst v0  }
0x19: {  	[tilespmem:s14+$0x2820] =	vst v0  }
0x1a: {  	[tilespmem:s14+$0x2830] =	vst v0  }
0x1b: {  	[tilespmem:s14+$0x2840] =	vst v0  }
0x1c: {  	[tilespmem:s14+$0x2850] =	vst v0  }
0x1d: {  	[tilespmem:s14+$0x2860] =	vst v0;
	s14 =	simm.s32 $0x0;
	s15 =	simm.s32 $0x200  }
.LBB2_4:
0x1e: {  	p1 =	sne.s32 s15, $0x27E00;
	[tilespmem:s14+$0x6870] =	vst v1  }
0x1f: {  	[tilespmem:s14+$0x6800] =	vst v1  }
0x20: {  	[tilespmem:s14+$0x6810] =	vst v1  }
.Ltmp1:
0x21: {  	[tilespmem:s14+$0x6820] =	vst v1;
	(pc) =	sbr.rel @p1 .LBB2_4-.Ltmp1, $4  }
0x22: {  	[tilespmem:s14+$0x6830] =	vst v1  }
0x23: {  	[tilespmem:s14+$0x6840] =	vst v1  }
0x24: {  	[tilespmem:s14+$0x6850] =	vst v1  }
0x25: {  	[tilespmem:s14+$0x6860] =	vst v1;
	s14 =	sshra.s32 s15, $0x2;
	s15 =	sadd.s32 $0x200, s15  }
0x26: {  	[tilespmem:s14+$0x6870] =	vst v1  }
0x27: {  	[tilespmem:s14+$0x6800] =	vst v1  }
0x28: {  	[tilespmem:s14+$0x6810] =	vst v1  }
0x29: {  	[tilespmem:s14+$0x6820] =	vst v1  }
0x2a: {  	[tilespmem:s14+$0x6830] =	vst v1  }
0x2b: {  	[tilespmem:s14+$0x6840] =	vst v1  }
0x2c: {  	[tilespmem:s14+$0x6850] =	vst v1  }
0x2d: {  	[tilespmem:s14+$0x6860] =	vst v1  }
0x2e: {  	[tilespmem:s3], [sflag:$0x1] =	stream.linear.gather [hbm4b:s4+s3], $0x2800, $0x38;
	[tilespmem:$0x1AC00] =	vst v63  }
0x2f: {  	_ =	swait.ge [sflag:s9], $0x2800  }
0x30: {  	[sflag:s9] =	ssyncset.done $0x0  }
0x31: {  	[sflag:s9] =	ssyncadd.s32 $0xFFFFD800  }
0x32: {  	[spmem:s5] =	stream.linear.scatter [tilespmem:s10], [sflag:$0x1], $0xA000, $0x38;
	[tilespmem:$0x1AC00] =	vst v63  }
0x33: {  	_ =	swait.ge [sflag:s9], $0xA000  }
0x34: {  	[sflag:s9] =	ssyncset.done $0x0  }
0x35: {  	s14 =	simm.s32 @!p0 $0x6800;
	[sflag:s9] =	ssyncadd.s32 $0xFFFF6000  }
0x36: {  	[spmem:s6] =	stream.linear.scatter @!p0 [tilespmem:s14], [sflag:$0x1], $0x4000, $0x38;
	[tilespmem:$0x1AC00] =	vst v63  }
0x37: {  	s14 =	simm.s32 @!p0 $0x1  }
0x38: {  	_ =	swait.ge @!p0 [sflag:s14], $0x4000  }
0x39: {  	[sflag:s14] =	ssyncset.done @!p0 $0x0  }
0x3a: {  	[sflag:s14] =	ssyncadd.s32 @!p0 $0xFFFFC000  }
0x3b: {  	s31 =	simm.s32 $0x0;
	[bflag:$0x0] =	sbarrier.arrive $0xFFFF  }
0x3c: {  	[spmem:s2] =	stream.indirect.scatter.add.f32 [tilespmem:s12], [sflag:$0x1], $0x80, s31, s11, $0xb8;
	[tilespmem:$0x1AC00] =	vst v63  }
0x3d: {  	_ =	swait.ge [sflag:s9], $0x4000  }
0x3e: {  	s14 =	simm.s32 $0x200;
	[sflag:s9] =	ssyncset.done $0x0  }
.LBB2_6:
0x3f: {  	s15 =	sshra.s32 s14, $0x2;
	[sflag:s9] =	ssyncadd.s32 $0xFFFFC000;
	p1 =	sne.s32 s14, $0x9E00  }
0x40: {  	[spmem:s2] =	stream.indirect.scatter.add.f32 [tilespmem:s12], [sflag:$0x1], $0x80, s15, s11, $0xb8;
	[tilespmem:$0x1AC00] =	vst v63  }
.Ltmp2:
0x41: {  	_ = 	snop;
	(pc) =	sbr.rel @p1 .LBB2_6-.Ltmp2, $4  }
0x42: {  	_ = 	snop  }
0x43: {  	s14 =	sadd.s32 $0x200, s14  }
0x44: {  	_ =	swait.ge [sflag:s9], $0x4000  }
0x45: {  	[sflag:s9] =	ssyncset.done $0x0  }
0x46: {  	[sflag:s9] =	ssyncadd.s32 $0xFFFFC000  }
0x47: {  	[bflag:$0x0] =	sbarrier.arrive $0xFFFF  }
0x48: {  	[tilespmem:s10], [sflag:$0x1] =	stream.linear.gather [spmem:s5], $0xA000, $0x38;
	[tilespmem:$0x1AC00] =	vst v63  }
0x49: {  	s13 =	sadd.s32 $0x1, s13;
	_ =	swait.ge [sflag:s9], $0xA000  }
0x4a: {  	p1 =	sne.s32 s13, s7;
	[sflag:s9] =	ssyncset.done $0x0  }
.Ltmp3:
0x4b: {  	[sflag:s9] =	ssyncadd.s32 $0xFFFF6000;
	(pc) =	sbr.rel @p1 .LBB2_1-.Ltmp3, $4  }
0x4c: {  	[hbm4b:s8+s3] =	stream.linear.scatter [tilespmem:s10], [sflag:$0x1], $0xA000, $0x38;
	[tilespmem:$0x1AC00] =	vst v63  }
0x4d: {  	_ =	swait.ge [sflag:s9], $0xA000  }
0x4e: {  	[sflag:s9] =	ssyncset.done $0x0  }
0x4f: {  	[sflag:s9] =	ssyncadd.s32 $0xFFFF6000  }
0x50: {  	_ =	sfence.sel $0x180000  }
0x51: {  	[bflag:$0x0] =	sbarrier.arrive $0xFFFF  }
0x52: {  	p0 =	sne.s32 s0, $0x0;
	_ =	strace $0x90000047  }
0x53: {  	s0 =	sadd.s32 @!p0 $0x100000, s1;
	[bflag:$0x2] =	sbarrier.arrive $0xFFFF  }
0x54: {  	[sflag:s0] =	ssyncadd.tile.s32 @!p0 $0x1;
	_ =	shalt  }
.Lfunc_end2:
_tile_overlayer_lowered:
.L_overlay_start_2:
0x55: {  	(tag) =	ssettag $0x2  }
0x56: {  	s0 =	rddreg [dreg:$0x0];
	s2 =	stileid.u32  }
0x57: {  	s1 =	rddreg [dreg:$0x1];
	p0 =	sne.s32 s2, $0x0  }
0x58: {  	s3 =	rddreg [dreg:$0x2];
	[bflag:$0x3] =	sbarrier.arrive $0xFFFF;
	s2 =	simm.s32 @!p0 $0x1C01  }
0x59: {  	[timem:s3], [sflag:s2] =	dma.local @!p0 [hbm:s0], s1  }
0x5a: {  	s0 =	simm.s32 @!p0 $0x1  }
0x5b: {  	_ =	swait.ge @!p0 [sflag:s0], s1  }
0x5c: {  	s1 =	ssub.s32 @!p0 $0x0, s1;
	[sflag:s0] =	ssyncset.done @!p0 $0x0  }
0x5d: {  	[sflag:s0] =	ssyncadd.s32 @!p0 s1  }
0x5e: {  	[bflag:$0x3] =	sbarrier.arrive $0xFFFF  }
0x5f: {  	_ =	shalt  }

// kernel: kernel.7.cloned.1.call-start
scs
__scs_entry_jumppad:
0x0: {  	(pc) =	sbr.rel $0x88, $3  }
0x1: {  	(tag) =	ssettag $0x0;
	lr =	simm.s32 $0x1  }
0x2: {  	[smem:$0x3F9B] =	sst lr;
	_ =	strace $0xD0000000  }
0x3: {  	_ = 	snop  }
0x4: {  	_ = 	snop  }
0x5: {  	_ = 	snop  }
0x6: {  	_ = 	snop  }
0x7: {  	_ = 	snop  }
__scs_overlays_trampoline_lowered:
0x8: {  	[smem:$0x3FAA] =	sst s0  }
0x9: {  	[smem:$0x3FAB] =	sst s1  }
0xa: {  	[smem:$0x3FAC] =	sst s2  }
0xb: {  	[smem:$0x3FAD] =	sst s3  }
0xc: {  	[smem:$0x3FAE] =	sst s4  }
0xd: {  	[smem:$0x3FAF] =	sst s5  }
0xe: {  	[smem:$0x3FB0] =	sst s6  }
0xf: {  	[smem:$0x3FB1] =	sst s7  }
0x10: {  	[smem:$0x3FB2] =	sst s8  }
0x11: {  	[smem:$0x3FB3] =	sst s9;
	s0 =	simm.s32 @!p0 $0x0  }
0x12: {  	s1 =	sld [smem:$0x3F99];
	s0 =	simm.s32 @p0 $0x1  }
0x13: {  	[smem:$0x3FB4] =	sst s0;
	s0 =	simm.s32 @!p1 $0x0  }
0x14: {  	s2 =	sld [smem:$0x3F98];
	s0 =	simm.s32 @p1 $0x1  }
0x15: {  	[smem:$0x3FB5] =	sst s0;
	s0 =	simm.s32 @!p2 $0x0  }
0x16: {  	s3 =	sld [smem:$0x3FDB];
	s0 =	simm.s32 @p2 $0x1  }
0x17: {  	s4 =	simm.s32 $0x1BF5;
	[smem:$0x3FB7] =	sst s0  }
0x18: {  	s0 =	sld [smem:$0x3F9A];
	_ =	swait.ge [sflag:s4], $0x0  }
0x19: {  	s7 =	sld [smem:$0x3F9B]  }
0x1a: {  	s8 =	sadd.s32 $0xFFFFE003, lr  }
0x1b: {  	s9 =	sadd.s32 $0xFFFFFEF7, lr;
	s5 =	simm.s32 $0xFFFFFFFF;
	p2 =	slt.u32 s8, $0xFFFFF086  }
0x1c: {  	p1 =	slt.u32 s9, $0xF7A;
	s5 =	simm.s32 @!p2 $0x0  }
0x1d: {  	s5 =	simm.s32 @p1 $0x1;
	p0 =	seq.s32 s7, s2  }
0x1e: {  	s7 =	smul.u32 @!p0 $0xF7A, s2;
	p2 =	seq.s32 @!p0 s5, $0x0  }
0x1f: {  	s9 =	smul.u32 $0xF7A, s1;
	s8 =	simm.s32 @!p0 $0x1BF5;
	p2 =	por !p2, p0  }
0x20: {  	[sflag:s8] =	ssyncset.s32 @!p0 $0xFFFFF086;
	s6 =	sadd.s32 @!p0 s3, s7;
	s7 =	simm.s32 @!p0 $0x108  }
0x21: {  	s3 =	sadd.s32 s3, s9;
	s6 =	sadd.s32 @!p0 $0x88, s6;
	s7 =	simm.s32 @p2 $0x1082  }
0x22: {  	[simem:s7], [sflag:s8] =	dma.local @!p0 [hbm:s6], $0xF7A  }
0x23: {  	s9 =	sor.u32 $0xD0000000, s2;
	s6 =	simm.s32 $0x108;
	_ =	swait.ge @!p0 [sflag:s8], $0x0  }
0x24: {  	s3 =	sadd.s32 $0x88, s3;
	s6 =	simm.s32 @!p1 $0x1082;
	[sflag:s4] =	ssyncset.s32 $0xFFFFF086  }
0x25: {  	[simem:s6], [sflag:s4] =	dma.local [hbm:s3], $0xF7A  }
0x26: {  	[smem:$0x3F9B] =	sst s1;
	(tag) =	ssettag s2;
	_ =	strace s9  }
0x27: {  	s1 =	sld [smem:$0x3FAB]  }
0x28: {  	s2 =	sld [smem:$0x3FAC]  }
0x29: {  	s4 =	sld [smem:$0x3FAE]  }
0x2a: {  	p0 =	seq.s32 s5, $0x0;
	s5 =	sld [smem:$0x3FAF]  }
0x2b: {  	s6 =	sld [smem:$0x3FB0]  }
0x2c: {  	s7 =	sld [smem:$0x3FB1]  }
0x2d: {  	s3 =	simm.s32 $0x108;
	s8 =	sld [smem:$0x3FB2]  }
0x2e: {  	s3 =	simm.s32 @!p0 $0x1082;
	s9 =	sld [smem:$0x3FB3]  }
0x2f: {  	lr =	sadd.s32 s0, s3;
	s0 =	sld [smem:$0x3FAA]  }
0x30: {  	s3 =	sld [smem:$0x3FAD]  }
0x31: {  	[smem:$0x3FB6] =	sst s10  }
0x32: {  	s10 =	sld [smem:$0x3FB4];
	_ =	sdelay $0x3  }
0x33: {  	p0 =	seq.s32 s10, $0x1;
	s10 =	sld [smem:$0x3FB6];
	_ =	sdelay $0x3  }
0x34: {  	[smem:$0x3FB6] =	sst s10  }
0x35: {  	s10 =	sld [smem:$0x3FB5];
	_ =	sdelay $0x3  }
0x36: {  	p1 =	seq.s32 s10, $0x1;
	s10 =	sld [smem:$0x3FB6];
	_ =	sdelay $0x3  }
0x37: {  	[smem:$0x3FB6] =	sst s10  }
0x38: {  	s10 =	sld [smem:$0x3FB7]  }
0x39: {  	_ = 	snop;
	(pc) =	sbr.ind lr, $3  }
0x3a: {  	_ = 	snop  }
0x3b: {  	_ = 	snop  }
0x3c: {  	p2 =	seq.s32 s10, $0x1;
	s10 =	sld [smem:$0x3FB6]  }
0x3d: {  	_ =	shalt  }
0x3e: {  	_ =	shalt  }
0x3f: {  	_ =	shalt  }
0x40: {  	_ =	shalt  }
0x41: {  	_ =	shalt  }
0x42: {  	_ =	shalt  }
0x43: {  	_ =	shalt  }
0x44: {  	_ =	shalt  }
0x45: {  	_ =	shalt  }
0x46: {  	_ =	shalt  }
0x47: {  	_ =	shalt  }
0x48: {  	_ =	shalt  }
0x49: {  	_ =	shalt  }
0x4a: {  	_ =	shalt  }
0x4b: {  	_ =	shalt  }
0x4c: {  	_ =	shalt  }
0x4d: {  	_ =	shalt  }
0x4e: {  	_ =	shalt  }
0x4f: {  	_ =	shalt  }
0x50: {  	_ =	shalt  }
0x51: {  	_ =	shalt  }
0x52: {  	_ =	shalt  }
0x53: {  	_ =	shalt  }
0x54: {  	_ =	shalt  }
0x55: {  	_ =	shalt  }
0x56: {  	_ =	shalt  }
0x57: {  	_ =	shalt  }
0x58: {  	_ =	shalt  }
0x59: {  	_ =	shalt  }
0x5a: {  	_ =	shalt  }
0x5b: {  	_ =	shalt  }
0x5c: {  	_ =	shalt  }
0x5d: {  	_ =	shalt  }
0x5e: {  	_ =	shalt  }
0x5f: {  	_ =	shalt  }
0x60: {  	_ =	shalt  }
0x61: {  	_ =	shalt  }
0x62: {  	_ =	shalt  }
0x63: {  	_ =	shalt  }
0x64: {  	_ =	shalt  }
0x65: {  	_ =	shalt  }
0x66: {  	_ =	shalt  }
0x67: {  	_ =	shalt  }
0x68: {  	_ =	shalt  }
0x69: {  	_ =	shalt  }
0x6a: {  	_ =	shalt  }
0x6b: {  	_ =	shalt  }
0x6c: {  	_ =	shalt  }
0x6d: {  	_ =	shalt  }
0x6e: {  	_ =	shalt  }
0x6f: {  	_ =	shalt  }
0x70: {  	_ =	shalt  }
0x71: {  	_ =	shalt  }
0x72: {  	_ =	shalt  }
0x73: {  	_ =	shalt  }
0x74: {  	_ =	shalt  }
0x75: {  	_ =	shalt  }
0x76: {  	_ =	shalt  }
0x77: {  	_ =	shalt  }
0x78: {  	_ =	shalt  }
0x79: {  	_ =	shalt  }
0x7a: {  	_ =	shalt  }
0x7b: {  	_ =	shalt  }
0x7c: {  	_ =	shalt  }
0x7d: {  	_ =	shalt  }
0x7e: {  	_ =	shalt  }
0x7f: {  	_ =	shalt  }
0x80: {  	_ =	shalt  }
0x81: {  	_ =	shalt  }
0x82: {  	_ =	shalt  }
0x83: {  	_ =	shalt  }
0x84: {  	_ =	shalt  }
0x85: {  	_ =	shalt  }
0x86: {  	_ =	shalt  }
0x87: {  	_ =	shalt  }
.Lfunc_end0:
.L_simem_size_0:
called_computation.3_lowered:
.L_overlay_start_0:
0x88: {  	s2 =	sld [smem:$0x3FD9]  }
0x89: {  	s3 =	sld [smem:$0x3FFE];
	_ =	sdelay $0x1  }
0x8a: {  	s1 =	srdreg.scid  }
0x8b: {  	s0 =	sand.u32 $0x1, s1  }
0x8c: {  	s17 =	sshll.u32 s0, $0xA;
	s2 =	sadd.s32 s3, s2  }
0x8d: {  	s2 =	sadd.s32 s2, s17  }
0x8e: {  	[smem:$0x3FC2] =	sst s2  }
0x8f: {  	_ = 	snop  }
0x90: {  	s18 =	sld [smem:$0x3FD0];
	(tm) =	ssettm $0x1  }
0x91: {  	s19 =	sld [smem:$0x3FFB];
	_ =	sdelay $0x3  }
0x92: {  	_ =	strace s19  }
0x93: {  	s2 =	sld [smem:$0x3FFC];
	_ =	sdelay $0x3  }
0x94: {  	_ =	strace s2  }
0x95: {  	s2 =	sld [smem:$0x3FFD];
	_ =	sdelay $0x3  }
0x96: {  	_ =	strace s2  }
0x97: {  	_ =	strace $0x8FFFFFFF  }
0x98: {  	s20 =	sld [smem:$0x3FDB];
	_ =	sdelay $0x1  }
0x99: {  	s4 =	simm.s32 $_scs_section_size  }
0x9a: {  	s5 =	simm.s32 $_size__tile_overlayer_lowered;
	s6 =	simm.s32 $_tile_overlayer_lowered  }
0x9b: {  	s7 =	simm.s32 $0x1BFF;
	s21 =	sshll.u32 s6, $0x1;
	s4 =	sadd.s32 s4, s20  }
0x9c: {  	s22 =	simm.s32 $0x0;
	s5 =	sshll.u32 s5, $0x1;
	s6 =	sadd.s32 s21, s4  }
0x9d: {  	[timem:s22], [sflag:s7] =	dma.local [hbm:s6], s5  }
0x9e: {  	_ =	swait.ge [sflag:s7], s5  }
0x9f: {  	s5 =	ssub.s32 $0x0, s5;
	[sflag:s7] =	ssyncset.done $0x0  }
0xa0: {  	[sflag:s7] =	ssyncadd.s32 s5;
	_ =	sdelay $0x1  }
0xa1: {  	s23 =	simm.s32 $0x1B8B  }
0xa2: {  	_ =	swait.ge [sflag:s23], $0x1  }
0xa3: {  	[sflag:s23] =	ssyncset.done $0x0  }
0xa4: {  	[sflag:s23] =	ssyncadd.s32 $0xFFFFFFFF  }
0xa5: {  	s5 =	sld [smem:$0x0]  }
0xa6: {  	s6 =	sand.u32 $0xFFFFFFFE, s1  }
0xa7: {  	p0 =	sne.s32 s1, s6  }
0xa8: {  	s6 =	sshll.u32 @p0 s6, $0xE  }
0xa9: {  	s6 =	sadd.s32 @p0 $0x11B8D, s6;
	s7 =	sshll.u32 @p0 s5, $0x11  }
0xaa: {  	s6 =	sor.u32 @p0 s7, s6  }
0xab: {  	[sflag:s6] =	ssyncadd.remote.s32 @p0 $0x1;
	_ =	sdelay $0x1  }
0xac: {  	s6 =	simm.s32 @p0 $0x1B8D  }
0xad: {  	_ =	swait.eq @p0 [sflag:s6], $0x1  }
0xae: {  	[sflag:s6] =	ssyncadd.s32 @p0 $0xFFFFFFFF  }
0xaf: {  	s7 =	sshll.u32 @!p0 s1, $0xE  }
0xb0: {  	s7 =	sor.u32 @!p0 $0x4000, s7;
	s6 =	simm.s32 @!p0 $0x1B8D  }
0xb1: {  	s5 =	sshll.u32 @!p0 s5, $0x11;
	s7 =	sadd.s32 @!p0 $0x11B8D, s7;
	_ =	swait.eq @!p0 [sflag:s6], $0x1  }
0xb2: {  	s5 =	sor.u32 @!p0 s5, s7;
	[sflag:s6] =	ssyncadd.s32 @!p0 $0xFFFFFFFF  }
0xb3: {  	s25 =	simm.s32 $0x1B8E;
	s24 =	sld [smem:$0x3FFE];
	[sflag:s5] =	ssyncadd.remote.s32 @!p0 $0x1  }
0xb4: {  	s26 =	simm.s32 $execute0_lowered;
	[smem:$0x3FD2] =	sst s25  }
0xb5: {  	s6 =	sshll.u32 s26, $0x1;
	_ =	strace $0x80000049;
	[dreg:$0x1] =	wrdreg $0xFFFFFFFF  }
0xb6: {  	s28 =	simm.s32 $_size_execute0_lowered;
	s4 =	sadd.s32 s4, s6;
	[dreg:$0x0] =	wrdreg $0x0  }
0xb7: {  	s6 =	sshll.u32 s28, $0x1;
	[dreg:$0x2] =	wrdreg s4  }
0xb8: {  	[dreg:$0x3] =	wrdreg s6  }
0xb9: {  	[dreg:$0x4] =	wrdreg $0xC0  }
0xba: {  	_ =	task [dreg:s22], $0x5FFFF  }
0xbb: {  	[dreg:$0x1] =	wrdreg $0xFFFFFFFF  }
0xbc: {  	[dreg:$0x0] =	wrdreg $0x60  }
0xbd: {  	[dreg:$0x2] =	wrdreg s24  }
0xbe: {  	[dreg:$0x3] =	wrdreg s18  }
0xbf: {  	[dreg:$0x4] =	wrdreg $0x108000  }
0xc0: {  	[dreg:$0x5] =	wrdreg $0xA  }
0xc1: {  	_ =	task.clear_ibuf [dreg:s22], $0x6FFFF;
	_ =	strace $0x90000049  }
0xc2: {  	s29 =	simm.s32 $0xA;
	_ =	strace $0x8000004B  }
0xc3: {  	_ =	swait.ge [sflag:s29], $0x1  }
0xc4: {  	[sflag:s29] =	ssyncadd.s32 $0xFFFFFFFF  }
0xc5: {  	_ =	strace $0x9000004B  }
0xc6: {  	_ =	sfence  }
0xc7: {  	s30 =	sld [smem:$0x0];
	_ =	sdelay $0x2  }
0xc8: {  	s31 =	sshll.u32 s1, $0xD;
	s1 =	sshrl.u32 s1, $0x2  }
0xc9: {  	s4 =	sand.u32 $0x4000, s31;
	s1 =	sadd.s32 s1, s30  }
0xca: {  	s0 =	sor.u32 s4, s0;
	s1 =	sshll.u32 s1, $0x11  }
0xcb: {  	s0 =	sor.u32 s1, s0  }
0xcc: {  	s0 =	sadd.s32 $0x8F2B, s0  }
0xcd: {  	[sflag:s0] =	ssyncadd.remote.s32 $0x1  }
0xce: {  	_ =	sfence.sel $0xFFFF  }
0xcf: {  	[dreg:$0x0] =	wrdreg $0xFFFFFFFF;
	(pc) =	sbr.abs _section_cstart, $3  }
0xd0: {  	[dreg:$0x1] =	wrdreg $0xFFFFFFFF  }
0xd1: {  	_ =	task.clear_ibuf [dreg:s22], $0x2FFFF;
	_ =	strace $0x9FFFFFFF  }
0xd2: {  	(tm) =	ssettm $0x7FFFFFFF  }
0xd3: {  	_ =	shalt  }
tec
execute0_lowered:
.L_overlay_start_1:
0x0: {  	(tag) =	ssettag $0x1  }
0x1: {  	s4 =	rddreg [dreg:$0x0]  }
0x2: {  	s8 =	rddreg [dreg:$0x1]  }
0x3: {  	s1 =	srdreg.scid;
	s0 =	stileid.u32  }
0x4: {  	s2 =	rddreg [dreg:$0x2];
	s3 =	simm.s32 $0x0;
	s12 =	simm.s32 $0x2800  }
0x5: {  	s13 =	simm.s32 $0x0;
	s5 =	sand.u32 $0x1, s1;
	s1 =	rddreg [dreg:$0x3]  }
0x6: {  	s6 =	sshll.u32 s0, $0x1;
	[smem:$0x7FF] =	sst s3;
	s10 =	smul.u32 $0x28000, s0  }
0x7: {  	s11 =	sadd.s32 $0x40000, s4;
	s31 =	smul.u32 $0x1400, s0;
	s6 =	sor.u32 s5, s6  }
0x8: {  	s7 =	ssub.s32 $0x2, s5;
	_ =	strace $0x8000004A;
	p0 =	seq.s32 s5, $0x1  }
0x9: {  	s6 =	smul.u32 $0x500, s6;
	s9 =	sshrl.u32 s7, $0x1;
	s30 =	sshrl.u32 s10, $0x2  }
0xa: {  	s8 =	smov.u32 @p0 s11;
	p0 =	sne.s32 s0, $0xF;
	s10 =	simm.s32 $0x6800  }
0xb: {  	s11 =	simm.s32 $0x80;
	s7 =	ssub.s32 s7, s9;
	s5 =	sadd.s32 s30, s2  }
0xc: {  	s8 =	sadd.s32 s8, s31;
	s9 =	simm.s32 $0x1;
	s6 =	sadd.s32 s6, s4  }
0xd: {  	v0 =	vimm.f32 $1.000000000e+00;
	v1 =	vimm.f32 $0.0e+00;
	s7 =	smax.u32 s7, $0x1;
	s4 =	sadd.s32 $0xE000, s6;
	s6 =	sadd.s32 $0xA0000, s2  }
.LBB2_1:
0xe: {  	s14 =	simm.s32 $0x0;
	s15 =	simm.s32 $0x200  }
.LBB2_2:
0xf: {  	p1 =	sne.s32 s15, $0xFE00;
	[tilespmem:s14+$0x2870] =	vst v0  }
0x10: {  	[tilespmem:s14+$0x2800] =	vst v0  }
0x11: {  	[tilespmem:s14+$0x2810] =	vst v0  }
.Ltmp0:
0x12: {  	[tilespmem:s14+$0x2820] =	vst v0;
	(pc) =	sbr.rel @p1 .LBB2_2-.Ltmp0, $4  }
0x13: {  	[tilespmem:s14+$0x2830] =	vst v0  }
0x14: {  	[tilespmem:s14+$0x2840] =	vst v0  }
0x15: {  	[tilespmem:s14+$0x2850] =	vst v0  }
0x16: {  	[tilespmem:s14+$0x2860] =	vst v0;
	s14 =	sshra.s32 s15, $0x2;
	s15 =	sadd.s32 $0x200, s15  }
0x17: {  	[tilespmem:s14+$0x2870] =	vst v0  }
0x18: {  	[tilespmem:s14+$0x2800] =	vst v0  }
0x19: {  	[tilespmem:s14+$0x2810] =	vst v0  }
0x1a: {  	[tilespmem:s14+$0x2820] =	vst v0  }
0x1b: {  	[tilespmem:s14+$0x2830] =	vst v0  }
0x1c: {  	[tilespmem:s14+$0x2840] =	vst v0  }
0x1d: {  	[tilespmem:s14+$0x2850] =	vst v0  }
0x1e: {  	[tilespmem:s14+$0x2860] =	vst v0;
	s14 =	simm.s32 $0x0;
	s15 =	simm.s32 $0x200  }
.LBB2_4:
0x1f: {  	p1 =	sne.s32 s15, $0x27E00;
	[tilespmem:s14+$0x6870] =	vst v1  }
0x20: {  	[tilespmem:s14+$0x6800] =	vst v1  }
0x21: {  	[tilespmem:s14+$0x6810] =	vst v1  }
.Ltmp1:
0x22: {  	[tilespmem:s14+$0x6820] =	vst v1;
	(pc) =	sbr.rel @p1 .LBB2_4-.Ltmp1, $4  }
0x23: {  	[tilespmem:s14+$0x6830] =	vst v1  }
0x24: {  	[tilespmem:s14+$0x6840] =	vst v1  }
0x25: {  	[tilespmem:s14+$0x6850] =	vst v1  }
0x26: {  	[tilespmem:s14+$0x6860] =	vst v1;
	s14 =	sshra.s32 s15, $0x2;
	s15 =	sadd.s32 $0x200, s15  }
0x27: {  	[tilespmem:s14+$0x6870] =	vst v1  }
0x28: {  	[tilespmem:s14+$0x6800] =	vst v1  }
0x29: {  	[tilespmem:s14+$0x6810] =	vst v1  }
0x2a: {  	[tilespmem:s14+$0x6820] =	vst v1  }
0x2b: {  	[tilespmem:s14+$0x6830] =	vst v1  }
0x2c: {  	[tilespmem:s14+$0x6840] =	vst v1  }
0x2d: {  	[tilespmem:s14+$0x6850] =	vst v1  }
0x2e: {  	[tilespmem:s14+$0x6860] =	vst v1  }
0x2f: {  	[tilespmem:s3], [sflag:$0x1] =	stream.linear.gather [hbm4b:s4+s3], $0x2800, $0x38;
	[tilespmem:$0x1AC00] =	vst v63  }
0x30: {  	_ =	swait.ge [sflag:s9], $0x2800  }
0x31: {  	[sflag:s9] =	ssyncset.done $0x0  }
0x32: {  	[sflag:s9] =	ssyncadd.s32 $0xFFFFD800  }
0x33: {  	[spmem:s5] =	stream.linear.scatter [tilespmem:s10], [sflag:$0x1], $0xA000, $0x38;
	[tilespmem:$0x1AC00] =	vst v63  }
0x34: {  	_ =	swait.ge [sflag:s9], $0xA000  }
0x35: {  	[sflag:s9] =	ssyncset.done $0x0  }
0x36: {  	s14 =	simm.s32 @!p0 $0x6800;
	[sflag:s9] =	ssyncadd.s32 $0xFFFF6000  }
0x37: {  	[spmem:s6] =	stream.linear.scatter @!p0 [tilespmem:s14], [sflag:$0x1], $0x4000, $0x38;
	[tilespmem:$0x1AC00] =	vst v63  }
0x38: {  	s14 =	simm.s32 @!p0 $0x1  }
0x39: {  	_ =	swait.ge @!p0 [sflag:s14], $0x4000  }
0x3a: {  	[sflag:s14] =	ssyncset.done @!p0 $0x0  }
0x3b: {  	[sflag:s14] =	ssyncadd.s32 @!p0 $0xFFFFC000  }
0x3c: {  	s31 =	simm.s32 $0x0;
	[bflag:$0x0] =	sbarrier.arrive $0xFFFF  }
0x3d: {  	[spmem:s2] =	stream.indirect.scatter.add.f32 [tilespmem:s12], [sflag:$0x1], $0x80, s31, s11, $0xb8;
	[tilespmem:$0x1AC00] =	vst v63  }
0x3e: {  	_ =	swait.ge [sflag:s9], $0x4000  }
0x3f: {  	s14 =	simm.s32 $0x200;
	[sflag:s9] =	ssyncset.done $0x0  }
.LBB2_6:
0x40: {  	s15 =	sshra.s32 s14, $0x2;
	[sflag:s9] =	ssyncadd.s32 $0xFFFFC000;
	p1 =	sne.s32 s14, $0x9E00  }
0x41: {  	[spmem:s2] =	stream.indirect.scatter.add.f32 [tilespmem:s12], [sflag:$0x1], $0x80, s15, s11, $0xb8;
	[tilespmem:$0x1AC00] =	vst v63  }
.Ltmp2:
0x42: {  	_ = 	snop;
	(pc) =	sbr.rel @p1 .LBB2_6-.Ltmp2, $4  }
0x43: {  	_ = 	snop  }
0x44: {  	s14 =	sadd.s32 $0x200, s14  }
0x45: {  	_ =	swait.ge [sflag:s9], $0x4000  }
0x46: {  	[sflag:s9] =	ssyncset.done $0x0  }
0x47: {  	[sflag:s9] =	ssyncadd.s32 $0xFFFFC000  }
0x48: {  	[bflag:$0x0] =	sbarrier.arrive $0xFFFF  }
0x49: {  	[tilespmem:s10], [sflag:$0x1] =	stream.linear.gather [spmem:s5], $0xA000, $0x38;
	[tilespmem:$0x1AC00] =	vst v63  }
0x4a: {  	s13 =	sadd.s32 $0x1, s13;
	_ =	swait.ge [sflag:s9], $0xA000  }
0x4b: {  	p1 =	sne.s32 s13, s7;
	[sflag:s9] =	ssyncset.done $0x0  }
.Ltmp3:
0x4c: {  	[sflag:s9] =	ssyncadd.s32 $0xFFFF6000;
	(pc) =	sbr.rel @p1 .LBB2_1-.Ltmp3, $4  }
0x4d: {  	[hbm4b:s8+s3] =	stream.linear.scatter [tilespmem:s10], [sflag:$0x1], $0xA000, $0x38;
	[tilespmem:$0x1AC00] =	vst v63  }
0x4e: {  	_ =	swait.ge [sflag:s9], $0xA000  }
0x4f: {  	[sflag:s9] =	ssyncset.done $0x0  }
0x50: {  	[sflag:s9] =	ssyncadd.s32 $0xFFFF6000  }
0x51: {  	_ =	sfence.sel $0x180000  }
0x52: {  	[bflag:$0x0] =	sbarrier.arrive $0xFFFF  }
0x53: {  	p0 =	sne.s32 s0, $0x0;
	_ =	strace $0x9000004A  }
0x54: {  	s0 =	sadd.s32 @!p0 $0x100000, s1;
	[bflag:$0x2] =	sbarrier.arrive $0xFFFF  }
0x55: {  	[sflag:s0] =	ssyncadd.tile.s32 @!p0 $0x1;
	_ =	shalt  }
.Lfunc_end2:
_tile_overlayer_lowered:
.L_overlay_start_2:
0x56: {  	(tag) =	ssettag $0x2  }
0x57: {  	s0 =	rddreg [dreg:$0x0];
	s2 =	stileid.u32  }
0x58: {  	s1 =	rddreg [dreg:$0x1];
	p0 =	sne.s32 s2, $0x0  }
0x59: {  	s3 =	rddreg [dreg:$0x2];
	[bflag:$0x3] =	sbarrier.arrive $0xFFFF;
	s2 =	simm.s32 @!p0 $0x1C01  }
0x5a: {  	[timem:s3], [sflag:s2] =	dma.local @!p0 [hbm:s0], s1  }
0x5b: {  	s0 =	simm.s32 @!p0 $0x1  }
0x5c: {  	_ =	swait.ge @!p0 [sflag:s0], s1  }
0x5d: {  	s1 =	ssub.s32 @!p0 $0x0, s1;
	[sflag:s0] =	ssyncset.done @!p0 $0x0  }
0x5e: {  	[sflag:s0] =	ssyncadd.s32 @!p0 s1  }
0x5f: {  	[bflag:$0x3] =	sbarrier.arrive $0xFFFF  }
0x60: {  	_ =	shalt  }

</sc_bundles>
